<compile_context>
chip_gen: v7x
topology: tpu7x:2x2x1
jax: 0.10.2.dev20260603
libtpu: 0.0.44.dev20260713+nightly
codegen_flags: <defaults>
</compile_context>

<pallas_src>
import jax
import jax.numpy as jnp
from jax import lax
from jax.experimental import pallas as pl
from jax.experimental.pallas import tpu as pltpu
from jax.experimental.pallas import tpu_sc as plsc

_TEST = 0.0

_N = 32768
_D = 256
_NC = 2
_NS = 16
_NW = _NC * _NS
_RPW = _N // _NW
_CH = 32
_NBUF = 4
_GROUPS = _RPW // (_CH * _NBUF)
_LOOK = 2
_UNROLL = 4


def _fix_one_row(c_v, d_v, r, lane0):
    tc = c_v[r, pl.ds(0, 16)]
    td = d_v[r, pl.ds(0, 16)]
    lo = tc - td
    hi = tc + td
    left = lo <= _TEST
    right = hi > _TEST
    l_hi = jnp.minimum(hi, _TEST)
    l_c = (lo + l_hi) * 0.5
    l_d = (l_hi - lo) * 0.5
    r_lo = jnp.maximum(lo, _TEST)
    r_c = (r_lo + hi) * 0.5
    r_d = (hi - r_lo) * 0.5
    lo_l = l_c - l_d
    hi_l = l_c + l_d
    lo_r = r_c - r_d
    hi_r = r_c + r_d
    both = left & right
    new_lo = jnp.where(both, jnp.minimum(lo_l, lo_r),
                       jnp.where(left, lo_l, lo_r))
    new_hi = jnp.where(both, jnp.maximum(hi_l, hi_r),
                       jnp.where(left, hi_l, hi_r))
    c_v[r, pl.ds(0, 16)] = jnp.where(lane0, (new_lo + new_hi) * 0.5, tc)
    d_v[r, pl.ds(0, 16)] = jnp.where(lane0, (new_hi - new_lo) * 0.5, td)


def _fix_rows(c_v, d_v):
    lane0 = lax.iota(jnp.int32, 16) == 0

    def block(i, _):
        for u in range(_UNROLL):
            _fix_one_row(c_v, d_v, i * _UNROLL + u, lane0)
        return 0

    lax.fori_loop(0, _CH // _UNROLL, block, 0)


def _sc_body(c_hbm, d_hbm, out_hbm, bufs, insems, outsems):
    wid = lax.axis_index("s") * _NC + lax.axis_index("c")
    base = wid * _RPW

    def in_start(chunk, b):
        rows = pl.ds(base + chunk * _CH, _CH)
        c_v, d_v = bufs[b]
        pltpu.async_copy(c_hbm.at[rows, :], c_v, insems[b])
        pltpu.async_copy(d_hbm.at[rows, :], d_v, insems[b])

    def in_wait(chunk, b):
        rows = pl.ds(base + chunk * _CH, _CH)
        c_v, d_v = bufs[b]
        pltpu.make_async_copy(c_hbm.at[rows, :], c_v, insems[b]).wait()
        pltpu.make_async_copy(d_hbm.at[rows, :], d_v, insems[b]).wait()

    def out_start(chunk, b):
        rows = pl.ds(base + chunk * _CH, _CH)
        c_v, d_v = bufs[b]
        pltpu.async_copy(c_v, out_hbm.at[0, rows, :], outsems[b])
        pltpu.async_copy(d_v, out_hbm.at[1, rows, :], outsems[b])

    def out_wait(chunk, b):
        rows = pl.ds(base + chunk * _CH, _CH)
        c_v, d_v = bufs[b]
        pltpu.make_async_copy(c_v, out_hbm.at[0, rows, :], outsems[b]).wait()
        pltpu.make_async_copy(d_v, out_hbm.at[1, rows, :], outsems[b]).wait()

    chunks = _RPW // _CH
    for j in range(_LOOK):
        in_start(j, j)

    def group(g, _):
        for b in range(_NBUF):
            k = g * _NBUF + b
            in_wait(k, b)
            c_v, d_v = bufs[b]
            _fix_rows(c_v, d_v)
            out_start(k, b)
            wb = (b - _LOOK) % _NBUF

            @pl.when(k - _LOOK >= 0)
            def _():
                out_wait(k - _LOOK, wb)
            nb = (b + _LOOK) % _NBUF

            @pl.when(k + _LOOK < chunks)
            def _():
                in_start(k + _LOOK, nb)
        return 0

    lax.fori_loop(0, _GROUPS, group, 0)

    for k in range(chunks - _LOOK, chunks):
        out_wait(k, k % _NBUF)


def kernel(c, delta):
    mesh = plsc.VectorSubcoreMesh(core_axis_name="c", subcore_axis_name="s")
    bufs = [
        (pltpu.VMEM((_CH, _D), jnp.float32), pltpu.VMEM((_CH, _D), jnp.float32))
        for _ in range(_NBUF)
    ]
    f = pl.kernel(
        _sc_body,
        out_type=jax.ShapeDtypeStruct((2, _N, _D), jnp.float32),
        mesh=mesh,
        scratch_types=[
            bufs,
            [pltpu.SemaphoreType.DMA for _ in range(_NBUF)],
            [pltpu.SemaphoreType.DMA for _ in range(_NBUF)],
        ],
    )
    return f(c, delta)

# --- scband reference (transcript-rebuilt; emitter-appended) ---
"""Pipeline reference for scband-if-else-47347719471402 (READ-ONLY COPY).

The authoritative reference and input builder live on the scoring server;
editing this copy changes nothing except your own understanding.
"""

import jax, jax.numpy as jnp
import numpy as np

TARGET_IDX = 0
TEST = 0.0

def setup_inputs(seed: int = 0) -> dict:
    key = jax.random.key(seed)
    k1, k2 = jax.random.split(key)
    c = jax.random.normal(k1, (32768, 256), dtype=jnp.float32)
    delta = jax.random.uniform(k2, (32768, 256), dtype=jnp.float32)
    return {"c": c, "delta": delta}

def reference(c, delta):
    # Faithful vectorized translation of IfElse.forward with identity body/orelse
    # and f_test = identity. The torch code splits the batch of boxes into a
    # 'left' branch (interval clipped to <= test on target dim) and a 'right'
    # branch (clipped to > test), runs body/orelse, then sound_join merges the
    # two branch tables back by original index, taking the interval union for
    # boxes that straddle the test value.
    ti = TARGET_IDX
    test = jnp.float32(TEST)
    tc = c[:, ti]
    td = delta[:, ti]
    lo = tc - td
    hi = tc + td
    left = lo <= test          # box enters the body branch
    right = hi > test          # box enters the orelse branch
    # left-clipped interval: [lo, min(hi, test)]
    l_hi = jnp.minimum(hi, test)
    l_c = (lo + l_hi) * 0.5
    l_d = (l_hi - lo) * 0.5
    # right-clipped interval: [max(lo, test), hi]
    r_lo = jnp.maximum(lo, test)
    r_c = (r_lo + hi) * 0.5
    r_d = (hi - r_lo) * 0.5
    lo_l = l_c - l_d
    hi_l = l_c + l_d
    lo_r = r_c - r_d
    hi_r = r_c + r_d
    both = left & right
    # sound_join: union interval if the box appears in both branch tables,
    # otherwise take whichever branch it landed in.
    new_lo = jnp.where(both, jnp.minimum(lo_l, lo_r), jnp.where(left, lo_l, lo_r))
    new_hi = jnp.where(both, jnp.maximum(hi_l, hi_r), jnp.where(left, hi_l, hi_r))
    out_c = c.at[:, ti].set((new_lo + new_hi) * 0.5)
    out_d = delta.at[:, ti].set((new_hi - new_lo) * 0.5)
    return jnp.stack([out_c, out_d], axis=0)

if __name__ == "__main__":
    import jax
    _d = setup_inputs()
    print(jax.jit(kernel)(*tuple(_d.values())))

</pallas_src>

<mosaic_0001>
#map = affine_map<(d0, d1) -> (0, 0)>
#map1 = affine_map<(d0, d1) -> (0, 0, 0)>
module attributes {stable_mosaic.version = 14 : i64} {
  func.func @_sc_body(%arg0: i32, %arg1: i32, %arg2: memref<32768x256xf32, #tpu.memory_space<hbm>>, %arg3: memref<32768x256xf32, #tpu.memory_space<hbm>>, %arg4: memref<2x32768x256xf32, #tpu.memory_space<hbm>>, %arg5: memref<32x256xf32, #tpu.memory_space<vmem>>, %arg6: memref<32x256xf32, #tpu.memory_space<vmem>>, %arg7: memref<32x256xf32, #tpu.memory_space<vmem>>, %arg8: memref<32x256xf32, #tpu.memory_space<vmem>>, %arg9: memref<32x256xf32, #tpu.memory_space<vmem>>, %arg10: memref<32x256xf32, #tpu.memory_space<vmem>>, %arg11: memref<32x256xf32, #tpu.memory_space<vmem>>, %arg12: memref<32x256xf32, #tpu.memory_space<vmem>>, %arg13: memref<!tpu.dma_semaphore, #tpu.memory_space<semaphore_mem>>, %arg14: memref<!tpu.dma_semaphore, #tpu.memory_space<semaphore_mem>>, %arg15: memref<!tpu.dma_semaphore, #tpu.memory_space<semaphore_mem>>, %arg16: memref<!tpu.dma_semaphore, #tpu.memory_space<semaphore_mem>>, %arg17: memref<!tpu.dma_semaphore, #tpu.memory_space<semaphore_mem>>, %arg18: memref<!tpu.dma_semaphore, #tpu.memory_space<semaphore_mem>>, %arg19: memref<!tpu.dma_semaphore, #tpu.memory_space<semaphore_mem>>, %arg20: memref<!tpu.dma_semaphore, #tpu.memory_space<semaphore_mem>>) attributes {dimension_semantics = [#tpu.dimension_semantics<core_parallel>, #tpu.dimension_semantics<subcore_parallel>], iteration_bounds = array<i64: 2, 16>, scalar_prefetch = 0 : i64, scratch_operands = 16 : i64, tpu.core_type = #tpu.core_type<sc_vector_subcore>, window_params = [{transform_indices = #map}, {transform_indices = #map}, {transform_indices = #map1}]} {
    %mul3A = arith.constant 2 : i32
    %mul3A_0 = arith.muli %arg1, %mul3A : i32
    %add3A = arith.addi %mul3A_0, %arg0 : i32
    %mul3A_1 = arith.constant 1024 : i32
    %mul3A_2 = arith.muli %add3A, %mul3A_1 : i32
    %add3A_3 = arith.constant 0 : i32
    %add3A_4 = arith.addi %mul3A_2, %add3A_3 : i32
    %dma_start3A = arith.constant 0 : i32
    %dma_start3A_5 = tpu.memref_slice %arg2[%add3A_4, %dma_start3A] : memref<32768x256xf32, #tpu.memory_space<hbm>> -> memref<32x256xf32, #tpu.memory_space<hbm>>
    %dma_start3A_6 = arith.constant 0 : i32
    %dma_start3A_7 = tpu.memref_slice %arg2[%add3A_4, %dma_start3A_6] : memref<32768x256xf32, #tpu.memory_space<hbm>> -> memref<32x256xf32, #tpu.memory_space<hbm>>
    tpu.enqueue_dma source(%dma_start3A_7 : memref<32x256xf32, #tpu.memory_space<hbm>>) target(%arg5 : memref<32x256xf32, #tpu.memory_space<vmem>>) target_semaphore(%arg13 : memref<!tpu.dma_semaphore, #tpu.memory_space<semaphore_mem>>)
    %dma_start3A_8 = arith.constant 0 : i32
    %dma_start3A_9 = tpu.memref_slice %arg3[%add3A_4, %dma_start3A_8] : memref<32768x256xf32, #tpu.memory_space<hbm>> -> memref<32x256xf32, #tpu.memory_space<hbm>>
    %dma_start3A_10 = arith.constant 0 : i32
    %dma_start3A_11 = tpu.memref_slice %arg3[%add3A_4, %dma_start3A_10] : memref<32768x256xf32, #tpu.memory_space<hbm>> -> memref<32x256xf32, #tpu.memory_space<hbm>>
    tpu.enqueue_dma source(%dma_start3A_11 : memref<32x256xf32, #tpu.memory_space<hbm>>) target(%arg6 : memref<32x256xf32, #tpu.memory_space<vmem>>) target_semaphore(%arg13 : memref<!tpu.dma_semaphore, #tpu.memory_space<semaphore_mem>>)
    %add3A_12 = arith.constant 32 : i32
    %add3A_13 = arith.addi %mul3A_2, %add3A_12 : i32
    %dma_start3A_14 = arith.constant 0 : i32
    %dma_start3A_15 = tpu.memref_slice %arg2[%add3A_13, %dma_start3A_14] : memref<32768x256xf32, #tpu.memory_space<hbm>> -> memref<32x256xf32, #tpu.memory_space<hbm>>
    %dma_start3A_16 = arith.constant 0 : i32
    %dma_start3A_17 = tpu.memref_slice %arg2[%add3A_13, %dma_start3A_16] : memref<32768x256xf32, #tpu.memory_space<hbm>> -> memref<32x256xf32, #tpu.memory_space<hbm>>
    tpu.enqueue_dma source(%dma_start3A_17 : memref<32x256xf32, #tpu.memory_space<hbm>>) target(%arg7 : memref<32x256xf32, #tpu.memory_space<vmem>>) target_semaphore(%arg14 : memref<!tpu.dma_semaphore, #tpu.memory_space<semaphore_mem>>)
    %dma_start3A_18 = arith.constant 0 : i32
    %dma_start3A_19 = tpu.memref_slice %arg3[%add3A_13, %dma_start3A_18] : memref<32768x256xf32, #tpu.memory_space<hbm>> -> memref<32x256xf32, #tpu.memory_space<hbm>>
    %dma_start3A_20 = arith.constant 0 : i32
    %dma_start3A_21 = tpu.memref_slice %arg3[%add3A_13, %dma_start3A_20] : memref<32768x256xf32, #tpu.memory_space<hbm>> -> memref<32x256xf32, #tpu.memory_space<hbm>>
    tpu.enqueue_dma source(%dma_start3A_21 : memref<32x256xf32, #tpu.memory_space<hbm>>) target(%arg8 : memref<32x256xf32, #tpu.memory_space<vmem>>) target_semaphore(%arg14 : memref<!tpu.dma_semaphore, #tpu.memory_space<semaphore_mem>>)
    %scan3A = arith.constant 0 : i32
    %scan3A_22 = arith.constant 0 : i32
    %scan3A_23 = arith.constant 8 : i32
    %scan3A_24 = arith.addi %scan3A_22, %scan3A_23 : i32
    %scan3A_25 = arith.constant 1 : i32
    %scan3A_26 = scf.for %scan3A_59 = %scan3A_22 to %scan3A_24 step %scan3A_25 iter_args(%scan3A_60 = %scan3A) -> (i32)  : i32 {
      %mul3A_61 = arith.constant 4 : i32
      %mul3A_62 = arith.muli %scan3A_59, %mul3A_61 : i32
      %add3A_63 = arith.constant 0 : i32
      %add3A_64 = arith.addi %mul3A_62, %add3A_63 : i32
      %mul3A_65 = arith.constant 32 : i32
      %mul3A_66 = arith.muli %add3A_64, %mul3A_65 : i32
      %add3A_67 = arith.addi %mul3A_2, %mul3A_66 : i32
      %dma_wait3A_68 = arith.constant 0 : i32
      %dma_wait3A_69 = tpu.memref_slice %arg2[%add3A_67, %dma_wait3A_68] : memref<32768x256xf32, #tpu.memory_space<hbm>> -> memref<32x256xf32, #tpu.memory_space<hbm>>
      %dma_wait3A_70 = arith.constant 0 : i32
      %dma_wait3A_71 = tpu.memref_slice %arg2[%add3A_67, %dma_wait3A_70] : memref<32768x256xf32, #tpu.memory_space<hbm>> -> memref<32x256xf32, #tpu.memory_space<hbm>>
      tpu.wait_dma2 semaphore(%arg13 : memref<!tpu.dma_semaphore, #tpu.memory_space<semaphore_mem>>) src(%dma_wait3A_71 : memref<32x256xf32, #tpu.memory_space<hbm>>) dst(%arg5 : memref<32x256xf32, #tpu.memory_space<vmem>>)
      %dma_wait3A_72 = arith.constant 0 : i32
      %dma_wait3A_73 = tpu.memref_slice %arg3[%add3A_67, %dma_wait3A_72] : memref<32768x256xf32, #tpu.memory_space<hbm>> -> memref<32x256xf32, #tpu.memory_space<hbm>>
      %dma_wait3A_74 = arith.constant 0 : i32
      %dma_wait3A_75 = tpu.memref_slice %arg3[%add3A_67, %dma_wait3A_74] : memref<32768x256xf32, #tpu.memory_space<hbm>> -> memref<32x256xf32, #tpu.memory_space<hbm>>
      tpu.wait_dma2 semaphore(%arg13 : memref<!tpu.dma_semaphore, #tpu.memory_space<semaphore_mem>>) src(%dma_wait3A_75 : memref<32x256xf32, #tpu.memory_space<hbm>>) dst(%arg6 : memref<32x256xf32, #tpu.memory_space<vmem>>)
      %iota3A = tpu.iota {dimensions = array<i32: 0>} : vector<16xi32>
      %eq3A = arith.constant 0 : i32
      %eq3A_76 = vector.broadcast %eq3A : i32 to vector<16xi32>
      %eq3A_77 = arith.cmpi eq, %iota3A, %eq3A_76 : vector<16xi32>
      %scan3A_78 = arith.constant 0 : i32
      %scan3A_79 = arith.constant 0 : i32
      %scan3A_80 = arith.constant 8 : i32
      %scan3A_81 = arith.addi %scan3A_79, %scan3A_80 : i32
      %scan3A_82 = arith.constant 1 : i32
      %scan3A_83 = scf.for %scan3A_283 = %scan3A_79 to %scan3A_81 step %scan3A_82 iter_args(%scan3A_284 = %scan3A_78) -> (i32)  : i32 {
        %mul3A_285 = arith.constant 4 : i32
        %mul3A_286 = arith.muli %scan3A_283, %mul3A_285 : i32
        %add3A_287 = arith.constant 0 : i32
        %add3A_288 = arith.addi %mul3A_286, %add3A_287 : i32
        %get3A = arith.index_cast %add3A_288 : i32 to index
        %get3A_289 = arith.constant 0 : index
        %get3A_290 = tpu.vector_load %arg5[%get3A, %get3A_289] {strides = array<i32>} : memref<32x256xf32, #tpu.memory_space<vmem>>, vector<1x16xf32>,
        %get3A_291 = vector.shape_cast %get3A_290 : vector<1x16xf32> to vector<16xf32>
        %get3A_292 = arith.index_cast %add3A_288 : i32 to index
        %get3A_293 = arith.constant 0 : index
        %get3A_294 = tpu.vector_load %arg6[%get3A_292, %get3A_293] {strides = array<i32>} : memref<32x256xf32, #tpu.memory_space<vmem>>, vector<1x16xf32>,
        %get3A_295 = vector.shape_cast %get3A_294 : vector<1x16xf32> to vector<16xf32>
        %sub3A_296 = arith.subf %get3A_291, %get3A_295 : vector<16xf32>
        %add3A_297 = arith.addf %get3A_291, %get3A_295 : vector<16xf32>
        %le3A = arith.constant 0.000000e+00 : f32
        %le3A_298 = vector.broadcast %le3A : f32 to vector<16xf32>
        %le3A_299 = arith.cmpf ole, %sub3A_296, %le3A_298 : vector<16xf32>
        %gt3A = arith.constant 0.000000e+00 : f32
        %gt3A_300 = vector.broadcast %gt3A : f32 to vector<16xf32>
        %gt3A_301 = arith.cmpf ogt, %add3A_297, %gt3A_300 : vector<16xf32>
        %min3A = arith.constant 0.000000e+00 : f32
        %min3A_302 = vector.broadcast %min3A : f32 to vector<16xf32>
        %min3A_303 = arith.minimumf %add3A_297, %min3A_302 : vector<16xf32>
        %add3A_304 = arith.addf %sub3A_296, %min3A_303 : vector<16xf32>
        %mul3A_305 = arith.constant 5.000000e-01 : f32
        %mul3A_306 = vector.broadcast %mul3A_305 : f32 to vector<16xf32>
        %mul3A_307 = arith.mulf %add3A_304, %mul3A_306 : vector<16xf32>
        %sub3A_308 = arith.subf %min3A_303, %sub3A_296 : vector<16xf32>
        %mul3A_309 = arith.constant 5.000000e-01 : f32
        %mul3A_310 = vector.broadcast %mul3A_309 : f32 to vector<16xf32>
        %mul3A_311 = arith.mulf %sub3A_308, %mul3A_310 : vector<16xf32>
        %max3A = arith.constant 0.000000e+00 : f32
        %max3A_312 = vector.broadcast %max3A : f32 to vector<16xf32>
        %max3A_313 = arith.maximumf %sub3A_296, %max3A_312 : vector<16xf32>
        %add3A_314 = arith.addf %max3A_313, %add3A_297 : vector<16xf32>
        %mul3A_315 = arith.constant 5.000000e-01 : f32
        %mul3A_316 = vector.broadcast %mul3A_315 : f32 to vector<16xf32>
        %mul3A_317 = arith.mulf %add3A_314, %mul3A_316 : vector<16xf32>
        %sub3A_318 = arith.subf %add3A_297, %max3A_313 : vector<16xf32>
        %mul3A_319 = arith.constant 5.000000e-01 : f32
        %mul3A_320 = vector.broadcast %mul3A_319 : f32 to vector<16xf32>
        %mul3A_321 = arith.mulf %sub3A_318, %mul3A_320 : vector<16xf32>
        %sub3A_322 = arith.subf %mul3A_307, %mul3A_311 : vector<16xf32>
        %add3A_323 = arith.addf %mul3A_307, %mul3A_311 : vector<16xf32>
        %sub3A_324 = arith.subf %mul3A_317, %mul3A_321 : vector<16xf32>
        %add3A_325 = arith.addf %mul3A_317, %mul3A_321 : vector<16xf32>
        %and3A = arith.andi %le3A_299, %gt3A_301 : vector<16xi1>
        %min3A_326 = arith.minimumf %sub3A_322, %sub3A_324 : vector<16xf32>
        %select_n3A = arith.select %le3A_299, %sub3A_322, %sub3A_324 : vector<16xi1>, vector<16xf32>
        %select_n3A_327 = arith.select %and3A, %min3A_326, %select_n3A : vector<16xi1>, vector<16xf32>
        %max3A_328 = arith.maximumf %add3A_323, %add3A_325 : vector<16xf32>
        %select_n3A_329 = arith.select %le3A_299, %add3A_323, %add3A_325 : vector<16xi1>, vector<16xf32>
        %select_n3A_330 = arith.select %and3A, %max3A_328, %select_n3A_329 : vector<16xi1>, vector<16xf32>
        %add3A_331 = arith.addf %select_n3A_327, %select_n3A_330 : vector<16xf32>
        %mul3A_332 = arith.constant 5.000000e-01 : f32
        %mul3A_333 = vector.broadcast %mul3A_332 : f32 to vector<16xf32>
        %mul3A_334 = arith.mulf %add3A_331, %mul3A_333 : vector<16xf32>
        %select_n3A_335 = arith.select %eq3A_77, %mul3A_334, %get3A_291 : vector<16xi1>, vector<16xf32>
        %swap3A = arith.index_cast %add3A_288 : i32 to index
        %swap3A_336 = arith.constant 0 : index
        %swap3A_337 = tpu.vector_load %arg5[%swap3A, %swap3A_336] {strides = array<i32>} : memref<32x256xf32, #tpu.memory_space<vmem>>, vector<1x16xf32>,
        %swap3A_338 = vector.shape_cast %swap3A_337 : vector<1x16xf32> to vector<16xf32>
        %swap3A_339 = vector.shape_cast %select_n3A_335 : vector<16xf32> to vector<1x16xf32>
        tpu.vector_store %arg5[%swap3A, %swap3A_336], %swap3A_339 {strides = array<i32>} : memref<32x256xf32, #tpu.memory_space<vmem>>, vector<1x16xf32>,
        %sub3A_340 = arith.subf %select_n3A_330, %select_n3A_327 : vector<16xf32>
        %mul3A_341 = arith.constant 5.000000e-01 : f32
        %mul3A_342 = vector.broadcast %mul3A_341 : f32 to vector<16xf32>
        %mul3A_343 = arith.mulf %sub3A_340, %mul3A_342 : vector<16xf32>
        %select_n3A_344 = arith.select %eq3A_77, %mul3A_343, %get3A_295 : vector<16xi1>, vector<16xf32>
        %swap3A_345 = arith.index_cast %add3A_288 : i32 to index
        %swap3A_346 = arith.constant 0 : index
        %swap3A_347 = tpu.vector_load %arg6[%swap3A_345, %swap3A_346] {strides = array<i32>} : memref<32x256xf32, #tpu.memory_space<vmem>>, vector<1x16xf32>,
        %swap3A_348 = vector.shape_cast %swap3A_347 : vector<1x16xf32> to vector<16xf32>
        %swap3A_349 = vector.shape_cast %select_n3A_344 : vector<16xf32> to vector<1x16xf32>
        tpu.vector_store %arg6[%swap3A_345, %swap3A_346], %swap3A_349 {strides = array<i32>} : memref<32x256xf32, #tpu.memory_space<vmem>>, vector<1x16xf32>,
        %mul3A_350 = arith.constant 4 : i32
        %mul3A_351 = arith.muli %scan3A_283, %mul3A_350 : i32
        %add3A_352 = arith.constant 1 : i32
        %add3A_353 = arith.addi %mul3A_351, %add3A_352 : i32
        %get3A_354 = arith.index_cast %add3A_353 : i32 to index
        %get3A_355 = arith.constant 0 : index
        %get3A_356 = tpu.vector_load %arg5[%get3A_354, %get3A_355] {strides = array<i32>} : memref<32x256xf32, #tpu.memory_space<vmem>>, vector<1x16xf32>,
        %get3A_357 = vector.shape_cast %get3A_356 : vector<1x16xf32> to vector<16xf32>
        %get3A_358 = arith.index_cast %add3A_353 : i32 to index
        %get3A_359 = arith.constant 0 : index
        %get3A_360 = tpu.vector_load %arg6[%get3A_358, %get3A_359] {strides = array<i32>} : memref<32x256xf32, #tpu.memory_space<vmem>>, vector<1x16xf32>,
        %get3A_361 = vector.shape_cast %get3A_360 : vector<1x16xf32> to vector<16xf32>
        %sub3A_362 = arith.subf %get3A_357, %get3A_361 : vector<16xf32>
        %add3A_363 = arith.addf %get3A_357, %get3A_361 : vector<16xf32>
        %le3A_364 = arith.constant 0.000000e+00 : f32
        %le3A_365 = vector.broadcast %le3A_364 : f32 to vector<16xf32>
        %le3A_366 = arith.cmpf ole, %sub3A_362, %le3A_365 : vector<16xf32>
        %gt3A_367 = arith.constant 0.000000e+00 : f32
        %gt3A_368 = vector.broadcast %gt3A_367 : f32 to vector<16xf32>
        %gt3A_369 = arith.cmpf ogt, %add3A_363, %gt3A_368 : vector<16xf32>
        %min3A_370 = arith.constant 0.000000e+00 : f32
        %min3A_371 = vector.broadcast %min3A_370 : f32 to vector<16xf32>
        %min3A_372 = arith.minimumf %add3A_363, %min3A_371 : vector<16xf32>
        %add3A_373 = arith.addf %sub3A_362, %min3A_372 : vector<16xf32>
        %mul3A_374 = arith.constant 5.000000e-01 : f32
        %mul3A_375 = vector.broadcast %mul3A_374 : f32 to vector<16xf32>
        %mul3A_376 = arith.mulf %add3A_373, %mul3A_375 : vector<16xf32>
        %sub3A_377 = arith.subf %min3A_372, %sub3A_362 : vector<16xf32>
        %mul3A_378 = arith.constant 5.000000e-01 : f32
        %mul3A_379 = vector.broadcast %mul3A_378 : f32 to vector<16xf32>
        %mul3A_380 = arith.mulf %sub3A_377, %mul3A_379 : vector<16xf32>
        %max3A_381 = arith.constant 0.000000e+00 : f32
        %max3A_382 = vector.broadcast %max3A_381 : f32 to vector<16xf32>
        %max3A_383 = arith.maximumf %sub3A_362, %max3A_382 : vector<16xf32>
        %add3A_384 = arith.addf %max3A_383, %add3A_363 : vector<16xf32>
        %mul3A_385 = arith.constant 5.000000e-01 : f32
        %mul3A_386 = vector.broadcast %mul3A_385 : f32 to vector<16xf32>
        %mul3A_387 = arith.mulf %add3A_384, %mul3A_386 : vector<16xf32>
        %sub3A_388 = arith.subf %add3A_363, %max3A_383 : vector<16xf32>
        %mul3A_389 = arith.constant 5.000000e-01 : f32
        %mul3A_390 = vector.broadcast %mul3A_389 : f32 to vector<16xf32>
        %mul3A_391 = arith.mulf %sub3A_388, %mul3A_390 : vector<16xf32>
        %sub3A_392 = arith.subf %mul3A_376, %mul3A_380 : vector<16xf32>
        %add3A_393 = arith.addf %mul3A_376, %mul3A_380 : vector<16xf32>
        %sub3A_394 = arith.subf %mul3A_387, %mul3A_391 : vector<16xf32>
        %add3A_395 = arith.addf %mul3A_387, %mul3A_391 : vector<16xf32>
        %and3A_396 = arith.andi %le3A_366, %gt3A_369 : vector<16xi1>
        %min3A_397 = arith.minimumf %sub3A_392, %sub3A_394 : vector<16xf32>
        %select_n3A_398 = arith.select %le3A_366, %sub3A_392, %sub3A_394 : vector<16xi1>, vector<16xf32>
        %select_n3A_399 = arith.select %and3A_396, %min3A_397, %select_n3A_398 : vector<16xi1>, vector<16xf32>
        %max3A_400 = arith.maximumf %add3A_393, %add3A_395 : vector<16xf32>
        %select_n3A_401 = arith.select %le3A_366, %add3A_393, %add3A_395 : vector<16xi1>, vector<16xf32>
        %select_n3A_402 = arith.select %and3A_396, %max3A_400, %select_n3A_401 : vector<16xi1>, vector<16xf32>
        %add3A_403 = arith.addf %select_n3A_399, %select_n3A_402 : vector<16xf32>
        %mul3A_404 = arith.constant 5.000000e-01 : f32
        %mul3A_405 = vector.broadcast %mul3A_404 : f32 to vector<16xf32>
        %mul3A_406 = arith.mulf %add3A_403, %mul3A_405 : vector<16xf32>
        %select_n3A_407 = arith.select %eq3A_77, %mul3A_406, %get3A_357 : vector<16xi1>, vector<16xf32>
        %swap3A_408 = arith.index_cast %add3A_353 : i32 to index
        %swap3A_409 = arith.constant 0 : index
        %swap3A_410 = tpu.vector_load %arg5[%swap3A_408, %swap3A_409] {strides = array<i32>} : memref<32x256xf32, #tpu.memory_space<vmem>>, vector<1x16xf32>,
        %swap3A_411 = vector.shape_cast %swap3A_410 : vector<1x16xf32> to vector<16xf32>
        %swap3A_412 = vector.shape_cast %select_n3A_407 : vector<16xf32> to vector<1x16xf32>
        tpu.vector_store %arg5[%swap3A_408, %swap3A_409], %swap3A_412 {strides = array<i32>} : memref<32x256xf32, #tpu.memory_space<vmem>>, vector<1x16xf32>,
        %sub3A_413 = arith.subf %select_n3A_402, %select_n3A_399 : vector<16xf32>
        %mul3A_414 = arith.constant 5.000000e-01 : f32
        %mul3A_415 = vector.broadcast %mul3A_414 : f32 to vector<16xf32>
        %mul3A_416 = arith.mulf %sub3A_413, %mul3A_415 : vector<16xf32>
        %select_n3A_417 = arith.select %eq3A_77, %mul3A_416, %get3A_361 : vector<16xi1>, vector<16xf32>
        %swap3A_418 = arith.index_cast %add3A_353 : i32 to index
        %swap3A_419 = arith.constant 0 : index
        %swap3A_420 = tpu.vector_load %arg6[%swap3A_418, %swap3A_419] {strides = array<i32>} : memref<32x256xf32, #tpu.memory_space<vmem>>, vector<1x16xf32>,
        %swap3A_421 = vector.shape_cast %swap3A_420 : vector<1x16xf32> to vector<16xf32>
        %swap3A_422 = vector.shape_cast %select_n3A_417 : vector<16xf32> to vector<1x16xf32>
        tpu.vector_store %arg6[%swap3A_418, %swap3A_419], %swap3A_422 {strides = array<i32>} : memref<32x256xf32, #tpu.memory_space<vmem>>, vector<1x16xf32>,
        %mul3A_423 = arith.constant 4 : i32
        %mul3A_424 = arith.muli %scan3A_283, %mul3A_423 : i32
        %add3A_425 = arith.constant 2 : i32
        %add3A_426 = arith.addi %mul3A_424, %add3A_425 : i32
        %get3A_427 = arith.index_cast %add3A_426 : i32 to index
        %get3A_428 = arith.constant 0 : index
        %get3A_429 = tpu.vector_load %arg5[%get3A_427, %get3A_428] {strides = array<i32>} : memref<32x256xf32, #tpu.memory_space<vmem>>, vector<1x16xf32>,
        %get3A_430 = vector.shape_cast %get3A_429 : vector<1x16xf32> to vector<16xf32>
        %get3A_431 = arith.index_cast %add3A_426 : i32 to index
        %get3A_432 = arith.constant 0 : index
        %get3A_433 = tpu.vector_load %arg6[%get3A_431, %get3A_432] {strides = array<i32>} : memref<32x256xf32, #tpu.memory_space<vmem>>, vector<1x16xf32>,
        %get3A_434 = vector.shape_cast %get3A_433 : vector<1x16xf32> to vector<16xf32>
        %sub3A_435 = arith.subf %get3A_430, %get3A_434 : vector<16xf32>
        %add3A_436 = arith.addf %get3A_430, %get3A_434 : vector<16xf32>
        %le3A_437 = arith.constant 0.000000e+00 : f32
        %le3A_438 = vector.broadcast %le3A_437 : f32 to vector<16xf32>
        %le3A_439 = arith.cmpf ole, %sub3A_435, %le3A_438 : vector<16xf32>
        %gt3A_440 = arith.constant 0.000000e+00 : f32
        %gt3A_441 = vector.broadcast %gt3A_440 : f32 to vector<16xf32>
        %gt3A_442 = arith.cmpf ogt, %add3A_436, %gt3A_441 : vector<16xf32>
        %min3A_443 = arith.constant 0.000000e+00 : f32
        %min3A_444 = vector.broadcast %min3A_443 : f32 to vector<16xf32>
        %min3A_445 = arith.minimumf %add3A_436, %min3A_444 : vector<16xf32>
        %add3A_446 = arith.addf %sub3A_435, %min3A_445 : vector<16xf32>
        %mul3A_447 = arith.constant 5.000000e-01 : f32
        %mul3A_448 = vector.broadcast %mul3A_447 : f32 to vector<16xf32>
        %mul3A_449 = arith.mulf %add3A_446, %mul3A_448 : vector<16xf32>
        %sub3A_450 = arith.subf %min3A_445, %sub3A_435 : vector<16xf32>
        %mul3A_451 = arith.constant 5.000000e-01 : f32
        %mul3A_452 = vector.broadcast %mul3A_451 : f32 to vector<16xf32>
        %mul3A_453 = arith.mulf %sub3A_450, %mul3A_452 : vector<16xf32>
        %max3A_454 = arith.constant 0.000000e+00 : f32
        %max3A_455 = vector.broadcast %max3A_454 : f32 to vector<16xf32>
        %max3A_456 = arith.maximumf %sub3A_435, %max3A_455 : vector<16xf32>
        %add3A_457 = arith.addf %max3A_456, %add3A_436 : vector<16xf32>
        %mul3A_458 = arith.constant 5.000000e-01 : f32
        %mul3A_459 = vector.broadcast %mul3A_458 : f32 to vector<16xf32>
        %mul3A_460 = arith.mulf %add3A_457, %mul3A_459 : vector<16xf32>
        %sub3A_461 = arith.subf %add3A_436, %max3A_456 : vector<16xf32>
        %mul3A_462 = arith.constant 5.000000e-01 : f32
        %mul3A_463 = vector.broadcast %mul3A_462 : f32 to vector<16xf32>
        %mul3A_464 = arith.mulf %sub3A_461, %mul3A_463 : vector<16xf32>
        %sub3A_465 = arith.subf %mul3A_449, %mul3A_453 : vector<16xf32>
        %add3A_466 = arith.addf %mul3A_449, %mul3A_453 : vector<16xf32>
        %sub3A_467 = arith.subf %mul3A_460, %mul3A_464 : vector<16xf32>
        %add3A_468 = arith.addf %mul3A_460, %mul3A_464 : vector<16xf32>
        %and3A_469 = arith.andi %le3A_439, %gt3A_442 : vector<16xi1>
        %min3A_470 = arith.minimumf %sub3A_465, %sub3A_467 : vector<16xf32>
        %select_n3A_471 = arith.select %le3A_439, %sub3A_465, %sub3A_467 : vector<16xi1>, vector<16xf32>
        %select_n3A_472 = arith.select %and3A_469, %min3A_470, %select_n3A_471 : vector<16xi1>, vector<16xf32>
        %max3A_473 = arith.maximumf %add3A_466, %add3A_468 : vector<16xf32>
        %select_n3A_474 = arith.select %le3A_439, %add3A_466, %add3A_468 : vector<16xi1>, vector<16xf32>
        %select_n3A_475 = arith.select %and3A_469, %max3A_473, %select_n3A_474 : vector<16xi1>, vector<16xf32>
        %add3A_476 = arith.addf %select_n3A_472, %select_n3A_475 : vector<16xf32>
        %mul3A_477 = arith.constant 5.000000e-01 : f32
        %mul3A_478 = vector.broadcast %mul3A_477 : f32 to vector<16xf32>
        %mul3A_479 = arith.mulf %add3A_476, %mul3A_478 : vector<16xf32>
        %select_n3A_480 = arith.select %eq3A_77, %mul3A_479, %get3A_430 : vector<16xi1>, vector<16xf32>
        %swap3A_481 = arith.index_cast %add3A_426 : i32 to index
        %swap3A_482 = arith.constant 0 : index
        %swap3A_483 = tpu.vector_load %arg5[%swap3A_481, %swap3A_482] {strides = array<i32>} : memref<32x256xf32, #tpu.memory_space<vmem>>, vector<1x16xf32>,
        %swap3A_484 = vector.shape_cast %swap3A_483 : vector<1x16xf32> to vector<16xf32>
        %swap3A_485 = vector.shape_cast %select_n3A_480 : vector<16xf32> to vector<1x16xf32>
        tpu.vector_store %arg5[%swap3A_481, %swap3A_482], %swap3A_485 {strides = array<i32>} : memref<32x256xf32, #tpu.memory_space<vmem>>, vector<1x16xf32>,
        %sub3A_486 = arith.subf %select_n3A_475, %select_n3A_472 : vector<16xf32>
        %mul3A_487 = arith.constant 5.000000e-01 : f32
        %mul3A_488 = vector.broadcast %mul3A_487 : f32 to vector<16xf32>
        %mul3A_489 = arith.mulf %sub3A_486, %mul3A_488 : vector<16xf32>
        %select_n3A_490 = arith.select %eq3A_77, %mul3A_489, %get3A_434 : vector<16xi1>, vector<16xf32>
        %swap3A_491 = arith.index_cast %add3A_426 : i32 to index
        %swap3A_492 = arith.constant 0 : index
        %swap3A_493 = tpu.vector_load %arg6[%swap3A_491, %swap3A_492] {strides = array<i32>} : memref<32x256xf32, #tpu.memory_space<vmem>>, vector<1x16xf32>,
        %swap3A_494 = vector.shape_cast %swap3A_493 : vector<1x16xf32> to vector<16xf32>
        %swap3A_495 = vector.shape_cast %select_n3A_490 : vector<16xf32> to vector<1x16xf32>
        tpu.vector_store %arg6[%swap3A_491, %swap3A_492], %swap3A_495 {strides = array<i32>} : memref<32x256xf32, #tpu.memory_space<vmem>>, vector<1x16xf32>,
        %mul3A_496 = arith.constant 4 : i32
        %mul3A_497 = arith.muli %scan3A_283, %mul3A_496 : i32
        %add3A_498 = arith.constant 3 : i32
        %add3A_499 = arith.addi %mul3A_497, %add3A_498 : i32
        %get3A_500 = arith.index_cast %add3A_499 : i32 to index
        %get3A_501 = arith.constant 0 : index
        %get3A_502 = tpu.vector_load %arg5[%get3A_500, %get3A_501] {strides = array<i32>} : memref<32x256xf32, #tpu.memory_space<vmem>>, vector<1x16xf32>,
        %get3A_503 = vector.shape_cast %get3A_502 : vector<1x16xf32> to vector<16xf32>
        %get3A_504 = arith.index_cast %add3A_499 : i32 to index
        %get3A_505 = arith.constant 0 : index
        %get3A_506 = tpu.vector_load %arg6[%get3A_504, %get3A_505] {strides = array<i32>} : memref<32x256xf32, #tpu.memory_space<vmem>>, vector<1x16xf32>,
        %get3A_507 = vector.shape_cast %get3A_506 : vector<1x16xf32> to vector<16xf32>
        %sub3A_508 = arith.subf %get3A_503, %get3A_507 : vector<16xf32>
        %add3A_509 = arith.addf %get3A_503, %get3A_507 : vector<16xf32>
        %le3A_510 = arith.constant 0.000000e+00 : f32
        %le3A_511 = vector.broadcast %le3A_510 : f32 to vector<16xf32>
        %le3A_512 = arith.cmpf ole, %sub3A_508, %le3A_511 : vector<16xf32>
        %gt3A_513 = arith.constant 0.000000e+00 : f32
        %gt3A_514 = vector.broadcast %gt3A_513 : f32 to vector<16xf32>
        %gt3A_515 = arith.cmpf ogt, %add3A_509, %gt3A_514 : vector<16xf32>
        %min3A_516 = arith.constant 0.000000e+00 : f32
        %min3A_517 = vector.broadcast %min3A_516 : f32 to vector<16xf32>
        %min3A_518 = arith.minimumf %add3A_509, %min3A_517 : vector<16xf32>
        %add3A_519 = arith.addf %sub3A_508, %min3A_518 : vector<16xf32>
        %mul3A_520 = arith.constant 5.000000e-01 : f32
        %mul3A_521 = vector.broadcast %mul3A_520 : f32 to vector<16xf32>
        %mul3A_522 = arith.mulf %add3A_519, %mul3A_521 : vector<16xf32>
        %sub3A_523 = arith.subf %min3A_518, %sub3A_508 : vector<16xf32>
        %mul3A_524 = arith.constant 5.000000e-01 : f32
        %mul3A_525 = vector.broadcast %mul3A_524 : f32 to vector<16xf32>
        %mul3A_526 = arith.mulf %sub3A_523, %mul3A_525 : vector<16xf32>
        %max3A_527 = arith.constant 0.000000e+00 : f32
        %max3A_528 = vector.broadcast %max3A_527 : f32 to vector<16xf32>
        %max3A_529 = arith.maximumf %sub3A_508, %max3A_528 : vector<16xf32>
        %add3A_530 = arith.addf %max3A_529, %add3A_509 : vector<16xf32>
        %mul3A_531 = arith.constant 5.000000e-01 : f32
        %mul3A_532 = vector.broadcast %mul3A_531 : f32 to vector<16xf32>
        %mul3A_533 = arith.mulf %add3A_530, %mul3A_532 : vector<16xf32>
        %sub3A_534 = arith.subf %add3A_509, %max3A_529 : vector<16xf32>
        %mul3A_535 = arith.constant 5.000000e-01 : f32
        %mul3A_536 = vector.broadcast %mul3A_535 : f32 to vector<16xf32>
        %mul3A_537 = arith.mulf %sub3A_534, %mul3A_536 : vector<16xf32>
        %sub3A_538 = arith.subf %mul3A_522, %mul3A_526 : vector<16xf32>
        %add3A_539 = arith.addf %mul3A_522, %mul3A_526 : vector<16xf32>
        %sub3A_540 = arith.subf %mul3A_533, %mul3A_537 : vector<16xf32>
        %add3A_541 = arith.addf %mul3A_533, %mul3A_537 : vector<16xf32>
        %and3A_542 = arith.andi %le3A_512, %gt3A_515 : vector<16xi1>
        %min3A_543 = arith.minimumf %sub3A_538, %sub3A_540 : vector<16xf32>
        %select_n3A_544 = arith.select %le3A_512, %sub3A_538, %sub3A_540 : vector<16xi1>, vector<16xf32>
        %select_n3A_545 = arith.select %and3A_542, %min3A_543, %select_n3A_544 : vector<16xi1>, vector<16xf32>
        %max3A_546 = arith.maximumf %add3A_539, %add3A_541 : vector<16xf32>
        %select_n3A_547 = arith.select %le3A_512, %add3A_539, %add3A_541 : vector<16xi1>, vector<16xf32>
        %select_n3A_548 = arith.select %and3A_542, %max3A_546, %select_n3A_547 : vector<16xi1>, vector<16xf32>
        %add3A_549 = arith.addf %select_n3A_545, %select_n3A_548 : vector<16xf32>
        %mul3A_550 = arith.constant 5.000000e-01 : f32
        %mul3A_551 = vector.broadcast %mul3A_550 : f32 to vector<16xf32>
        %mul3A_552 = arith.mulf %add3A_549, %mul3A_551 : vector<16xf32>
        %select_n3A_553 = arith.select %eq3A_77, %mul3A_552, %get3A_503 : vector<16xi1>, vector<16xf32>
        %swap3A_554 = arith.index_cast %add3A_499 : i32 to index
        %swap3A_555 = arith.constant 0 : index
        %swap3A_556 = tpu.vector_load %arg5[%swap3A_554, %swap3A_555] {strides = array<i32>} : memref<32x256xf32, #tpu.memory_space<vmem>>, vector<1x16xf32>,
        %swap3A_557 = vector.shape_cast %swap3A_556 : vector<1x16xf32> to vector<16xf32>
        %swap3A_558 = vector.shape_cast %select_n3A_553 : vector<16xf32> to vector<1x16xf32>
        tpu.vector_store %arg5[%swap3A_554, %swap3A_555], %swap3A_558 {strides = array<i32>} : memref<32x256xf32, #tpu.memory_space<vmem>>, vector<1x16xf32>,
        %sub3A_559 = arith.subf %select_n3A_548, %select_n3A_545 : vector<16xf32>
        %mul3A_560 = arith.constant 5.000000e-01 : f32
        %mul3A_561 = vector.broadcast %mul3A_560 : f32 to vector<16xf32>
        %mul3A_562 = arith.mulf %sub3A_559, %mul3A_561 : vector<16xf32>
        %select_n3A_563 = arith.select %eq3A_77, %mul3A_562, %get3A_507 : vector<16xi1>, vector<16xf32>
        %swap3A_564 = arith.index_cast %add3A_499 : i32 to index
        %swap3A_565 = arith.constant 0 : index
        %swap3A_566 = tpu.vector_load %arg6[%swap3A_564, %swap3A_565] {strides = array<i32>} : memref<32x256xf32, #tpu.memory_space<vmem>>, vector<1x16xf32>,
        %swap3A_567 = vector.shape_cast %swap3A_566 : vector<1x16xf32> to vector<16xf32>
        %swap3A_568 = vector.shape_cast %select_n3A_563 : vector<16xf32> to vector<1x16xf32>
        tpu.vector_store %arg6[%swap3A_564, %swap3A_565], %swap3A_568 {strides = array<i32>} : memref<32x256xf32, #tpu.memory_space<vmem>>, vector<1x16xf32>,
        %scan3A_569 = arith.constant 0 : i32
        scf.yield %scan3A_569 : i32
      }
      %scan3A_84 = arith.constant 8 : i32
      %mul3A_85 = arith.constant 32 : i32
      %mul3A_86 = arith.muli %add3A_64, %mul3A_85 : i32
      %add3A_87 = arith.addi %mul3A_2, %mul3A_86 : i32
      %dma_start3A_88 = arith.constant 0 : i32
      %dma_start3A_89 = arith.constant 0 : i32
      %dma_start3A_90 = tpu.memref_slice %arg4[%dma_start3A_88, %add3A_87, %dma_start3A_89] : memref<2x32768x256xf32, #tpu.memory_space<hbm>> -> memref<1x32x256xf32, #tpu.memory_space<hbm>>
      %dma_start3A_91 = tpu.memref_squeeze %dma_start3A_90 : memref<1x32x256xf32, #tpu.memory_space<hbm>> -> memref<32x256xf32, #tpu.memory_space<hbm>>
      %dma_start3A_92 = arith.constant 0 : i32
      %dma_start3A_93 = tpu.memref_slice %arg4[%dma_start3A_88, %add3A_87, %dma_start3A_92] : memref<2x32768x256xf32, #tpu.memory_space<hbm>> -> memref<1x32x256xf32, #tpu.memory_space<hbm>>
      %dma_start3A_94 = tpu.memref_squeeze %dma_start3A_93 : memref<1x32x256xf32, #tpu.memory_space<hbm>> -> memref<32x256xf32, #tpu.memory_space<hbm>>
      tpu.enqueue_dma source(%arg5 : memref<32x256xf32, #tpu.memory_space<vmem>>) target(%dma_start3A_94 : memref<32x256xf32, #tpu.memory_space<hbm>>) target_semaphore(%arg17 : memref<!tpu.dma_semaphore, #tpu.memory_space<semaphore_mem>>)
      %dma_start3A_95 = arith.constant 1 : i32
      %dma_start3A_96 = arith.constant 0 : i32
      %dma_start3A_97 = tpu.memref_slice %arg4[%dma_start3A_95, %add3A_87, %dma_start3A_96] : memref<2x32768x256xf32, #tpu.memory_space<hbm>> -> memref<1x32x256xf32, #tpu.memory_space<hbm>>
      %dma_start3A_98 = tpu.memref_squeeze %dma_start3A_97 : memref<1x32x256xf32, #tpu.memory_space<hbm>> -> memref<32x256xf32, #tpu.memory_space<hbm>>
      %dma_start3A_99 = arith.constant 0 : i32
      %dma_start3A_100 = tpu.memref_slice %arg4[%dma_start3A_95, %add3A_87, %dma_start3A_99] : memref<2x32768x256xf32, #tpu.memory_space<hbm>> -> memref<1x32x256xf32, #tpu.memory_space<hbm>>
      %dma_start3A_101 = tpu.memref_squeeze %dma_start3A_100 : memref<1x32x256xf32, #tpu.memory_space<hbm>> -> memref<32x256xf32, #tpu.memory_space<hbm>>
      tpu.enqueue_dma source(%arg6 : memref<32x256xf32, #tpu.memory_space<vmem>>) target(%dma_start3A_101 : memref<32x256xf32, #tpu.memory_space<hbm>>) target_semaphore(%arg17 : memref<!tpu.dma_semaphore, #tpu.memory_space<semaphore_mem>>)
      %sub3A = arith.constant 2 : i32
      %sub3A_102 = arith.subi %add3A_64, %sub3A : i32
      %ge3A = arith.constant 0 : i32
      %ge3A_103 = arith.cmpi sge, %sub3A_102, %ge3A : i32
      %convert_element_type3A = arith.extui %ge3A_103 : i1 to i32
      %cond3A = arith.constant 0 : i32
      %cond3A_104 = arith.cmpi ne, %convert_element_type3A, %cond3A : i32
      scf.if %cond3A_104 {
        %sub3A_283 = arith.constant 2 : i32
        %sub3A_284 = arith.subi %add3A_64, %sub3A_283 : i32
        %mul3A_285 = arith.constant 32 : i32
        %mul3A_286 = arith.muli %sub3A_284, %mul3A_285 : i32
        %add3A_287 = arith.addi %mul3A_2, %mul3A_286 : i32
        %dma_wait3A_288 = arith.constant 0 : i32
        %dma_wait3A_289 = arith.constant 0 : i32
        %dma_wait3A_290 = tpu.memref_slice %arg4[%dma_wait3A_288, %add3A_287, %dma_wait3A_289] : memref<2x32768x256xf32, #tpu.memory_space<hbm>> -> memref<1x32x256xf32, #tpu.memory_space<hbm>>
        %dma_wait3A_291 = tpu.memref_squeeze %dma_wait3A_290 : memref<1x32x256xf32, #tpu.memory_space<hbm>> -> memref<32x256xf32, #tpu.memory_space<hbm>>
        %dma_wait3A_292 = arith.constant 0 : i32
        %dma_wait3A_293 = tpu.memref_slice %arg4[%dma_wait3A_288, %add3A_287, %dma_wait3A_292] : memref<2x32768x256xf32, #tpu.memory_space<hbm>> -> memref<1x32x256xf32, #tpu.memory_space<hbm>>
        %dma_wait3A_294 = tpu.memref_squeeze %dma_wait3A_293 : memref<1x32x256xf32, #tpu.memory_space<hbm>> -> memref<32x256xf32, #tpu.memory_space<hbm>>
        tpu.wait_dma2 semaphore(%arg19 : memref<!tpu.dma_semaphore, #tpu.memory_space<semaphore_mem>>) src(%arg9 : memref<32x256xf32, #tpu.memory_space<vmem>>) dst(%dma_wait3A_294 : memref<32x256xf32, #tpu.memory_space<hbm>>)
        %dma_wait3A_295 = arith.constant 1 : i32
        %dma_wait3A_296 = arith.constant 0 : i32
        %dma_wait3A_297 = tpu.memref_slice %arg4[%dma_wait3A_295, %add3A_287, %dma_wait3A_296] : memref<2x32768x256xf32, #tpu.memory_space<hbm>> -> memref<1x32x256xf32, #tpu.memory_space<hbm>>
        %dma_wait3A_298 = tpu.memref_squeeze %dma_wait3A_297 : memref<1x32x256xf32, #tpu.memory_space<hbm>> -> memref<32x256xf32, #tpu.memory_space<hbm>>
        %dma_wait3A_299 = arith.constant 0 : i32
        %dma_wait3A_300 = tpu.memref_slice %arg4[%dma_wait3A_295, %add3A_287, %dma_wait3A_299] : memref<2x32768x256xf32, #tpu.memory_space<hbm>> -> memref<1x32x256xf32, #tpu.memory_space<hbm>>
        %dma_wait3A_301 = tpu.memref_squeeze %dma_wait3A_300 : memref<1x32x256xf32, #tpu.memory_space<hbm>> -> memref<32x256xf32, #tpu.memory_space<hbm>>
        tpu.wait_dma2 semaphore(%arg19 : memref<!tpu.dma_semaphore, #tpu.memory_space<semaphore_mem>>) src(%arg10 : memref<32x256xf32, #tpu.memory_space<vmem>>) dst(%dma_wait3A_301 : memref<32x256xf32, #tpu.memory_space<hbm>>)
      } else {
      }
      %add3A_105 = arith.constant 2 : i32
      %add3A_106 = arith.addi %add3A_64, %add3A_105 : i32
      %lt3A = arith.constant 32 : i32
      %lt3A_107 = arith.cmpi slt, %add3A_106, %lt3A : i32
      %convert_element_type3A_108 = arith.extui %lt3A_107 : i1 to i32
      %cond3A_109 = arith.constant 0 : i32
      %cond3A_110 = arith.cmpi ne, %convert_element_type3A_108, %cond3A_109 : i32
      scf.if %cond3A_110 {
        %add3A_283 = arith.constant 2 : i32
        %add3A_284 = arith.addi %add3A_64, %add3A_283 : i32
        %mul3A_285 = arith.constant 32 : i32
        %mul3A_286 = arith.muli %add3A_284, %mul3A_285 : i32
        %add3A_287 = arith.addi %mul3A_2, %mul3A_286 : i32
        %dma_start3A_288 = arith.constant 0 : i32
        %dma_start3A_289 = tpu.memref_slice %arg2[%add3A_287, %dma_start3A_288] : memref<32768x256xf32, #tpu.memory_space<hbm>> -> memref<32x256xf32, #tpu.memory_space<hbm>>
        %dma_start3A_290 = arith.constant 0 : i32
        %dma_start3A_291 = tpu.memref_slice %arg2[%add3A_287, %dma_start3A_290] : memref<32768x256xf32, #tpu.memory_space<hbm>> -> memref<32x256xf32, #tpu.memory_space<hbm>>
        tpu.enqueue_dma source(%dma_start3A_291 : memref<32x256xf32, #tpu.memory_space<hbm>>) target(%arg9 : memref<32x256xf32, #tpu.memory_space<vmem>>) target_semaphore(%arg15 : memref<!tpu.dma_semaphore, #tpu.memory_space<semaphore_mem>>)
        %dma_start3A_292 = arith.constant 0 : i32
        %dma_start3A_293 = tpu.memref_slice %arg3[%add3A_287, %dma_start3A_292] : memref<32768x256xf32, #tpu.memory_space<hbm>> -> memref<32x256xf32, #tpu.memory_space<hbm>>
        %dma_start3A_294 = arith.constant 0 : i32
        %dma_start3A_295 = tpu.memref_slice %arg3[%add3A_287, %dma_start3A_294] : memref<32768x256xf32, #tpu.memory_space<hbm>> -> memref<32x256xf32, #tpu.memory_space<hbm>>
        tpu.enqueue_dma source(%dma_start3A_295 : memref<32x256xf32, #tpu.memory_space<hbm>>) target(%arg10 : memref<32x256xf32, #tpu.memory_space<vmem>>) target_semaphore(%arg15 : memref<!tpu.dma_semaphore, #tpu.memory_space<semaphore_mem>>)
      } else {
      }
      %mul3A_111 = arith.constant 4 : i32
      %mul3A_112 = arith.muli %scan3A_59, %mul3A_111 : i32
      %add3A_113 = arith.constant 1 : i32
      %add3A_114 = arith.addi %mul3A_112, %add3A_113 : i32
      %mul3A_115 = arith.constant 32 : i32
      %mul3A_116 = arith.muli %add3A_114, %mul3A_115 : i32
      %add3A_117 = arith.addi %mul3A_2, %mul3A_116 : i32
      %dma_wait3A_118 = arith.constant 0 : i32
      %dma_wait3A_119 = tpu.memref_slice %arg2[%add3A_117, %dma_wait3A_118] : memref<32768x256xf32, #tpu.memory_space<hbm>> -> memref<32x256xf32, #tpu.memory_space<hbm>>
      %dma_wait3A_120 = arith.constant 0 : i32
      %dma_wait3A_121 = tpu.memref_slice %arg2[%add3A_117, %dma_wait3A_120] : memref<32768x256xf32, #tpu.memory_space<hbm>> -> memref<32x256xf32, #tpu.memory_space<hbm>>
      tpu.wait_dma2 semaphore(%arg14 : memref<!tpu.dma_semaphore, #tpu.memory_space<semaphore_mem>>) src(%dma_wait3A_121 : memref<32x256xf32, #tpu.memory_space<hbm>>) dst(%arg7 : memref<32x256xf32, #tpu.memory_space<vmem>>)
      %dma_wait3A_122 = arith.constant 0 : i32
      %dma_wait3A_123 = tpu.memref_slice %arg3[%add3A_117, %dma_wait3A_122] : memref<32768x256xf32, #tpu.memory_space<hbm>> -> memref<32x256xf32, #tpu.memory_space<hbm>>
      %dma_wait3A_124 = arith.constant 0 : i32
      %dma_wait3A_125 = tpu.memref_slice %arg3[%add3A_117, %dma_wait3A_124] : memref<32768x256xf32, #tpu.memory_space<hbm>> -> memref<32x256xf32, #tpu.memory_space<hbm>>
      tpu.wait_dma2 semaphore(%arg14 : memref<!tpu.dma_semaphore, #tpu.memory_space<semaphore_mem>>) src(%dma_wait3A_125 : memref<32x256xf32, #tpu.memory_space<hbm>>) dst(%arg8 : memref<32x256xf32, #tpu.memory_space<vmem>>)
      %iota3A_126 = tpu.iota {dimensions = array<i32: 0>} : vector<16xi32>
      %eq3A_127 = arith.constant 0 : i32
      %eq3A_128 = vector.broadcast %eq3A_127 : i32 to vector<16xi32>
      %eq3A_129 = arith.cmpi eq, %iota3A_126, %eq3A_128 : vector<16xi32>
      %scan3A_130 = arith.constant 0 : i32
      %scan3A_131 = arith.constant 0 : i32
      %scan3A_132 = arith.constant 8 : i32
      %scan3A_133 = arith.addi %scan3A_131, %scan3A_132 : i32
      %scan3A_134 = arith.constant 1 : i32
      %scan3A_135 = scf.for %scan3A_283 = %scan3A_131 to %scan3A_133 step %scan3A_134 iter_args(%scan3A_284 = %scan3A_130) -> (i32)  : i32 {
        %mul3A_285 = arith.constant 4 : i32
        %mul3A_286 = arith.muli %scan3A_283, %mul3A_285 : i32
        %add3A_287 = arith.constant 0 : i32
        %add3A_288 = arith.addi %mul3A_286, %add3A_287 : i32
        %get3A = arith.index_cast %add3A_288 : i32 to index
        %get3A_289 = arith.constant 0 : index
        %get3A_290 = tpu.vector_load %arg7[%get3A, %get3A_289] {strides = array<i32>} : memref<32x256xf32, #tpu.memory_space<vmem>>, vector<1x16xf32>,
        %get3A_291 = vector.shape_cast %get3A_290 : vector<1x16xf32> to vector<16xf32>
        %get3A_292 = arith.index_cast %add3A_288 : i32 to index
        %get3A_293 = arith.constant 0 : index
        %get3A_294 = tpu.vector_load %arg8[%get3A_292, %get3A_293] {strides = array<i32>} : memref<32x256xf32, #tpu.memory_space<vmem>>, vector<1x16xf32>,
        %get3A_295 = vector.shape_cast %get3A_294 : vector<1x16xf32> to vector<16xf32>
        %sub3A_296 = arith.subf %get3A_291, %get3A_295 : vector<16xf32>
        %add3A_297 = arith.addf %get3A_291, %get3A_295 : vector<16xf32>
        %le3A = arith.constant 0.000000e+00 : f32
        %le3A_298 = vector.broadcast %le3A : f32 to vector<16xf32>
        %le3A_299 = arith.cmpf ole, %sub3A_296, %le3A_298 : vector<16xf32>
        %gt3A = arith.constant 0.000000e+00 : f32
        %gt3A_300 = vector.broadcast %gt3A : f32 to vector<16xf32>
        %gt3A_301 = arith.cmpf ogt, %add3A_297, %gt3A_300 : vector<16xf32>
        %min3A = arith.constant 0.000000e+00 : f32
        %min3A_302 = vector.broadcast %min3A : f32 to vector<16xf32>
        %min3A_303 = arith.minimumf %add3A_297, %min3A_302 : vector<16xf32>
        %add3A_304 = arith.addf %sub3A_296, %min3A_303 : vector<16xf32>
        %mul3A_305 = arith.constant 5.000000e-01 : f32
        %mul3A_306 = vector.broadcast %mul3A_305 : f32 to vector<16xf32>
        %mul3A_307 = arith.mulf %add3A_304, %mul3A_306 : vector<16xf32>
        %sub3A_308 = arith.subf %min3A_303, %sub3A_296 : vector<16xf32>
        %mul3A_309 = arith.constant 5.000000e-01 : f32
        %mul3A_310 = vector.broadcast %mul3A_309 : f32 to vector<16xf32>
        %mul3A_311 = arith.mulf %sub3A_308, %mul3A_310 : vector<16xf32>
        %max3A = arith.constant 0.000000e+00 : f32
        %max3A_312 = vector.broadcast %max3A : f32 to vector<16xf32>
        %max3A_313 = arith.maximumf %sub3A_296, %max3A_312 : vector<16xf32>
        %add3A_314 = arith.addf %max3A_313, %add3A_297 : vector<16xf32>
        %mul3A_315 = arith.constant 5.000000e-01 : f32
        %mul3A_316 = vector.broadcast %mul3A_315 : f32 to vector<16xf32>
        %mul3A_317 = arith.mulf %add3A_314, %mul3A_316 : vector<16xf32>
        %sub3A_318 = arith.subf %add3A_297, %max3A_313 : vector<16xf32>
        %mul3A_319 = arith.constant 5.000000e-01 : f32
        %mul3A_320 = vector.broadcast %mul3A_319 : f32 to vector<16xf32>
        %mul3A_321 = arith.mulf %sub3A_318, %mul3A_320 : vector<16xf32>
        %sub3A_322 = arith.subf %mul3A_307, %mul3A_311 : vector<16xf32>
        %add3A_323 = arith.addf %mul3A_307, %mul3A_311 : vector<16xf32>
        %sub3A_324 = arith.subf %mul3A_317, %mul3A_321 : vector<16xf32>
        %add3A_325 = arith.addf %mul3A_317, %mul3A_321 : vector<16xf32>
        %and3A = arith.andi %le3A_299, %gt3A_301 : vector<16xi1>
        %min3A_326 = arith.minimumf %sub3A_322, %sub3A_324 : vector<16xf32>
        %select_n3A = arith.select %le3A_299, %sub3A_322, %sub3A_324 : vector<16xi1>, vector<16xf32>
        %select_n3A_327 = arith.select %and3A, %min3A_326, %select_n3A : vector<16xi1>, vector<16xf32>
        %max3A_328 = arith.maximumf %add3A_323, %add3A_325 : vector<16xf32>
        %select_n3A_329 = arith.select %le3A_299, %add3A_323, %add3A_325 : vector<16xi1>, vector<16xf32>
        %select_n3A_330 = arith.select %and3A, %max3A_328, %select_n3A_329 : vector<16xi1>, vector<16xf32>
        %add3A_331 = arith.addf %select_n3A_327, %select_n3A_330 : vector<16xf32>
        %mul3A_332 = arith.constant 5.000000e-01 : f32
        %mul3A_333 = vector.broadcast %mul3A_332 : f32 to vector<16xf32>
        %mul3A_334 = arith.mulf %add3A_331, %mul3A_333 : vector<16xf32>
        %select_n3A_335 = arith.select %eq3A_129, %mul3A_334, %get3A_291 : vector<16xi1>, vector<16xf32>
        %swap3A = arith.index_cast %add3A_288 : i32 to index
        %swap3A_336 = arith.constant 0 : index
        %swap3A_337 = tpu.vector_load %arg7[%swap3A, %swap3A_336] {strides = array<i32>} : memref<32x256xf32, #tpu.memory_space<vmem>>, vector<1x16xf32>,
        %swap3A_338 = vector.shape_cast %swap3A_337 : vector<1x16xf32> to vector<16xf32>
        %swap3A_339 = vector.shape_cast %select_n3A_335 : vector<16xf32> to vector<1x16xf32>
        tpu.vector_store %arg7[%swap3A, %swap3A_336], %swap3A_339 {strides = array<i32>} : memref<32x256xf32, #tpu.memory_space<vmem>>, vector<1x16xf32>,
        %sub3A_340 = arith.subf %select_n3A_330, %select_n3A_327 : vector<16xf32>
        %mul3A_341 = arith.constant 5.000000e-01 : f32
        %mul3A_342 = vector.broadcast %mul3A_341 : f32 to vector<16xf32>
        %mul3A_343 = arith.mulf %sub3A_340, %mul3A_342 : vector<16xf32>
        %select_n3A_344 = arith.select %eq3A_129, %mul3A_343, %get3A_295 : vector<16xi1>, vector<16xf32>
        %swap3A_345 = arith.index_cast %add3A_288 : i32 to index
        %swap3A_346 = arith.constant 0 : index
        %swap3A_347 = tpu.vector_load %arg8[%swap3A_345, %swap3A_346] {strides = array<i32>} : memref<32x256xf32, #tpu.memory_space<vmem>>, vector<1x16xf32>,
        %swap3A_348 = vector.shape_cast %swap3A_347 : vector<1x16xf32> to vector<16xf32>
        %swap3A_349 = vector.shape_cast %select_n3A_344 : vector<16xf32> to vector<1x16xf32>
        tpu.vector_store %arg8[%swap3A_345, %swap3A_346], %swap3A_349 {strides = array<i32>} : memref<32x256xf32, #tpu.memory_space<vmem>>, vector<1x16xf32>,
        %mul3A_350 = arith.constant 4 : i32
        %mul3A_351 = arith.muli %scan3A_283, %mul3A_350 : i32
        %add3A_352 = arith.constant 1 : i32
        %add3A_353 = arith.addi %mul3A_351, %add3A_352 : i32
        %get3A_354 = arith.index_cast %add3A_353 : i32 to index
        %get3A_355 = arith.constant 0 : index
        %get3A_356 = tpu.vector_load %arg7[%get3A_354, %get3A_355] {strides = array<i32>} : memref<32x256xf32, #tpu.memory_space<vmem>>, vector<1x16xf32>,
        %get3A_357 = vector.shape_cast %get3A_356 : vector<1x16xf32> to vector<16xf32>
        %get3A_358 = arith.index_cast %add3A_353 : i32 to index
        %get3A_359 = arith.constant 0 : index
        %get3A_360 = tpu.vector_load %arg8[%get3A_358, %get3A_359] {strides = array<i32>} : memref<32x256xf32, #tpu.memory_space<vmem>>, vector<1x16xf32>,
        %get3A_361 = vector.shape_cast %get3A_360 : vector<1x16xf32> to vector<16xf32>
        %sub3A_362 = arith.subf %get3A_357, %get3A_361 : vector<16xf32>
        %add3A_363 = arith.addf %get3A_357, %get3A_361 : vector<16xf32>
        %le3A_364 = arith.constant 0.000000e+00 : f32
        %le3A_365 = vector.broadcast %le3A_364 : f32 to vector<16xf32>
        %le3A_366 = arith.cmpf ole, %sub3A_362, %le3A_365 : vector<16xf32>
        %gt3A_367 = arith.constant 0.000000e+00 : f32
        %gt3A_368 = vector.broadcast %gt3A_367 : f32 to vector<16xf32>
        %gt3A_369 = arith.cmpf ogt, %add3A_363, %gt3A_368 : vector<16xf32>
        %min3A_370 = arith.constant 0.000000e+00 : f32
        %min3A_371 = vector.broadcast %min3A_370 : f32 to vector<16xf32>
        %min3A_372 = arith.minimumf %add3A_363, %min3A_371 : vector<16xf32>
        %add3A_373 = arith.addf %sub3A_362, %min3A_372 : vector<16xf32>
        %mul3A_374 = arith.constant 5.000000e-01 : f32
        %mul3A_375 = vector.broadcast %mul3A_374 : f32 to vector<16xf32>
        %mul3A_376 = arith.mulf %add3A_373, %mul3A_375 : vector<16xf32>
        %sub3A_377 = arith.subf %min3A_372, %sub3A_362 : vector<16xf32>
        %mul3A_378 = arith.constant 5.000000e-01 : f32
        %mul3A_379 = vector.broadcast %mul3A_378 : f32 to vector<16xf32>
        %mul3A_380 = arith.mulf %sub3A_377, %mul3A_379 : vector<16xf32>
        %max3A_381 = arith.constant 0.000000e+00 : f32
        %max3A_382 = vector.broadcast %max3A_381 : f32 to vector<16xf32>
        %max3A_383 = arith.maximumf %sub3A_362, %max3A_382 : vector<16xf32>
        %add3A_384 = arith.addf %max3A_383, %add3A_363 : vector<16xf32>
        %mul3A_385 = arith.constant 5.000000e-01 : f32
        %mul3A_386 = vector.broadcast %mul3A_385 : f32 to vector<16xf32>
        %mul3A_387 = arith.mulf %add3A_384, %mul3A_386 : vector<16xf32>
        %sub3A_388 = arith.subf %add3A_363, %max3A_383 : vector<16xf32>
        %mul3A_389 = arith.constant 5.000000e-01 : f32
        %mul3A_390 = vector.broadcast %mul3A_389 : f32 to vector<16xf32>
        %mul3A_391 = arith.mulf %sub3A_388, %mul3A_390 : vector<16xf32>
        %sub3A_392 = arith.subf %mul3A_376, %mul3A_380 : vector<16xf32>
        %add3A_393 = arith.addf %mul3A_376, %mul3A_380 : vector<16xf32>
        %sub3A_394 = arith.subf %mul3A_387, %mul3A_391 : vector<16xf32>
        %add3A_395 = arith.addf %mul3A_387, %mul3A_391 : vector<16xf32>
        %and3A_396 = arith.andi %le3A_366, %gt3A_369 : vector<16xi1>
        %min3A_397 = arith.minimumf %sub3A_392, %sub3A_394 : vector<16xf32>
        %select_n3A_398 = arith.select %le3A_366, %sub3A_392, %sub3A_394 : vector<16xi1>, vector<16xf32>
        %select_n3A_399 = arith.select %and3A_396, %min3A_397, %select_n3A_398 : vector<16xi1>, vector<16xf32>
        %max3A_400 = arith.maximumf %add3A_393, %add3A_395 : vector<16xf32>
        %select_n3A_401 = arith.select %le3A_366, %add3A_393, %add3A_395 : vector<16xi1>, vector<16xf32>
        %select_n3A_402 = arith.select %and3A_396, %max3A_400, %select_n3A_401 : vector<16xi1>, vector<16xf32>
        %add3A_403 = arith.addf %select_n3A_399, %select_n3A_402 : vector<16xf32>
        %mul3A_404 = arith.constant 5.000000e-01 : f32
        %mul3A_405 = vector.broadcast %mul3A_404 : f32 to vector<16xf32>
        %mul3A_406 = arith.mulf %add3A_403, %mul3A_405 : vector<16xf32>
        %select_n3A_407 = arith.select %eq3A_129, %mul3A_406, %get3A_357 : vector<16xi1>, vector<16xf32>
        %swap3A_408 = arith.index_cast %add3A_353 : i32 to index
        %swap3A_409 = arith.constant 0 : index
        %swap3A_410 = tpu.vector_load %arg7[%swap3A_408, %swap3A_409] {strides = array<i32>} : memref<32x256xf32, #tpu.memory_space<vmem>>, vector<1x16xf32>,
        %swap3A_411 = vector.shape_cast %swap3A_410 : vector<1x16xf32> to vector<16xf32>
        %swap3A_412 = vector.shape_cast %select_n3A_407 : vector<16xf32> to vector<1x16xf32>
        tpu.vector_store %arg7[%swap3A_408, %swap3A_409], %swap3A_412 {strides = array<i32>} : memref<32x256xf32, #tpu.memory_space<vmem>>, vector<1x16xf32>,
        %sub3A_413 = arith.subf %select_n3A_402, %select_n3A_399 : vector<16xf32>
        %mul3A_414 = arith.constant 5.000000e-01 : f32
        %mul3A_415 = vector.broadcast %mul3A_414 : f32 to vector<16xf32>
        %mul3A_416 = arith.mulf %sub3A_413, %mul3A_415 : vector<16xf32>
        %select_n3A_417 = arith.select %eq3A_129, %mul3A_416, %get3A_361 : vector<16xi1>, vector<16xf32>
        %swap3A_418 = arith.index_cast %add3A_353 : i32 to index
        %swap3A_419 = arith.constant 0 : index
        %swap3A_420 = tpu.vector_load %arg8[%swap3A_418, %swap3A_419] {strides = array<i32>} : memref<32x256xf32, #tpu.memory_space<vmem>>, vector<1x16xf32>,
        %swap3A_421 = vector.shape_cast %swap3A_420 : vector<1x16xf32> to vector<16xf32>
        %swap3A_422 = vector.shape_cast %select_n3A_417 : vector<16xf32> to vector<1x16xf32>
        tpu.vector_store %arg8[%swap3A_418, %swap3A_419], %swap3A_422 {strides = array<i32>} : memref<32x256xf32, #tpu.memory_space<vmem>>, vector<1x16xf32>,
        %mul3A_423 = arith.constant 4 : i32
        %mul3A_424 = arith.muli %scan3A_283, %mul3A_423 : i32
        %add3A_425 = arith.constant 2 : i32
        %add3A_426 = arith.addi %mul3A_424, %add3A_425 : i32
        %get3A_427 = arith.index_cast %add3A_426 : i32 to index
        %get3A_428 = arith.constant 0 : index
        %get3A_429 = tpu.vector_load %arg7[%get3A_427, %get3A_428] {strides = array<i32>} : memref<32x256xf32, #tpu.memory_space<vmem>>, vector<1x16xf32>,
        %get3A_430 = vector.shape_cast %get3A_429 : vector<1x16xf32> to vector<16xf32>
        %get3A_431 = arith.index_cast %add3A_426 : i32 to index
        %get3A_432 = arith.constant 0 : index
        %get3A_433 = tpu.vector_load %arg8[%get3A_431, %get3A_432] {strides = array<i32>} : memref<32x256xf32, #tpu.memory_space<vmem>>, vector<1x16xf32>,
        %get3A_434 = vector.shape_cast %get3A_433 : vector<1x16xf32> to vector<16xf32>
        %sub3A_435 = arith.subf %get3A_430, %get3A_434 : vector<16xf32>
        %add3A_436 = arith.addf %get3A_430, %get3A_434 : vector<16xf32>
        %le3A_437 = arith.constant 0.000000e+00 : f32
        %le3A_438 = vector.broadcast %le3A_437 : f32 to vector<16xf32>
        %le3A_439 = arith.cmpf ole, %sub3A_435, %le3A_438 : vector<16xf32>
        %gt3A_440 = arith.constant 0.000000e+00 : f32
        %gt3A_441 = vector.broadcast %gt3A_440 : f32 to vector<16xf32>
        %gt3A_442 = arith.cmpf ogt, %add3A_436, %gt3A_441 : vector<16xf32>
        %min3A_443 = arith.constant 0.000000e+00 : f32
        %min3A_444 = vector.broadcast %min3A_443 : f32 to vector<16xf32>
        %min3A_445 = arith.minimumf %add3A_436, %min3A_444 : vector<16xf32>
        %add3A_446 = arith.addf %sub3A_435, %min3A_445 : vector<16xf32>
        %mul3A_447 = arith.constant 5.000000e-01 : f32
        %mul3A_448 = vector.broadcast %mul3A_447 : f32 to vector<16xf32>
        %mul3A_449 = arith.mulf %add3A_446, %mul3A_448 : vector<16xf32>
        %sub3A_450 = arith.subf %min3A_445, %sub3A_435 : vector<16xf32>
        %mul3A_451 = arith.constant 5.000000e-01 : f32
        %mul3A_452 = vector.broadcast %mul3A_451 : f32 to vector<16xf32>
        %mul3A_453 = arith.mulf %sub3A_450, %mul3A_452 : vector<16xf32>
        %max3A_454 = arith.constant 0.000000e+00 : f32
        %max3A_455 = vector.broadcast %max3A_454 : f32 to vector<16xf32>
        %max3A_456 = arith.maximumf %sub3A_435, %max3A_455 : vector<16xf32>
        %add3A_457 = arith.addf %max3A_456, %add3A_436 : vector<16xf32>
        %mul3A_458 = arith.constant 5.000000e-01 : f32
        %mul3A_459 = vector.broadcast %mul3A_458 : f32 to vector<16xf32>
        %mul3A_460 = arith.mulf %add3A_457, %mul3A_459 : vector<16xf32>
        %sub3A_461 = arith.subf %add3A_436, %max3A_456 : vector<16xf32>
        %mul3A_462 = arith.constant 5.000000e-01 : f32
        %mul3A_463 = vector.broadcast %mul3A_462 : f32 to vector<16xf32>
        %mul3A_464 = arith.mulf %sub3A_461, %mul3A_463 : vector<16xf32>
        %sub3A_465 = arith.subf %mul3A_449, %mul3A_453 : vector<16xf32>
        %add3A_466 = arith.addf %mul3A_449, %mul3A_453 : vector<16xf32>
        %sub3A_467 = arith.subf %mul3A_460, %mul3A_464 : vector<16xf32>
        %add3A_468 = arith.addf %mul3A_460, %mul3A_464 : vector<16xf32>
        %and3A_469 = arith.andi %le3A_439, %gt3A_442 : vector<16xi1>
        %min3A_470 = arith.minimumf %sub3A_465, %sub3A_467 : vector<16xf32>
        %select_n3A_471 = arith.select %le3A_439, %sub3A_465, %sub3A_467 : vector<16xi1>, vector<16xf32>
        %select_n3A_472 = arith.select %and3A_469, %min3A_470, %select_n3A_471 : vector<16xi1>, vector<16xf32>
        %max3A_473 = arith.maximumf %add3A_466, %add3A_468 : vector<16xf32>
        %select_n3A_474 = arith.select %le3A_439, %add3A_466, %add3A_468 : vector<16xi1>, vector<16xf32>
        %select_n3A_475 = arith.select %and3A_469, %max3A_473, %select_n3A_474 : vector<16xi1>, vector<16xf32>
        %add3A_476 = arith.addf %select_n3A_472, %select_n3A_475 : vector<16xf32>
        %mul3A_477 = arith.constant 5.000000e-01 : f32
        %mul3A_478 = vector.broadcast %mul3A_477 : f32 to vector<16xf32>
        %mul3A_479 = arith.mulf %add3A_476, %mul3A_478 : vector<16xf32>
        %select_n3A_480 = arith.select %eq3A_129, %mul3A_479, %get3A_430 : vector<16xi1>, vector<16xf32>
        %swap3A_481 = arith.index_cast %add3A_426 : i32 to index
        %swap3A_482 = arith.constant 0 : index
        %swap3A_483 = tpu.vector_load %arg7[%swap3A_481, %swap3A_482] {strides = array<i32>} : memref<32x256xf32, #tpu.memory_space<vmem>>, vector<1x16xf32>,
        %swap3A_484 = vector.shape_cast %swap3A_483 : vector<1x16xf32> to vector<16xf32>
        %swap3A_485 = vector.shape_cast %select_n3A_480 : vector<16xf32> to vector<1x16xf32>
        tpu.vector_store %arg7[%swap3A_481, %swap3A_482], %swap3A_485 {strides = array<i32>} : memref<32x256xf32, #tpu.memory_space<vmem>>, vector<1x16xf32>,
        %sub3A_486 = arith.subf %select_n3A_475, %select_n3A_472 : vector<16xf32>
        %mul3A_487 = arith.constant 5.000000e-01 : f32
        %mul3A_488 = vector.broadcast %mul3A_487 : f32 to vector<16xf32>
        %mul3A_489 = arith.mulf %sub3A_486, %mul3A_488 : vector<16xf32>
        %select_n3A_490 = arith.select %eq3A_129, %mul3A_489, %get3A_434 : vector<16xi1>, vector<16xf32>
        %swap3A_491 = arith.index_cast %add3A_426 : i32 to index
        %swap3A_492 = arith.constant 0 : index
        %swap3A_493 = tpu.vector_load %arg8[%swap3A_491, %swap3A_492] {strides = array<i32>} : memref<32x256xf32, #tpu.memory_space<vmem>>, vector<1x16xf32>,
        %swap3A_494 = vector.shape_cast %swap3A_493 : vector<1x16xf32> to vector<16xf32>
        %swap3A_495 = vector.shape_cast %select_n3A_490 : vector<16xf32> to vector<1x16xf32>
        tpu.vector_store %arg8[%swap3A_491, %swap3A_492], %swap3A_495 {strides = array<i32>} : memref<32x256xf32, #tpu.memory_space<vmem>>, vector<1x16xf32>,
        %mul3A_496 = arith.constant 4 : i32
        %mul3A_497 = arith.muli %scan3A_283, %mul3A_496 : i32
        %add3A_498 = arith.constant 3 : i32
        %add3A_499 = arith.addi %mul3A_497, %add3A_498 : i32
        %get3A_500 = arith.index_cast %add3A_499 : i32 to index
        %get3A_501 = arith.constant 0 : index
        %get3A_502 = tpu.vector_load %arg7[%get3A_500, %get3A_501] {strides = array<i32>} : memref<32x256xf32, #tpu.memory_space<vmem>>, vector<1x16xf32>,
        %get3A_503 = vector.shape_cast %get3A_502 : vector<1x16xf32> to vector<16xf32>
        %get3A_504 = arith.index_cast %add3A_499 : i32 to index
        %get3A_505 = arith.constant 0 : index
        %get3A_506 = tpu.vector_load %arg8[%get3A_504, %get3A_505] {strides = array<i32>} : memref<32x256xf32, #tpu.memory_space<vmem>>, vector<1x16xf32>,
        %get3A_507 = vector.shape_cast %get3A_506 : vector<1x16xf32> to vector<16xf32>
        %sub3A_508 = arith.subf %get3A_503, %get3A_507 : vector<16xf32>
        %add3A_509 = arith.addf %get3A_503, %get3A_507 : vector<16xf32>
        %le3A_510 = arith.constant 0.000000e+00 : f32
        %le3A_511 = vector.broadcast %le3A_510 : f32 to vector<16xf32>
        %le3A_512 = arith.cmpf ole, %sub3A_508, %le3A_511 : vector<16xf32>
        %gt3A_513 = arith.constant 0.000000e+00 : f32
        %gt3A_514 = vector.broadcast %gt3A_513 : f32 to vector<16xf32>
        %gt3A_515 = arith.cmpf ogt, %add3A_509, %gt3A_514 : vector<16xf32>
        %min3A_516 = arith.constant 0.000000e+00 : f32
        %min3A_517 = vector.broadcast %min3A_516 : f32 to vector<16xf32>
        %min3A_518 = arith.minimumf %add3A_509, %min3A_517 : vector<16xf32>
        %add3A_519 = arith.addf %sub3A_508, %min3A_518 : vector<16xf32>
        %mul3A_520 = arith.constant 5.000000e-01 : f32
        %mul3A_521 = vector.broadcast %mul3A_520 : f32 to vector<16xf32>
        %mul3A_522 = arith.mulf %add3A_519, %mul3A_521 : vector<16xf32>
        %sub3A_523 = arith.subf %min3A_518, %sub3A_508 : vector<16xf32>
        %mul3A_524 = arith.constant 5.000000e-01 : f32
        %mul3A_525 = vector.broadcast %mul3A_524 : f32 to vector<16xf32>
        %mul3A_526 = arith.mulf %sub3A_523, %mul3A_525 : vector<16xf32>
        %max3A_527 = arith.constant 0.000000e+00 : f32
        %max3A_528 = vector.broadcast %max3A_527 : f32 to vector<16xf32>
        %max3A_529 = arith.maximumf %sub3A_508, %max3A_528 : vector<16xf32>
        %add3A_530 = arith.addf %max3A_529, %add3A_509 : vector<16xf32>
        %mul3A_531 = arith.constant 5.000000e-01 : f32
        %mul3A_532 = vector.broadcast %mul3A_531 : f32 to vector<16xf32>
        %mul3A_533 = arith.mulf %add3A_530, %mul3A_532 : vector<16xf32>
        %sub3A_534 = arith.subf %add3A_509, %max3A_529 : vector<16xf32>
        %mul3A_535 = arith.constant 5.000000e-01 : f32
        %mul3A_536 = vector.broadcast %mul3A_535 : f32 to vector<16xf32>
        %mul3A_537 = arith.mulf %sub3A_534, %mul3A_536 : vector<16xf32>
        %sub3A_538 = arith.subf %mul3A_522, %mul3A_526 : vector<16xf32>
        %add3A_539 = arith.addf %mul3A_522, %mul3A_526 : vector<16xf32>
        %sub3A_540 = arith.subf %mul3A_533, %mul3A_537 : vector<16xf32>
        %add3A_541 = arith.addf %mul3A_533, %mul3A_537 : vector<16xf32>
        %and3A_542 = arith.andi %le3A_512, %gt3A_515 : vector<16xi1>
        %min3A_543 = arith.minimumf %sub3A_538, %sub3A_540 : vector<16xf32>
        %select_n3A_544 = arith.select %le3A_512, %sub3A_538, %sub3A_540 : vector<16xi1>, vector<16xf32>
        %select_n3A_545 = arith.select %and3A_542, %min3A_543, %select_n3A_544 : vector<16xi1>, vector<16xf32>
        %max3A_546 = arith.maximumf %add3A_539, %add3A_541 : vector<16xf32>
        %select_n3A_547 = arith.select %le3A_512, %add3A_539, %add3A_541 : vector<16xi1>, vector<16xf32>
        %select_n3A_548 = arith.select %and3A_542, %max3A_546, %select_n3A_547 : vector<16xi1>, vector<16xf32>
        %add3A_549 = arith.addf %select_n3A_545, %select_n3A_548 : vector<16xf32>
        %mul3A_550 = arith.constant 5.000000e-01 : f32
        %mul3A_551 = vector.broadcast %mul3A_550 : f32 to vector<16xf32>
        %mul3A_552 = arith.mulf %add3A_549, %mul3A_551 : vector<16xf32>
        %select_n3A_553 = arith.select %eq3A_129, %mul3A_552, %get3A_503 : vector<16xi1>, vector<16xf32>
        %swap3A_554 = arith.index_cast %add3A_499 : i32 to index
        %swap3A_555 = arith.constant 0 : index
        %swap3A_556 = tpu.vector_load %arg7[%swap3A_554, %swap3A_555] {strides = array<i32>} : memref<32x256xf32, #tpu.memory_space<vmem>>, vector<1x16xf32>,
        %swap3A_557 = vector.shape_cast %swap3A_556 : vector<1x16xf32> to vector<16xf32>
        %swap3A_558 = vector.shape_cast %select_n3A_553 : vector<16xf32> to vector<1x16xf32>
        tpu.vector_store %arg7[%swap3A_554, %swap3A_555], %swap3A_558 {strides = array<i32>} : memref<32x256xf32, #tpu.memory_space<vmem>>, vector<1x16xf32>,
        %sub3A_559 = arith.subf %select_n3A_548, %select_n3A_545 : vector<16xf32>
        %mul3A_560 = arith.constant 5.000000e-01 : f32
        %mul3A_561 = vector.broadcast %mul3A_560 : f32 to vector<16xf32>
        %mul3A_562 = arith.mulf %sub3A_559, %mul3A_561 : vector<16xf32>
        %select_n3A_563 = arith.select %eq3A_129, %mul3A_562, %get3A_507 : vector<16xi1>, vector<16xf32>
        %swap3A_564 = arith.index_cast %add3A_499 : i32 to index
        %swap3A_565 = arith.constant 0 : index
        %swap3A_566 = tpu.vector_load %arg8[%swap3A_564, %swap3A_565] {strides = array<i32>} : memref<32x256xf32, #tpu.memory_space<vmem>>, vector<1x16xf32>,
        %swap3A_567 = vector.shape_cast %swap3A_566 : vector<1x16xf32> to vector<16xf32>
        %swap3A_568 = vector.shape_cast %select_n3A_563 : vector<16xf32> to vector<1x16xf32>
        tpu.vector_store %arg8[%swap3A_564, %swap3A_565], %swap3A_568 {strides = array<i32>} : memref<32x256xf32, #tpu.memory_space<vmem>>, vector<1x16xf32>,
        %scan3A_569 = arith.constant 0 : i32
        scf.yield %scan3A_569 : i32
      }
      %scan3A_136 = arith.constant 8 : i32
      %mul3A_137 = arith.constant 32 : i32
      %mul3A_138 = arith.muli %add3A_114, %mul3A_137 : i32
      %add3A_139 = arith.addi %mul3A_2, %mul3A_138 : i32
      %dma_start3A_140 = arith.constant 0 : i32
      %dma_start3A_141 = arith.constant 0 : i32
      %dma_start3A_142 = tpu.memref_slice %arg4[%dma_start3A_140, %add3A_139, %dma_start3A_141] : memref<2x32768x256xf32, #tpu.memory_space<hbm>> -> memref<1x32x256xf32, #tpu.memory_space<hbm>>
      %dma_start3A_143 = tpu.memref_squeeze %dma_start3A_142 : memref<1x32x256xf32, #tpu.memory_space<hbm>> -> memref<32x256xf32, #tpu.memory_space<hbm>>
      %dma_start3A_144 = arith.constant 0 : i32
      %dma_start3A_145 = tpu.memref_slice %arg4[%dma_start3A_140, %add3A_139, %dma_start3A_144] : memref<2x32768x256xf32, #tpu.memory_space<hbm>> -> memref<1x32x256xf32, #tpu.memory_space<hbm>>
      %dma_start3A_146 = tpu.memref_squeeze %dma_start3A_145 : memref<1x32x256xf32, #tpu.memory_space<hbm>> -> memref<32x256xf32, #tpu.memory_space<hbm>>
      tpu.enqueue_dma source(%arg7 : memref<32x256xf32, #tpu.memory_space<vmem>>) target(%dma_start3A_146 : memref<32x256xf32, #tpu.memory_space<hbm>>) target_semaphore(%arg18 : memref<!tpu.dma_semaphore, #tpu.memory_space<semaphore_mem>>)
      %dma_start3A_147 = arith.constant 1 : i32
      %dma_start3A_148 = arith.constant 0 : i32
      %dma_start3A_149 = tpu.memref_slice %arg4[%dma_start3A_147, %add3A_139, %dma_start3A_148] : memref<2x32768x256xf32, #tpu.memory_space<hbm>> -> memref<1x32x256xf32, #tpu.memory_space<hbm>>
      %dma_start3A_150 = tpu.memref_squeeze %dma_start3A_149 : memref<1x32x256xf32, #tpu.memory_space<hbm>> -> memref<32x256xf32, #tpu.memory_space<hbm>>
      %dma_start3A_151 = arith.constant 0 : i32
      %dma_start3A_152 = tpu.memref_slice %arg4[%dma_start3A_147, %add3A_139, %dma_start3A_151] : memref<2x32768x256xf32, #tpu.memory_space<hbm>> -> memref<1x32x256xf32, #tpu.memory_space<hbm>>
      %dma_start3A_153 = tpu.memref_squeeze %dma_start3A_152 : memref<1x32x256xf32, #tpu.memory_space<hbm>> -> memref<32x256xf32, #tpu.memory_space<hbm>>
      tpu.enqueue_dma source(%arg8 : memref<32x256xf32, #tpu.memory_space<vmem>>) target(%dma_start3A_153 : memref<32x256xf32, #tpu.memory_space<hbm>>) target_semaphore(%arg18 : memref<!tpu.dma_semaphore, #tpu.memory_space<semaphore_mem>>)
      %sub3A_154 = arith.constant 2 : i32
      %sub3A_155 = arith.subi %add3A_114, %sub3A_154 : i32
      %ge3A_156 = arith.constant 0 : i32
      %ge3A_157 = arith.cmpi sge, %sub3A_155, %ge3A_156 : i32
      %convert_element_type3A_158 = arith.extui %ge3A_157 : i1 to i32
      %cond3A_159 = arith.constant 0 : i32
      %cond3A_160 = arith.cmpi ne, %convert_element_type3A_158, %cond3A_159 : i32
      scf.if %cond3A_160 {
        %sub3A_283 = arith.constant 2 : i32
        %sub3A_284 = arith.subi %add3A_114, %sub3A_283 : i32
        %mul3A_285 = arith.constant 32 : i32
        %mul3A_286 = arith.muli %sub3A_284, %mul3A_285 : i32
        %add3A_287 = arith.addi %mul3A_2, %mul3A_286 : i32
        %dma_wait3A_288 = arith.constant 0 : i32
        %dma_wait3A_289 = arith.constant 0 : i32
        %dma_wait3A_290 = tpu.memref_slice %arg4[%dma_wait3A_288, %add3A_287, %dma_wait3A_289] : memref<2x32768x256xf32, #tpu.memory_space<hbm>> -> memref<1x32x256xf32, #tpu.memory_space<hbm>>
        %dma_wait3A_291 = tpu.memref_squeeze %dma_wait3A_290 : memref<1x32x256xf32, #tpu.memory_space<hbm>> -> memref<32x256xf32, #tpu.memory_space<hbm>>
        %dma_wait3A_292 = arith.constant 0 : i32
        %dma_wait3A_293 = tpu.memref_slice %arg4[%dma_wait3A_288, %add3A_287, %dma_wait3A_292] : memref<2x32768x256xf32, #tpu.memory_space<hbm>> -> memref<1x32x256xf32, #tpu.memory_space<hbm>>
        %dma_wait3A_294 = tpu.memref_squeeze %dma_wait3A_293 : memref<1x32x256xf32, #tpu.memory_space<hbm>> -> memref<32x256xf32, #tpu.memory_space<hbm>>
        tpu.wait_dma2 semaphore(%arg20 : memref<!tpu.dma_semaphore, #tpu.memory_space<semaphore_mem>>) src(%arg11 : memref<32x256xf32, #tpu.memory_space<vmem>>) dst(%dma_wait3A_294 : memref<32x256xf32, #tpu.memory_space<hbm>>)
        %dma_wait3A_295 = arith.constant 1 : i32
        %dma_wait3A_296 = arith.constant 0 : i32
        %dma_wait3A_297 = tpu.memref_slice %arg4[%dma_wait3A_295, %add3A_287, %dma_wait3A_296] : memref<2x32768x256xf32, #tpu.memory_space<hbm>> -> memref<1x32x256xf32, #tpu.memory_space<hbm>>
        %dma_wait3A_298 = tpu.memref_squeeze %dma_wait3A_297 : memref<1x32x256xf32, #tpu.memory_space<hbm>> -> memref<32x256xf32, #tpu.memory_space<hbm>>
        %dma_wait3A_299 = arith.constant 0 : i32
        %dma_wait3A_300 = tpu.memref_slice %arg4[%dma_wait3A_295, %add3A_287, %dma_wait3A_299] : memref<2x32768x256xf32, #tpu.memory_space<hbm>> -> memref<1x32x256xf32, #tpu.memory_space<hbm>>
        %dma_wait3A_301 = tpu.memref_squeeze %dma_wait3A_300 : memref<1x32x256xf32, #tpu.memory_space<hbm>> -> memref<32x256xf32, #tpu.memory_space<hbm>>
        tpu.wait_dma2 semaphore(%arg20 : memref<!tpu.dma_semaphore, #tpu.memory_space<semaphore_mem>>) src(%arg12 : memref<32x256xf32, #tpu.memory_space<vmem>>) dst(%dma_wait3A_301 : memref<32x256xf32, #tpu.memory_space<hbm>>)
      } else {
      }
      %add3A_161 = arith.constant 2 : i32
      %add3A_162 = arith.addi %add3A_114, %add3A_161 : i32
      %lt3A_163 = arith.constant 32 : i32
      %lt3A_164 = arith.cmpi slt, %add3A_162, %lt3A_163 : i32
      %convert_element_type3A_165 = arith.extui %lt3A_164 : i1 to i32
      %cond3A_166 = arith.constant 0 : i32
      %cond3A_167 = arith.cmpi ne, %convert_element_type3A_165, %cond3A_166 : i32
      scf.if %cond3A_167 {
        %add3A_283 = arith.constant 2 : i32
        %add3A_284 = arith.addi %add3A_114, %add3A_283 : i32
        %mul3A_285 = arith.constant 32 : i32
        %mul3A_286 = arith.muli %add3A_284, %mul3A_285 : i32
        %add3A_287 = arith.addi %mul3A_2, %mul3A_286 : i32
        %dma_start3A_288 = arith.constant 0 : i32
        %dma_start3A_289 = tpu.memref_slice %arg2[%add3A_287, %dma_start3A_288] : memref<32768x256xf32, #tpu.memory_space<hbm>> -> memref<32x256xf32, #tpu.memory_space<hbm>>
        %dma_start3A_290 = arith.constant 0 : i32
        %dma_start3A_291 = tpu.memref_slice %arg2[%add3A_287, %dma_start3A_290] : memref<32768x256xf32, #tpu.memory_space<hbm>> -> memref<32x256xf32, #tpu.memory_space<hbm>>
        tpu.enqueue_dma source(%dma_start3A_291 : memref<32x256xf32, #tpu.memory_space<hbm>>) target(%arg11 : memref<32x256xf32, #tpu.memory_space<vmem>>) target_semaphore(%arg16 : memref<!tpu.dma_semaphore, #tpu.memory_space<semaphore_mem>>)
        %dma_start3A_292 = arith.constant 0 : i32
        %dma_start3A_293 = tpu.memref_slice %arg3[%add3A_287, %dma_start3A_292] : memref<32768x256xf32, #tpu.memory_space<hbm>> -> memref<32x256xf32, #tpu.memory_space<hbm>>
        %dma_start3A_294 = arith.constant 0 : i32
        %dma_start3A_295 = tpu.memref_slice %arg3[%add3A_287, %dma_start3A_294] : memref<32768x256xf32, #tpu.memory_space<hbm>> -> memref<32x256xf32, #tpu.memory_space<hbm>>
        tpu.enqueue_dma source(%dma_start3A_295 : memref<32x256xf32, #tpu.memory_space<hbm>>) target(%arg12 : memref<32x256xf32, #tpu.memory_space<vmem>>) target_semaphore(%arg16 : memref<!tpu.dma_semaphore, #tpu.memory_space<semaphore_mem>>)
      } else {
      }
      %mul3A_168 = arith.constant 4 : i32
      %mul3A_169 = arith.muli %scan3A_59, %mul3A_168 : i32
      %add3A_170 = arith.constant 2 : i32
      %add3A_171 = arith.addi %mul3A_169, %add3A_170 : i32
      %mul3A_172 = arith.constant 32 : i32
      %mul3A_173 = arith.muli %add3A_171, %mul3A_172 : i32
      %add3A_174 = arith.addi %mul3A_2, %mul3A_173 : i32
      %dma_wait3A_175 = arith.constant 0 : i32
      %dma_wait3A_176 = tpu.memref_slice %arg2[%add3A_174, %dma_wait3A_175] : memref<32768x256xf32, #tpu.memory_space<hbm>> -> memref<32x256xf32, #tpu.memory_space<hbm>>
      %dma_wait3A_177 = arith.constant 0 : i32
      %dma_wait3A_178 = tpu.memref_slice %arg2[%add3A_174, %dma_wait3A_177] : memref<32768x256xf32, #tpu.memory_space<hbm>> -> memref<32x256xf32, #tpu.memory_space<hbm>>
      tpu.wait_dma2 semaphore(%arg15 : memref<!tpu.dma_semaphore, #tpu.memory_space<semaphore_mem>>) src(%dma_wait3A_178 : memref<32x256xf32, #tpu.memory_space<hbm>>) dst(%arg9 : memref<32x256xf32, #tpu.memory_space<vmem>>)
      %dma_wait3A_179 = arith.constant 0 : i32
      %dma_wait3A_180 = tpu.memref_slice %arg3[%add3A_174, %dma_wait3A_179] : memref<32768x256xf32, #tpu.memory_space<hbm>> -> memref<32x256xf32, #tpu.memory_space<hbm>>
      %dma_wait3A_181 = arith.constant 0 : i32
      %dma_wait3A_182 = tpu.memref_slice %arg3[%add3A_174, %dma_wait3A_181] : memref<32768x256xf32, #tpu.memory_space<hbm>> -> memref<32x256xf32, #tpu.memory_space<hbm>>
      tpu.wait_dma2 semaphore(%arg15 : memref<!tpu.dma_semaphore, #tpu.memory_space<semaphore_mem>>) src(%dma_wait3A_182 : memref<32x256xf32, #tpu.memory_space<hbm>>) dst(%arg10 : memref<32x256xf32, #tpu.memory_space<vmem>>)
      %iota3A_183 = tpu.iota {dimensions = array<i32: 0>} : vector<16xi32>
      %eq3A_184 = arith.constant 0 : i32
      %eq3A_185 = vector.broadcast %eq3A_184 : i32 to vector<16xi32>
      %eq3A_186 = arith.cmpi eq, %iota3A_183, %eq3A_185 : vector<16xi32>
      %scan3A_187 = arith.constant 0 : i32
      %scan3A_188 = arith.constant 0 : i32
      %scan3A_189 = arith.constant 8 : i32
      %scan3A_190 = arith.addi %scan3A_188, %scan3A_189 : i32
      %scan3A_191 = arith.constant 1 : i32
      %scan3A_192 = scf.for %scan3A_283 = %scan3A_188 to %scan3A_190 step %scan3A_191 iter_args(%scan3A_284 = %scan3A_187) -> (i32)  : i32 {
        %mul3A_285 = arith.constant 4 : i32
        %mul3A_286 = arith.muli %scan3A_283, %mul3A_285 : i32
        %add3A_287 = arith.constant 0 : i32
        %add3A_288 = arith.addi %mul3A_286, %add3A_287 : i32
        %get3A = arith.index_cast %add3A_288 : i32 to index
        %get3A_289 = arith.constant 0 : index
        %get3A_290 = tpu.vector_load %arg9[%get3A, %get3A_289] {strides = array<i32>} : memref<32x256xf32, #tpu.memory_space<vmem>>, vector<1x16xf32>,
        %get3A_291 = vector.shape_cast %get3A_290 : vector<1x16xf32> to vector<16xf32>
        %get3A_292 = arith.index_cast %add3A_288 : i32 to index
        %get3A_293 = arith.constant 0 : index
        %get3A_294 = tpu.vector_load %arg10[%get3A_292, %get3A_293] {strides = array<i32>} : memref<32x256xf32, #tpu.memory_space<vmem>>, vector<1x16xf32>,
        %get3A_295 = vector.shape_cast %get3A_294 : vector<1x16xf32> to vector<16xf32>
        %sub3A_296 = arith.subf %get3A_291, %get3A_295 : vector<16xf32>
        %add3A_297 = arith.addf %get3A_291, %get3A_295 : vector<16xf32>
        %le3A = arith.constant 0.000000e+00 : f32
        %le3A_298 = vector.broadcast %le3A : f32 to vector<16xf32>
        %le3A_299 = arith.cmpf ole, %sub3A_296, %le3A_298 : vector<16xf32>
        %gt3A = arith.constant 0.000000e+00 : f32
        %gt3A_300 = vector.broadcast %gt3A : f32 to vector<16xf32>
        %gt3A_301 = arith.cmpf ogt, %add3A_297, %gt3A_300 : vector<16xf32>
        %min3A = arith.constant 0.000000e+00 : f32
        %min3A_302 = vector.broadcast %min3A : f32 to vector<16xf32>
        %min3A_303 = arith.minimumf %add3A_297, %min3A_302 : vector<16xf32>
        %add3A_304 = arith.addf %sub3A_296, %min3A_303 : vector<16xf32>
        %mul3A_305 = arith.constant 5.000000e-01 : f32
        %mul3A_306 = vector.broadcast %mul3A_305 : f32 to vector<16xf32>
        %mul3A_307 = arith.mulf %add3A_304, %mul3A_306 : vector<16xf32>
        %sub3A_308 = arith.subf %min3A_303, %sub3A_296 : vector<16xf32>
        %mul3A_309 = arith.constant 5.000000e-01 : f32
        %mul3A_310 = vector.broadcast %mul3A_309 : f32 to vector<16xf32>
        %mul3A_311 = arith.mulf %sub3A_308, %mul3A_310 : vector<16xf32>
        %max3A = arith.constant 0.000000e+00 : f32
        %max3A_312 = vector.broadcast %max3A : f32 to vector<16xf32>
        %max3A_313 = arith.maximumf %sub3A_296, %max3A_312 : vector<16xf32>
        %add3A_314 = arith.addf %max3A_313, %add3A_297 : vector<16xf32>
        %mul3A_315 = arith.constant 5.000000e-01 : f32
        %mul3A_316 = vector.broadcast %mul3A_315 : f32 to vector<16xf32>
        %mul3A_317 = arith.mulf %add3A_314, %mul3A_316 : vector<16xf32>
        %sub3A_318 = arith.subf %add3A_297, %max3A_313 : vector<16xf32>
        %mul3A_319 = arith.constant 5.000000e-01 : f32
        %mul3A_320 = vector.broadcast %mul3A_319 : f32 to vector<16xf32>
        %mul3A_321 = arith.mulf %sub3A_318, %mul3A_320 : vector<16xf32>
        %sub3A_322 = arith.subf %mul3A_307, %mul3A_311 : vector<16xf32>
        %add3A_323 = arith.addf %mul3A_307, %mul3A_311 : vector<16xf32>
        %sub3A_324 = arith.subf %mul3A_317, %mul3A_321 : vector<16xf32>
        %add3A_325 = arith.addf %mul3A_317, %mul3A_321 : vector<16xf32>
        %and3A = arith.andi %le3A_299, %gt3A_301 : vector<16xi1>
        %min3A_326 = arith.minimumf %sub3A_322, %sub3A_324 : vector<16xf32>
        %select_n3A = arith.select %le3A_299, %sub3A_322, %sub3A_324 : vector<16xi1>, vector<16xf32>
        %select_n3A_327 = arith.select %and3A, %min3A_326, %select_n3A : vector<16xi1>, vector<16xf32>
        %max3A_328 = arith.maximumf %add3A_323, %add3A_325 : vector<16xf32>
        %select_n3A_329 = arith.select %le3A_299, %add3A_323, %add3A_325 : vector<16xi1>, vector<16xf32>
        %select_n3A_330 = arith.select %and3A, %max3A_328, %select_n3A_329 : vector<16xi1>, vector<16xf32>
        %add3A_331 = arith.addf %select_n3A_327, %select_n3A_330 : vector<16xf32>
        %mul3A_332 = arith.constant 5.000000e-01 : f32
        %mul3A_333 = vector.broadcast %mul3A_332 : f32 to vector<16xf32>
        %mul3A_334 = arith.mulf %add3A_331, %mul3A_333 : vector<16xf32>
        %select_n3A_335 = arith.select %eq3A_186, %mul3A_334, %get3A_291 : vector<16xi1>, vector<16xf32>
        %swap3A = arith.index_cast %add3A_288 : i32 to index
        %swap3A_336 = arith.constant 0 : index
        %swap3A_337 = tpu.vector_load %arg9[%swap3A, %swap3A_336] {strides = array<i32>} : memref<32x256xf32, #tpu.memory_space<vmem>>, vector<1x16xf32>,
        %swap3A_338 = vector.shape_cast %swap3A_337 : vector<1x16xf32> to vector<16xf32>
        %swap3A_339 = vector.shape_cast %select_n3A_335 : vector<16xf32> to vector<1x16xf32>
        tpu.vector_store %arg9[%swap3A, %swap3A_336], %swap3A_339 {strides = array<i32>} : memref<32x256xf32, #tpu.memory_space<vmem>>, vector<1x16xf32>,
        %sub3A_340 = arith.subf %select_n3A_330, %select_n3A_327 : vector<16xf32>
        %mul3A_341 = arith.constant 5.000000e-01 : f32
        %mul3A_342 = vector.broadcast %mul3A_341 : f32 to vector<16xf32>
        %mul3A_343 = arith.mulf %sub3A_340, %mul3A_342 : vector<16xf32>
        %select_n3A_344 = arith.select %eq3A_186, %mul3A_343, %get3A_295 : vector<16xi1>, vector<16xf32>
        %swap3A_345 = arith.index_cast %add3A_288 : i32 to index
        %swap3A_346 = arith.constant 0 : index
        %swap3A_347 = tpu.vector_load %arg10[%swap3A_345, %swap3A_346] {strides = array<i32>} : memref<32x256xf32, #tpu.memory_space<vmem>>, vector<1x16xf32>,
        %swap3A_348 = vector.shape_cast %swap3A_347 : vector<1x16xf32> to vector<16xf32>
        %swap3A_349 = vector.shape_cast %select_n3A_344 : vector<16xf32> to vector<1x16xf32>
        tpu.vector_store %arg10[%swap3A_345, %swap3A_346], %swap3A_349 {strides = array<i32>} : memref<32x256xf32, #tpu.memory_space<vmem>>, vector<1x16xf32>,
        %mul3A_350 = arith.constant 4 : i32
        %mul3A_351 = arith.muli %scan3A_283, %mul3A_350 : i32
        %add3A_352 = arith.constant 1 : i32
        %add3A_353 = arith.addi %mul3A_351, %add3A_352 : i32
        %get3A_354 = arith.index_cast %add3A_353 : i32 to index
        %get3A_355 = arith.constant 0 : index
        %get3A_356 = tpu.vector_load %arg9[%get3A_354, %get3A_355] {strides = array<i32>} : memref<32x256xf32, #tpu.memory_space<vmem>>, vector<1x16xf32>,
        %get3A_357 = vector.shape_cast %get3A_356 : vector<1x16xf32> to vector<16xf32>
        %get3A_358 = arith.index_cast %add3A_353 : i32 to index
        %get3A_359 = arith.constant 0 : index
        %get3A_360 = tpu.vector_load %arg10[%get3A_358, %get3A_359] {strides = array<i32>} : memref<32x256xf32, #tpu.memory_space<vmem>>, vector<1x16xf32>,
        %get3A_361 = vector.shape_cast %get3A_360 : vector<1x16xf32> to vector<16xf32>
        %sub3A_362 = arith.subf %get3A_357, %get3A_361 : vector<16xf32>
        %add3A_363 = arith.addf %get3A_357, %get3A_361 : vector<16xf32>
        %le3A_364 = arith.constant 0.000000e+00 : f32
        %le3A_365 = vector.broadcast %le3A_364 : f32 to vector<16xf32>
        %le3A_366 = arith.cmpf ole, %sub3A_362, %le3A_365 : vector<16xf32>
        %gt3A_367 = arith.constant 0.000000e+00 : f32
        %gt3A_368 = vector.broadcast %gt3A_367 : f32 to vector<16xf32>
        %gt3A_369 = arith.cmpf ogt, %add3A_363, %gt3A_368 : vector<16xf32>
        %min3A_370 = arith.constant 0.000000e+00 : f32
        %min3A_371 = vector.broadcast %min3A_370 : f32 to vector<16xf32>
        %min3A_372 = arith.minimumf %add3A_363, %min3A_371 : vector<16xf32>
        %add3A_373 = arith.addf %sub3A_362, %min3A_372 : vector<16xf32>
        %mul3A_374 = arith.constant 5.000000e-01 : f32
        %mul3A_375 = vector.broadcast %mul3A_374 : f32 to vector<16xf32>
        %mul3A_376 = arith.mulf %add3A_373, %mul3A_375 : vector<16xf32>
        %sub3A_377 = arith.subf %min3A_372, %sub3A_362 : vector<16xf32>
        %mul3A_378 = arith.constant 5.000000e-01 : f32
        %mul3A_379 = vector.broadcast %mul3A_378 : f32 to vector<16xf32>
        %mul3A_380 = arith.mulf %sub3A_377, %mul3A_379 : vector<16xf32>
        %max3A_381 = arith.constant 0.000000e+00 : f32
        %max3A_382 = vector.broadcast %max3A_381 : f32 to vector<16xf32>
        %max3A_383 = arith.maximumf %sub3A_362, %max3A_382 : vector<16xf32>
        %add3A_384 = arith.addf %max3A_383, %add3A_363 : vector<16xf32>
        %mul3A_385 = arith.constant 5.000000e-01 : f32
        %mul3A_386 = vector.broadcast %mul3A_385 : f32 to vector<16xf32>
        %mul3A_387 = arith.mulf %add3A_384, %mul3A_386 : vector<16xf32>
        %sub3A_388 = arith.subf %add3A_363, %max3A_383 : vector<16xf32>
        %mul3A_389 = arith.constant 5.000000e-01 : f32
        %mul3A_390 = vector.broadcast %mul3A_389 : f32 to vector<16xf32>
        %mul3A_391 = arith.mulf %sub3A_388, %mul3A_390 : vector<16xf32>
        %sub3A_392 = arith.subf %mul3A_376, %mul3A_380 : vector<16xf32>
        %add3A_393 = arith.addf %mul3A_376, %mul3A_380 : vector<16xf32>
        %sub3A_394 = arith.subf %mul3A_387, %mul3A_391 : vector<16xf32>
        %add3A_395 = arith.addf %mul3A_387, %mul3A_391 : vector<16xf32>
        %and3A_396 = arith.andi %le3A_366, %gt3A_369 : vector<16xi1>
        %min3A_397 = arith.minimumf %sub3A_392, %sub3A_394 : vector<16xf32>
        %select_n3A_398 = arith.select %le3A_366, %sub3A_392, %sub3A_394 : vector<16xi1>, vector<16xf32>
        %select_n3A_399 = arith.select %and3A_396, %min3A_397, %select_n3A_398 : vector<16xi1>, vector<16xf32>
        %max3A_400 = arith.maximumf %add3A_393, %add3A_395 : vector<16xf32>
        %select_n3A_401 = arith.select %le3A_366, %add3A_393, %add3A_395 : vector<16xi1>, vector<16xf32>
        %select_n3A_402 = arith.select %and3A_396, %max3A_400, %select_n3A_401 : vector<16xi1>, vector<16xf32>
        %add3A_403 = arith.addf %select_n3A_399, %select_n3A_402 : vector<16xf32>
        %mul3A_404 = arith.constant 5.000000e-01 : f32
        %mul3A_405 = vector.broadcast %mul3A_404 : f32 to vector<16xf32>
        %mul3A_406 = arith.mulf %add3A_403, %mul3A_405 : vector<16xf32>
        %select_n3A_407 = arith.select %eq3A_186, %mul3A_406, %get3A_357 : vector<16xi1>, vector<16xf32>
        %swap3A_408 = arith.index_cast %add3A_353 : i32 to index
        %swap3A_409 = arith.constant 0 : index
        %swap3A_410 = tpu.vector_load %arg9[%swap3A_408, %swap3A_409] {strides = array<i32>} : memref<32x256xf32, #tpu.memory_space<vmem>>, vector<1x16xf32>,
        %swap3A_411 = vector.shape_cast %swap3A_410 : vector<1x16xf32> to vector<16xf32>
        %swap3A_412 = vector.shape_cast %select_n3A_407 : vector<16xf32> to vector<1x16xf32>
        tpu.vector_store %arg9[%swap3A_408, %swap3A_409], %swap3A_412 {strides = array<i32>} : memref<32x256xf32, #tpu.memory_space<vmem>>, vector<1x16xf32>,
        %sub3A_413 = arith.subf %select_n3A_402, %select_n3A_399 : vector<16xf32>
        %mul3A_414 = arith.constant 5.000000e-01 : f32
        %mul3A_415 = vector.broadcast %mul3A_414 : f32 to vector<16xf32>
        %mul3A_416 = arith.mulf %sub3A_413, %mul3A_415 : vector<16xf32>
        %select_n3A_417 = arith.select %eq3A_186, %mul3A_416, %get3A_361 : vector<16xi1>, vector<16xf32>
        %swap3A_418 = arith.index_cast %add3A_353 : i32 to index
        %swap3A_419 = arith.constant 0 : index
        %swap3A_420 = tpu.vector_load %arg10[%swap3A_418, %swap3A_419] {strides = array<i32>} : memref<32x256xf32, #tpu.memory_space<vmem>>, vector<1x16xf32>,
        %swap3A_421 = vector.shape_cast %swap3A_420 : vector<1x16xf32> to vector<16xf32>
        %swap3A_422 = vector.shape_cast %select_n3A_417 : vector<16xf32> to vector<1x16xf32>
        tpu.vector_store %arg10[%swap3A_418, %swap3A_419], %swap3A_422 {strides = array<i32>} : memref<32x256xf32, #tpu.memory_space<vmem>>, vector<1x16xf32>,
        %mul3A_423 = arith.constant 4 : i32
        %mul3A_424 = arith.muli %scan3A_283, %mul3A_423 : i32
        %add3A_425 = arith.constant 2 : i32
        %add3A_426 = arith.addi %mul3A_424, %add3A_425 : i32
        %get3A_427 = arith.index_cast %add3A_426 : i32 to index
        %get3A_428 = arith.constant 0 : index
        %get3A_429 = tpu.vector_load %arg9[%get3A_427, %get3A_428] {strides = array<i32>} : memref<32x256xf32, #tpu.memory_space<vmem>>, vector<1x16xf32>,
        %get3A_430 = vector.shape_cast %get3A_429 : vector<1x16xf32> to vector<16xf32>
        %get3A_431 = arith.index_cast %add3A_426 : i32 to index
        %get3A_432 = arith.constant 0 : index
        %get3A_433 = tpu.vector_load %arg10[%get3A_431, %get3A_432] {strides = array<i32>} : memref<32x256xf32, #tpu.memory_space<vmem>>, vector<1x16xf32>,
        %get3A_434 = vector.shape_cast %get3A_433 : vector<1x16xf32> to vector<16xf32>
        %sub3A_435 = arith.subf %get3A_430, %get3A_434 : vector<16xf32>
        %add3A_436 = arith.addf %get3A_430, %get3A_434 : vector<16xf32>
        %le3A_437 = arith.constant 0.000000e+00 : f32
        %le3A_438 = vector.broadcast %le3A_437 : f32 to vector<16xf32>
        %le3A_439 = arith.cmpf ole, %sub3A_435, %le3A_438 : vector<16xf32>
        %gt3A_440 = arith.constant 0.000000e+00 : f32
        %gt3A_441 = vector.broadcast %gt3A_440 : f32 to vector<16xf32>
        %gt3A_442 = arith.cmpf ogt, %add3A_436, %gt3A_441 : vector<16xf32>
        %min3A_443 = arith.constant 0.000000e+00 : f32
        %min3A_444 = vector.broadcast %min3A_443 : f32 to vector<16xf32>
        %min3A_445 = arith.minimumf %add3A_436, %min3A_444 : vector<16xf32>
        %add3A_446 = arith.addf %sub3A_435, %min3A_445 : vector<16xf32>
        %mul3A_447 = arith.constant 5.000000e-01 : f32
        %mul3A_448 = vector.broadcast %mul3A_447 : f32 to vector<16xf32>
        %mul3A_449 = arith.mulf %add3A_446, %mul3A_448 : vector<16xf32>
        %sub3A_450 = arith.subf %min3A_445, %sub3A_435 : vector<16xf32>
        %mul3A_451 = arith.constant 5.000000e-01 : f32
        %mul3A_452 = vector.broadcast %mul3A_451 : f32 to vector<16xf32>
        %mul3A_453 = arith.mulf %sub3A_450, %mul3A_452 : vector<16xf32>
        %max3A_454 = arith.constant 0.000000e+00 : f32
        %max3A_455 = vector.broadcast %max3A_454 : f32 to vector<16xf32>
        %max3A_456 = arith.maximumf %sub3A_435, %max3A_455 : vector<16xf32>
        %add3A_457 = arith.addf %max3A_456, %add3A_436 : vector<16xf32>
        %mul3A_458 = arith.constant 5.000000e-01 : f32
        %mul3A_459 = vector.broadcast %mul3A_458 : f32 to vector<16xf32>
        %mul3A_460 = arith.mulf %add3A_457, %mul3A_459 : vector<16xf32>
        %sub3A_461 = arith.subf %add3A_436, %max3A_456 : vector<16xf32>
        %mul3A_462 = arith.constant 5.000000e-01 : f32
        %mul3A_463 = vector.broadcast %mul3A_462 : f32 to vector<16xf32>
        %mul3A_464 = arith.mulf %sub3A_461, %mul3A_463 : vector<16xf32>
        %sub3A_465 = arith.subf %mul3A_449, %mul3A_453 : vector<16xf32>
        %add3A_466 = arith.addf %mul3A_449, %mul3A_453 : vector<16xf32>
        %sub3A_467 = arith.subf %mul3A_460, %mul3A_464 : vector<16xf32>
        %add3A_468 = arith.addf %mul3A_460, %mul3A_464 : vector<16xf32>
        %and3A_469 = arith.andi %le3A_439, %gt3A_442 : vector<16xi1>
        %min3A_470 = arith.minimumf %sub3A_465, %sub3A_467 : vector<16xf32>
        %select_n3A_471 = arith.select %le3A_439, %sub3A_465, %sub3A_467 : vector<16xi1>, vector<16xf32>
        %select_n3A_472 = arith.select %and3A_469, %min3A_470, %select_n3A_471 : vector<16xi1>, vector<16xf32>
        %max3A_473 = arith.maximumf %add3A_466, %add3A_468 : vector<16xf32>
        %select_n3A_474 = arith.select %le3A_439, %add3A_466, %add3A_468 : vector<16xi1>, vector<16xf32>
        %select_n3A_475 = arith.select %and3A_469, %max3A_473, %select_n3A_474 : vector<16xi1>, vector<16xf32>
        %add3A_476 = arith.addf %select_n3A_472, %select_n3A_475 : vector<16xf32>
        %mul3A_477 = arith.constant 5.000000e-01 : f32
        %mul3A_478 = vector.broadcast %mul3A_477 : f32 to vector<16xf32>
        %mul3A_479 = arith.mulf %add3A_476, %mul3A_478 : vector<16xf32>
        %select_n3A_480 = arith.select %eq3A_186, %mul3A_479, %get3A_430 : vector<16xi1>, vector<16xf32>
        %swap3A_481 = arith.index_cast %add3A_426 : i32 to index
        %swap3A_482 = arith.constant 0 : index
        %swap3A_483 = tpu.vector_load %arg9[%swap3A_481, %swap3A_482] {strides = array<i32>} : memref<32x256xf32, #tpu.memory_space<vmem>>, vector<1x16xf32>,
        %swap3A_484 = vector.shape_cast %swap3A_483 : vector<1x16xf32> to vector<16xf32>
        %swap3A_485 = vector.shape_cast %select_n3A_480 : vector<16xf32> to vector<1x16xf32>
        tpu.vector_store %arg9[%swap3A_481, %swap3A_482], %swap3A_485 {strides = array<i32>} : memref<32x256xf32, #tpu.memory_space<vmem>>, vector<1x16xf32>,
        %sub3A_486 = arith.subf %select_n3A_475, %select_n3A_472 : vector<16xf32>
        %mul3A_487 = arith.constant 5.000000e-01 : f32
        %mul3A_488 = vector.broadcast %mul3A_487 : f32 to vector<16xf32>
        %mul3A_489 = arith.mulf %sub3A_486, %mul3A_488 : vector<16xf32>
        %select_n3A_490 = arith.select %eq3A_186, %mul3A_489, %get3A_434 : vector<16xi1>, vector<16xf32>
        %swap3A_491 = arith.index_cast %add3A_426 : i32 to index
        %swap3A_492 = arith.constant 0 : index
        %swap3A_493 = tpu.vector_load %arg10[%swap3A_491, %swap3A_492] {strides = array<i32>} : memref<32x256xf32, #tpu.memory_space<vmem>>, vector<1x16xf32>,
        %swap3A_494 = vector.shape_cast %swap3A_493 : vector<1x16xf32> to vector<16xf32>
        %swap3A_495 = vector.shape_cast %select_n3A_490 : vector<16xf32> to vector<1x16xf32>
        tpu.vector_store %arg10[%swap3A_491, %swap3A_492], %swap3A_495 {strides = array<i32>} : memref<32x256xf32, #tpu.memory_space<vmem>>, vector<1x16xf32>,
        %mul3A_496 = arith.constant 4 : i32
        %mul3A_497 = arith.muli %scan3A_283, %mul3A_496 : i32
        %add3A_498 = arith.constant 3 : i32
        %add3A_499 = arith.addi %mul3A_497, %add3A_498 : i32
        %get3A_500 = arith.index_cast %add3A_499 : i32 to index
        %get3A_501 = arith.constant 0 : index
        %get3A_502 = tpu.vector_load %arg9[%get3A_500, %get3A_501] {strides = array<i32>} : memref<32x256xf32, #tpu.memory_space<vmem>>, vector<1x16xf32>,
        %get3A_503 = vector.shape_cast %get3A_502 : vector<1x16xf32> to vector<16xf32>
        %get3A_504 = arith.index_cast %add3A_499 : i32 to index
        %get3A_505 = arith.constant 0 : index
        %get3A_506 = tpu.vector_load %arg10[%get3A_504, %get3A_505] {strides = array<i32>} : memref<32x256xf32, #tpu.memory_space<vmem>>, vector<1x16xf32>,
        %get3A_507 = vector.shape_cast %get3A_506 : vector<1x16xf32> to vector<16xf32>
        %sub3A_508 = arith.subf %get3A_503, %get3A_507 : vector<16xf32>
        %add3A_509 = arith.addf %get3A_503, %get3A_507 : vector<16xf32>
        %le3A_510 = arith.constant 0.000000e+00 : f32
        %le3A_511 = vector.broadcast %le3A_510 : f32 to vector<16xf32>
        %le3A_512 = arith.cmpf ole, %sub3A_508, %le3A_511 : vector<16xf32>
        %gt3A_513 = arith.constant 0.000000e+00 : f32
        %gt3A_514 = vector.broadcast %gt3A_513 : f32 to vector<16xf32>
        %gt3A_515 = arith.cmpf ogt, %add3A_509, %gt3A_514 : vector<16xf32>
        %min3A_516 = arith.constant 0.000000e+00 : f32
        %min3A_517 = vector.broadcast %min3A_516 : f32 to vector<16xf32>
        %min3A_518 = arith.minimumf %add3A_509, %min3A_517 : vector<16xf32>
        %add3A_519 = arith.addf %sub3A_508, %min3A_518 : vector<16xf32>
        %mul3A_520 = arith.constant 5.000000e-01 : f32
        %mul3A_521 = vector.broadcast %mul3A_520 : f32 to vector<16xf32>
        %mul3A_522 = arith.mulf %add3A_519, %mul3A_521 : vector<16xf32>
        %sub3A_523 = arith.subf %min3A_518, %sub3A_508 : vector<16xf32>
        %mul3A_524 = arith.constant 5.000000e-01 : f32
        %mul3A_525 = vector.broadcast %mul3A_524 : f32 to vector<16xf32>
        %mul3A_526 = arith.mulf %sub3A_523, %mul3A_525 : vector<16xf32>
        %max3A_527 = arith.constant 0.000000e+00 : f32
        %max3A_528 = vector.broadcast %max3A_527 : f32 to vector<16xf32>
        %max3A_529 = arith.maximumf %sub3A_508, %max3A_528 : vector<16xf32>
        %add3A_530 = arith.addf %max3A_529, %add3A_509 : vector<16xf32>
        %mul3A_531 = arith.constant 5.000000e-01 : f32
        %mul3A_532 = vector.broadcast %mul3A_531 : f32 to vector<16xf32>
        %mul3A_533 = arith.mulf %add3A_530, %mul3A_532 : vector<16xf32>
        %sub3A_534 = arith.subf %add3A_509, %max3A_529 : vector<16xf32>
        %mul3A_535 = arith.constant 5.000000e-01 : f32
        %mul3A_536 = vector.broadcast %mul3A_535 : f32 to vector<16xf32>
        %mul3A_537 = arith.mulf %sub3A_534, %mul3A_536 : vector<16xf32>
        %sub3A_538 = arith.subf %mul3A_522, %mul3A_526 : vector<16xf32>
        %add3A_539 = arith.addf %mul3A_522, %mul3A_526 : vector<16xf32>
        %sub3A_540 = arith.subf %mul3A_533, %mul3A_537 : vector<16xf32>
        %add3A_541 = arith.addf %mul3A_533, %mul3A_537 : vector<16xf32>
        %and3A_542 = arith.andi %le3A_512, %gt3A_515 : vector<16xi1>
        %min3A_543 = arith.minimumf %sub3A_538, %sub3A_540 : vector<16xf32>
        %select_n3A_544 = arith.select %le3A_512, %sub3A_538, %sub3A_540 : vector<16xi1>, vector<16xf32>
        %select_n3A_545 = arith.select %and3A_542, %min3A_543, %select_n3A_544 : vector<16xi1>, vector<16xf32>
        %max3A_546 = arith.maximumf %add3A_539, %add3A_541 : vector<16xf32>
        %select_n3A_547 = arith.select %le3A_512, %add3A_539, %add3A_541 : vector<16xi1>, vector<16xf32>
        %select_n3A_548 = arith.select %and3A_542, %max3A_546, %select_n3A_547 : vector<16xi1>, vector<16xf32>
        %add3A_549 = arith.addf %select_n3A_545, %select_n3A_548 : vector<16xf32>
        %mul3A_550 = arith.constant 5.000000e-01 : f32
        %mul3A_551 = vector.broadcast %mul3A_550 : f32 to vector<16xf32>
        %mul3A_552 = arith.mulf %add3A_549, %mul3A_551 : vector<16xf32>
        %select_n3A_553 = arith.select %eq3A_186, %mul3A_552, %get3A_503 : vector<16xi1>, vector<16xf32>
        %swap3A_554 = arith.index_cast %add3A_499 : i32 to index
        %swap3A_555 = arith.constant 0 : index
        %swap3A_556 = tpu.vector_load %arg9[%swap3A_554, %swap3A_555] {strides = array<i32>} : memref<32x256xf32, #tpu.memory_space<vmem>>, vector<1x16xf32>,
        %swap3A_557 = vector.shape_cast %swap3A_556 : vector<1x16xf32> to vector<16xf32>
        %swap3A_558 = vector.shape_cast %select_n3A_553 : vector<16xf32> to vector<1x16xf32>
        tpu.vector_store %arg9[%swap3A_554, %swap3A_555], %swap3A_558 {strides = array<i32>} : memref<32x256xf32, #tpu.memory_space<vmem>>, vector<1x16xf32>,
        %sub3A_559 = arith.subf %select_n3A_548, %select_n3A_545 : vector<16xf32>
        %mul3A_560 = arith.constant 5.000000e-01 : f32
        %mul3A_561 = vector.broadcast %mul3A_560 : f32 to vector<16xf32>
        %mul3A_562 = arith.mulf %sub3A_559, %mul3A_561 : vector<16xf32>
        %select_n3A_563 = arith.select %eq3A_186, %mul3A_562, %get3A_507 : vector<16xi1>, vector<16xf32>
        %swap3A_564 = arith.index_cast %add3A_499 : i32 to index
        %swap3A_565 = arith.constant 0 : index
        %swap3A_566 = tpu.vector_load %arg10[%swap3A_564, %swap3A_565] {strides = array<i32>} : memref<32x256xf32, #tpu.memory_space<vmem>>, vector<1x16xf32>,
        %swap3A_567 = vector.shape_cast %swap3A_566 : vector<1x16xf32> to vector<16xf32>
        %swap3A_568 = vector.shape_cast %select_n3A_563 : vector<16xf32> to vector<1x16xf32>
        tpu.vector_store %arg10[%swap3A_564, %swap3A_565], %swap3A_568 {strides = array<i32>} : memref<32x256xf32, #tpu.memory_space<vmem>>, vector<1x16xf32>,
        %scan3A_569 = arith.constant 0 : i32
        scf.yield %scan3A_569 : i32
      }
      %scan3A_193 = arith.constant 8 : i32
      %mul3A_194 = arith.constant 32 : i32
      %mul3A_195 = arith.muli %add3A_171, %mul3A_194 : i32
      %add3A_196 = arith.addi %mul3A_2, %mul3A_195 : i32
      %dma_start3A_197 = arith.constant 0 : i32
      %dma_start3A_198 = arith.constant 0 : i32
      %dma_start3A_199 = tpu.memref_slice %arg4[%dma_start3A_197, %add3A_196, %dma_start3A_198] : memref<2x32768x256xf32, #tpu.memory_space<hbm>> -> memref<1x32x256xf32, #tpu.memory_space<hbm>>
      %dma_start3A_200 = tpu.memref_squeeze %dma_start3A_199 : memref<1x32x256xf32, #tpu.memory_space<hbm>> -> memref<32x256xf32, #tpu.memory_space<hbm>>
      %dma_start3A_201 = arith.constant 0 : i32
      %dma_start3A_202 = tpu.memref_slice %arg4[%dma_start3A_197, %add3A_196, %dma_start3A_201] : memref<2x32768x256xf32, #tpu.memory_space<hbm>> -> memref<1x32x256xf32, #tpu.memory_space<hbm>>
      %dma_start3A_203 = tpu.memref_squeeze %dma_start3A_202 : memref<1x32x256xf32, #tpu.memory_space<hbm>> -> memref<32x256xf32, #tpu.memory_space<hbm>>
      tpu.enqueue_dma source(%arg9 : memref<32x256xf32, #tpu.memory_space<vmem>>) target(%dma_start3A_203 : memref<32x256xf32, #tpu.memory_space<hbm>>) target_semaphore(%arg19 : memref<!tpu.dma_semaphore, #tpu.memory_space<semaphore_mem>>)
      %dma_start3A_204 = arith.constant 1 : i32
      %dma_start3A_205 = arith.constant 0 : i32
      %dma_start3A_206 = tpu.memref_slice %arg4[%dma_start3A_204, %add3A_196, %dma_start3A_205] : memref<2x32768x256xf32, #tpu.memory_space<hbm>> -> memref<1x32x256xf32, #tpu.memory_space<hbm>>
      %dma_start3A_207 = tpu.memref_squeeze %dma_start3A_206 : memref<1x32x256xf32, #tpu.memory_space<hbm>> -> memref<32x256xf32, #tpu.memory_space<hbm>>
      %dma_start3A_208 = arith.constant 0 : i32
      %dma_start3A_209 = tpu.memref_slice %arg4[%dma_start3A_204, %add3A_196, %dma_start3A_208] : memref<2x32768x256xf32, #tpu.memory_space<hbm>> -> memref<1x32x256xf32, #tpu.memory_space<hbm>>
      %dma_start3A_210 = tpu.memref_squeeze %dma_start3A_209 : memref<1x32x256xf32, #tpu.memory_space<hbm>> -> memref<32x256xf32, #tpu.memory_space<hbm>>
      tpu.enqueue_dma source(%arg10 : memref<32x256xf32, #tpu.memory_space<vmem>>) target(%dma_start3A_210 : memref<32x256xf32, #tpu.memory_space<hbm>>) target_semaphore(%arg19 : memref<!tpu.dma_semaphore, #tpu.memory_space<semaphore_mem>>)
      %sub3A_211 = arith.constant 2 : i32
      %sub3A_212 = arith.subi %add3A_171, %sub3A_211 : i32
      %ge3A_213 = arith.constant 0 : i32
      %ge3A_214 = arith.cmpi sge, %sub3A_212, %ge3A_213 : i32
      %convert_element_type3A_215 = arith.extui %ge3A_214 : i1 to i32
      %cond3A_216 = arith.constant 0 : i32
      %cond3A_217 = arith.cmpi ne, %convert_element_type3A_215, %cond3A_216 : i32
      scf.if %cond3A_217 {
        %sub3A_283 = arith.constant 2 : i32
        %sub3A_284 = arith.subi %add3A_171, %sub3A_283 : i32
        %mul3A_285 = arith.constant 32 : i32
        %mul3A_286 = arith.muli %sub3A_284, %mul3A_285 : i32
        %add3A_287 = arith.addi %mul3A_2, %mul3A_286 : i32
        %dma_wait3A_288 = arith.constant 0 : i32
        %dma_wait3A_289 = arith.constant 0 : i32
        %dma_wait3A_290 = tpu.memref_slice %arg4[%dma_wait3A_288, %add3A_287, %dma_wait3A_289] : memref<2x32768x256xf32, #tpu.memory_space<hbm>> -> memref<1x32x256xf32, #tpu.memory_space<hbm>>
        %dma_wait3A_291 = tpu.memref_squeeze %dma_wait3A_290 : memref<1x32x256xf32, #tpu.memory_space<hbm>> -> memref<32x256xf32, #tpu.memory_space<hbm>>
        %dma_wait3A_292 = arith.constant 0 : i32
        %dma_wait3A_293 = tpu.memref_slice %arg4[%dma_wait3A_288, %add3A_287, %dma_wait3A_292] : memref<2x32768x256xf32, #tpu.memory_space<hbm>> -> memref<1x32x256xf32, #tpu.memory_space<hbm>>
        %dma_wait3A_294 = tpu.memref_squeeze %dma_wait3A_293 : memref<1x32x256xf32, #tpu.memory_space<hbm>> -> memref<32x256xf32, #tpu.memory_space<hbm>>
        tpu.wait_dma2 semaphore(%arg17 : memref<!tpu.dma_semaphore, #tpu.memory_space<semaphore_mem>>) src(%arg5 : memref<32x256xf32, #tpu.memory_space<vmem>>) dst(%dma_wait3A_294 : memref<32x256xf32, #tpu.memory_space<hbm>>)
        %dma_wait3A_295 = arith.constant 1 : i32
        %dma_wait3A_296 = arith.constant 0 : i32
        %dma_wait3A_297 = tpu.memref_slice %arg4[%dma_wait3A_295, %add3A_287, %dma_wait3A_296] : memref<2x32768x256xf32, #tpu.memory_space<hbm>> -> memref<1x32x256xf32, #tpu.memory_space<hbm>>
        %dma_wait3A_298 = tpu.memref_squeeze %dma_wait3A_297 : memref<1x32x256xf32, #tpu.memory_space<hbm>> -> memref<32x256xf32, #tpu.memory_space<hbm>>
        %dma_wait3A_299 = arith.constant 0 : i32
        %dma_wait3A_300 = tpu.memref_slice %arg4[%dma_wait3A_295, %add3A_287, %dma_wait3A_299] : memref<2x32768x256xf32, #tpu.memory_space<hbm>> -> memref<1x32x256xf32, #tpu.memory_space<hbm>>
        %dma_wait3A_301 = tpu.memref_squeeze %dma_wait3A_300 : memref<1x32x256xf32, #tpu.memory_space<hbm>> -> memref<32x256xf32, #tpu.memory_space<hbm>>
        tpu.wait_dma2 semaphore(%arg17 : memref<!tpu.dma_semaphore, #tpu.memory_space<semaphore_mem>>) src(%arg6 : memref<32x256xf32, #tpu.memory_space<vmem>>) dst(%dma_wait3A_301 : memref<32x256xf32, #tpu.memory_space<hbm>>)
      } else {
      }
      %add3A_218 = arith.constant 2 : i32
      %add3A_219 = arith.addi %add3A_171, %add3A_218 : i32
      %lt3A_220 = arith.constant 32 : i32
      %lt3A_221 = arith.cmpi slt, %add3A_219, %lt3A_220 : i32
      %convert_element_type3A_222 = arith.extui %lt3A_221 : i1 to i32
      %cond3A_223 = arith.constant 0 : i32
      %cond3A_224 = arith.cmpi ne, %convert_element_type3A_222, %cond3A_223 : i32
      scf.if %cond3A_224 {
        %add3A_283 = arith.constant 2 : i32
        %add3A_284 = arith.addi %add3A_171, %add3A_283 : i32
        %mul3A_285 = arith.constant 32 : i32
        %mul3A_286 = arith.muli %add3A_284, %mul3A_285 : i32
        %add3A_287 = arith.addi %mul3A_2, %mul3A_286 : i32
        %dma_start3A_288 = arith.constant 0 : i32
        %dma_start3A_289 = tpu.memref_slice %arg2[%add3A_287, %dma_start3A_288] : memref<32768x256xf32, #tpu.memory_space<hbm>> -> memref<32x256xf32, #tpu.memory_space<hbm>>
        %dma_start3A_290 = arith.constant 0 : i32
        %dma_start3A_291 = tpu.memref_slice %arg2[%add3A_287, %dma_start3A_290] : memref<32768x256xf32, #tpu.memory_space<hbm>> -> memref<32x256xf32, #tpu.memory_space<hbm>>
        tpu.enqueue_dma source(%dma_start3A_291 : memref<32x256xf32, #tpu.memory_space<hbm>>) target(%arg5 : memref<32x256xf32, #tpu.memory_space<vmem>>) target_semaphore(%arg13 : memref<!tpu.dma_semaphore, #tpu.memory_space<semaphore_mem>>)
        %dma_start3A_292 = arith.constant 0 : i32
        %dma_start3A_293 = tpu.memref_slice %arg3[%add3A_287, %dma_start3A_292] : memref<32768x256xf32, #tpu.memory_space<hbm>> -> memref<32x256xf32, #tpu.memory_space<hbm>>
        %dma_start3A_294 = arith.constant 0 : i32
        %dma_start3A_295 = tpu.memref_slice %arg3[%add3A_287, %dma_start3A_294] : memref<32768x256xf32, #tpu.memory_space<hbm>> -> memref<32x256xf32, #tpu.memory_space<hbm>>
        tpu.enqueue_dma source(%dma_start3A_295 : memref<32x256xf32, #tpu.memory_space<hbm>>) target(%arg6 : memref<32x256xf32, #tpu.memory_space<vmem>>) target_semaphore(%arg13 : memref<!tpu.dma_semaphore, #tpu.memory_space<semaphore_mem>>)
      } else {
      }
      %mul3A_225 = arith.constant 4 : i32
      %mul3A_226 = arith.muli %scan3A_59, %mul3A_225 : i32
      %add3A_227 = arith.constant 3 : i32
      %add3A_228 = arith.addi %mul3A_226, %add3A_227 : i32
      %mul3A_229 = arith.constant 32 : i32
      %mul3A_230 = arith.muli %add3A_228, %mul3A_229 : i32
      %add3A_231 = arith.addi %mul3A_2, %mul3A_230 : i32
      %dma_wait3A_232 = arith.constant 0 : i32
      %dma_wait3A_233 = tpu.memref_slice %arg2[%add3A_231, %dma_wait3A_232] : memref<32768x256xf32, #tpu.memory_space<hbm>> -> memref<32x256xf32, #tpu.memory_space<hbm>>
      %dma_wait3A_234 = arith.constant 0 : i32
      %dma_wait3A_235 = tpu.memref_slice %arg2[%add3A_231, %dma_wait3A_234] : memref<32768x256xf32, #tpu.memory_space<hbm>> -> memref<32x256xf32, #tpu.memory_space<hbm>>
      tpu.wait_dma2 semaphore(%arg16 : memref<!tpu.dma_semaphore, #tpu.memory_space<semaphore_mem>>) src(%dma_wait3A_235 : memref<32x256xf32, #tpu.memory_space<hbm>>) dst(%arg11 : memref<32x256xf32, #tpu.memory_space<vmem>>)
      %dma_wait3A_236 = arith.constant 0 : i32
      %dma_wait3A_237 = tpu.memref_slice %arg3[%add3A_231, %dma_wait3A_236] : memref<32768x256xf32, #tpu.memory_space<hbm>> -> memref<32x256xf32, #tpu.memory_space<hbm>>
      %dma_wait3A_238 = arith.constant 0 : i32
      %dma_wait3A_239 = tpu.memref_slice %arg3[%add3A_231, %dma_wait3A_238] : memref<32768x256xf32, #tpu.memory_space<hbm>> -> memref<32x256xf32, #tpu.memory_space<hbm>>
      tpu.wait_dma2 semaphore(%arg16 : memref<!tpu.dma_semaphore, #tpu.memory_space<semaphore_mem>>) src(%dma_wait3A_239 : memref<32x256xf32, #tpu.memory_space<hbm>>) dst(%arg12 : memref<32x256xf32, #tpu.memory_space<vmem>>)
      %iota3A_240 = tpu.iota {dimensions = array<i32: 0>} : vector<16xi32>
      %eq3A_241 = arith.constant 0 : i32
      %eq3A_242 = vector.broadcast %eq3A_241 : i32 to vector<16xi32>
      %eq3A_243 = arith.cmpi eq, %iota3A_240, %eq3A_242 : vector<16xi32>
      %scan3A_244 = arith.constant 0 : i32
      %scan3A_245 = arith.constant 0 : i32
      %scan3A_246 = arith.constant 8 : i32
      %scan3A_247 = arith.addi %scan3A_245, %scan3A_246 : i32
      %scan3A_248 = arith.constant 1 : i32
      %scan3A_249 = scf.for %scan3A_283 = %scan3A_245 to %scan3A_247 step %scan3A_248 iter_args(%scan3A_284 = %scan3A_244) -> (i32)  : i32 {
        %mul3A_285 = arith.constant 4 : i32
        %mul3A_286 = arith.muli %scan3A_283, %mul3A_285 : i32
        %add3A_287 = arith.constant 0 : i32
        %add3A_288 = arith.addi %mul3A_286, %add3A_287 : i32
        %get3A = arith.index_cast %add3A_288 : i32 to index
        %get3A_289 = arith.constant 0 : index
        %get3A_290 = tpu.vector_load %arg11[%get3A, %get3A_289] {strides = array<i32>} : memref<32x256xf32, #tpu.memory_space<vmem>>, vector<1x16xf32>,
        %get3A_291 = vector.shape_cast %get3A_290 : vector<1x16xf32> to vector<16xf32>
        %get3A_292 = arith.index_cast %add3A_288 : i32 to index
        %get3A_293 = arith.constant 0 : index
        %get3A_294 = tpu.vector_load %arg12[%get3A_292, %get3A_293] {strides = array<i32>} : memref<32x256xf32, #tpu.memory_space<vmem>>, vector<1x16xf32>,
        %get3A_295 = vector.shape_cast %get3A_294 : vector<1x16xf32> to vector<16xf32>
        %sub3A_296 = arith.subf %get3A_291, %get3A_295 : vector<16xf32>
        %add3A_297 = arith.addf %get3A_291, %get3A_295 : vector<16xf32>
        %le3A = arith.constant 0.000000e+00 : f32
        %le3A_298 = vector.broadcast %le3A : f32 to vector<16xf32>
        %le3A_299 = arith.cmpf ole, %sub3A_296, %le3A_298 : vector<16xf32>
        %gt3A = arith.constant 0.000000e+00 : f32
        %gt3A_300 = vector.broadcast %gt3A : f32 to vector<16xf32>
        %gt3A_301 = arith.cmpf ogt, %add3A_297, %gt3A_300 : vector<16xf32>
        %min3A = arith.constant 0.000000e+00 : f32
        %min3A_302 = vector.broadcast %min3A : f32 to vector<16xf32>
        %min3A_303 = arith.minimumf %add3A_297, %min3A_302 : vector<16xf32>
        %add3A_304 = arith.addf %sub3A_296, %min3A_303 : vector<16xf32>
        %mul3A_305 = arith.constant 5.000000e-01 : f32
        %mul3A_306 = vector.broadcast %mul3A_305 : f32 to vector<16xf32>
        %mul3A_307 = arith.mulf %add3A_304, %mul3A_306 : vector<16xf32>
        %sub3A_308 = arith.subf %min3A_303, %sub3A_296 : vector<16xf32>
        %mul3A_309 = arith.constant 5.000000e-01 : f32
        %mul3A_310 = vector.broadcast %mul3A_309 : f32 to vector<16xf32>
        %mul3A_311 = arith.mulf %sub3A_308, %mul3A_310 : vector<16xf32>
        %max3A = arith.constant 0.000000e+00 : f32
        %max3A_312 = vector.broadcast %max3A : f32 to vector<16xf32>
        %max3A_313 = arith.maximumf %sub3A_296, %max3A_312 : vector<16xf32>
        %add3A_314 = arith.addf %max3A_313, %add3A_297 : vector<16xf32>
        %mul3A_315 = arith.constant 5.000000e-01 : f32
        %mul3A_316 = vector.broadcast %mul3A_315 : f32 to vector<16xf32>
        %mul3A_317 = arith.mulf %add3A_314, %mul3A_316 : vector<16xf32>
        %sub3A_318 = arith.subf %add3A_297, %max3A_313 : vector<16xf32>
        %mul3A_319 = arith.constant 5.000000e-01 : f32
        %mul3A_320 = vector.broadcast %mul3A_319 : f32 to vector<16xf32>
        %mul3A_321 = arith.mulf %sub3A_318, %mul3A_320 : vector<16xf32>
        %sub3A_322 = arith.subf %mul3A_307, %mul3A_311 : vector<16xf32>
        %add3A_323 = arith.addf %mul3A_307, %mul3A_311 : vector<16xf32>
        %sub3A_324 = arith.subf %mul3A_317, %mul3A_321 : vector<16xf32>
        %add3A_325 = arith.addf %mul3A_317, %mul3A_321 : vector<16xf32>
        %and3A = arith.andi %le3A_299, %gt3A_301 : vector<16xi1>
        %min3A_326 = arith.minimumf %sub3A_322, %sub3A_324 : vector<16xf32>
        %select_n3A = arith.select %le3A_299, %sub3A_322, %sub3A_324 : vector<16xi1>, vector<16xf32>
        %select_n3A_327 = arith.select %and3A, %min3A_326, %select_n3A : vector<16xi1>, vector<16xf32>
        %max3A_328 = arith.maximumf %add3A_323, %add3A_325 : vector<16xf32>
        %select_n3A_329 = arith.select %le3A_299, %add3A_323, %add3A_325 : vector<16xi1>, vector<16xf32>
        %select_n3A_330 = arith.select %and3A, %max3A_328, %select_n3A_329 : vector<16xi1>, vector<16xf32>
        %add3A_331 = arith.addf %select_n3A_327, %select_n3A_330 : vector<16xf32>
        %mul3A_332 = arith.constant 5.000000e-01 : f32
        %mul3A_333 = vector.broadcast %mul3A_332 : f32 to vector<16xf32>
        %mul3A_334 = arith.mulf %add3A_331, %mul3A_333 : vector<16xf32>
        %select_n3A_335 = arith.select %eq3A_243, %mul3A_334, %get3A_291 : vector<16xi1>, vector<16xf32>
        %swap3A = arith.index_cast %add3A_288 : i32 to index
        %swap3A_336 = arith.constant 0 : index
        %swap3A_337 = tpu.vector_load %arg11[%swap3A, %swap3A_336] {strides = array<i32>} : memref<32x256xf32, #tpu.memory_space<vmem>>, vector<1x16xf32>,
        %swap3A_338 = vector.shape_cast %swap3A_337 : vector<1x16xf32> to vector<16xf32>
        %swap3A_339 = vector.shape_cast %select_n3A_335 : vector<16xf32> to vector<1x16xf32>
        tpu.vector_store %arg11[%swap3A, %swap3A_336], %swap3A_339 {strides = array<i32>} : memref<32x256xf32, #tpu.memory_space<vmem>>, vector<1x16xf32>,
        %sub3A_340 = arith.subf %select_n3A_330, %select_n3A_327 : vector<16xf32>
        %mul3A_341 = arith.constant 5.000000e-01 : f32
        %mul3A_342 = vector.broadcast %mul3A_341 : f32 to vector<16xf32>
        %mul3A_343 = arith.mulf %sub3A_340, %mul3A_342 : vector<16xf32>
        %select_n3A_344 = arith.select %eq3A_243, %mul3A_343, %get3A_295 : vector<16xi1>, vector<16xf32>
        %swap3A_345 = arith.index_cast %add3A_288 : i32 to index
        %swap3A_346 = arith.constant 0 : index
        %swap3A_347 = tpu.vector_load %arg12[%swap3A_345, %swap3A_346] {strides = array<i32>} : memref<32x256xf32, #tpu.memory_space<vmem>>, vector<1x16xf32>,
        %swap3A_348 = vector.shape_cast %swap3A_347 : vector<1x16xf32> to vector<16xf32>
        %swap3A_349 = vector.shape_cast %select_n3A_344 : vector<16xf32> to vector<1x16xf32>
        tpu.vector_store %arg12[%swap3A_345, %swap3A_346], %swap3A_349 {strides = array<i32>} : memref<32x256xf32, #tpu.memory_space<vmem>>, vector<1x16xf32>,
        %mul3A_350 = arith.constant 4 : i32
        %mul3A_351 = arith.muli %scan3A_283, %mul3A_350 : i32
        %add3A_352 = arith.constant 1 : i32
        %add3A_353 = arith.addi %mul3A_351, %add3A_352 : i32
        %get3A_354 = arith.index_cast %add3A_353 : i32 to index
        %get3A_355 = arith.constant 0 : index
        %get3A_356 = tpu.vector_load %arg11[%get3A_354, %get3A_355] {strides = array<i32>} : memref<32x256xf32, #tpu.memory_space<vmem>>, vector<1x16xf32>,
        %get3A_357 = vector.shape_cast %get3A_356 : vector<1x16xf32> to vector<16xf32>
        %get3A_358 = arith.index_cast %add3A_353 : i32 to index
        %get3A_359 = arith.constant 0 : index
        %get3A_360 = tpu.vector_load %arg12[%get3A_358, %get3A_359] {strides = array<i32>} : memref<32x256xf32, #tpu.memory_space<vmem>>, vector<1x16xf32>,
        %get3A_361 = vector.shape_cast %get3A_360 : vector<1x16xf32> to vector<16xf32>
        %sub3A_362 = arith.subf %get3A_357, %get3A_361 : vector<16xf32>
        %add3A_363 = arith.addf %get3A_357, %get3A_361 : vector<16xf32>
        %le3A_364 = arith.constant 0.000000e+00 : f32
        %le3A_365 = vector.broadcast %le3A_364 : f32 to vector<16xf32>
        %le3A_366 = arith.cmpf ole, %sub3A_362, %le3A_365 : vector<16xf32>
        %gt3A_367 = arith.constant 0.000000e+00 : f32
        %gt3A_368 = vector.broadcast %gt3A_367 : f32 to vector<16xf32>
        %gt3A_369 = arith.cmpf ogt, %add3A_363, %gt3A_368 : vector<16xf32>
        %min3A_370 = arith.constant 0.000000e+00 : f32
        %min3A_371 = vector.broadcast %min3A_370 : f32 to vector<16xf32>
        %min3A_372 = arith.minimumf %add3A_363, %min3A_371 : vector<16xf32>
        %add3A_373 = arith.addf %sub3A_362, %min3A_372 : vector<16xf32>
        %mul3A_374 = arith.constant 5.000000e-01 : f32
        %mul3A_375 = vector.broadcast %mul3A_374 : f32 to vector<16xf32>
        %mul3A_376 = arith.mulf %add3A_373, %mul3A_375 : vector<16xf32>
        %sub3A_377 = arith.subf %min3A_372, %sub3A_362 : vector<16xf32>
        %mul3A_378 = arith.constant 5.000000e-01 : f32
        %mul3A_379 = vector.broadcast %mul3A_378 : f32 to vector<16xf32>
        %mul3A_380 = arith.mulf %sub3A_377, %mul3A_379 : vector<16xf32>
        %max3A_381 = arith.constant 0.000000e+00 : f32
        %max3A_382 = vector.broadcast %max3A_381 : f32 to vector<16xf32>
        %max3A_383 = arith.maximumf %sub3A_362, %max3A_382 : vector<16xf32>
        %add3A_384 = arith.addf %max3A_383, %add3A_363 : vector<16xf32>
        %mul3A_385 = arith.constant 5.000000e-01 : f32
        %mul3A_386 = vector.broadcast %mul3A_385 : f32 to vector<16xf32>
        %mul3A_387 = arith.mulf %add3A_384, %mul3A_386 : vector<16xf32>
        %sub3A_388 = arith.subf %add3A_363, %max3A_383 : vector<16xf32>
        %mul3A_389 = arith.constant 5.000000e-01 : f32
        %mul3A_390 = vector.broadcast %mul3A_389 : f32 to vector<16xf32>
        %mul3A_391 = arith.mulf %sub3A_388, %mul3A_390 : vector<16xf32>
        %sub3A_392 = arith.subf %mul3A_376, %mul3A_380 : vector<16xf32>
        %add3A_393 = arith.addf %mul3A_376, %mul3A_380 : vector<16xf32>
        %sub3A_394 = arith.subf %mul3A_387, %mul3A_391 : vector<16xf32>
        %add3A_395 = arith.addf %mul3A_387, %mul3A_391 : vector<16xf32>
        %and3A_396 = arith.andi %le3A_366, %gt3A_369 : vector<16xi1>
        %min3A_397 = arith.minimumf %sub3A_392, %sub3A_394 : vector<16xf32>
        %select_n3A_398 = arith.select %le3A_366, %sub3A_392, %sub3A_394 : vector<16xi1>, vector<16xf32>
        %select_n3A_399 = arith.select %and3A_396, %min3A_397, %select_n3A_398 : vector<16xi1>, vector<16xf32>
        %max3A_400 = arith.maximumf %add3A_393, %add3A_395 : vector<16xf32>
        %select_n3A_401 = arith.select %le3A_366, %add3A_393, %add3A_395 : vector<16xi1>, vector<16xf32>
        %select_n3A_402 = arith.select %and3A_396, %max3A_400, %select_n3A_401 : vector<16xi1>, vector<16xf32>
        %add3A_403 = arith.addf %select_n3A_399, %select_n3A_402 : vector<16xf32>
        %mul3A_404 = arith.constant 5.000000e-01 : f32
        %mul3A_405 = vector.broadcast %mul3A_404 : f32 to vector<16xf32>
        %mul3A_406 = arith.mulf %add3A_403, %mul3A_405 : vector<16xf32>
        %select_n3A_407 = arith.select %eq3A_243, %mul3A_406, %get3A_357 : vector<16xi1>, vector<16xf32>
        %swap3A_408 = arith.index_cast %add3A_353 : i32 to index
        %swap3A_409 = arith.constant 0 : index
        %swap3A_410 = tpu.vector_load %arg11[%swap3A_408, %swap3A_409] {strides = array<i32>} : memref<32x256xf32, #tpu.memory_space<vmem>>, vector<1x16xf32>,
        %swap3A_411 = vector.shape_cast %swap3A_410 : vector<1x16xf32> to vector<16xf32>
        %swap3A_412 = vector.shape_cast %select_n3A_407 : vector<16xf32> to vector<1x16xf32>
        tpu.vector_store %arg11[%swap3A_408, %swap3A_409], %swap3A_412 {strides = array<i32>} : memref<32x256xf32, #tpu.memory_space<vmem>>, vector<1x16xf32>,
        %sub3A_413 = arith.subf %select_n3A_402, %select_n3A_399 : vector<16xf32>
        %mul3A_414 = arith.constant 5.000000e-01 : f32
        %mul3A_415 = vector.broadcast %mul3A_414 : f32 to vector<16xf32>
        %mul3A_416 = arith.mulf %sub3A_413, %mul3A_415 : vector<16xf32>
        %select_n3A_417 = arith.select %eq3A_243, %mul3A_416, %get3A_361 : vector<16xi1>, vector<16xf32>
        %swap3A_418 = arith.index_cast %add3A_353 : i32 to index
        %swap3A_419 = arith.constant 0 : index
        %swap3A_420 = tpu.vector_load %arg12[%swap3A_418, %swap3A_419] {strides = array<i32>} : memref<32x256xf32, #tpu.memory_space<vmem>>, vector<1x16xf32>,
        %swap3A_421 = vector.shape_cast %swap3A_420 : vector<1x16xf32> to vector<16xf32>
        %swap3A_422 = vector.shape_cast %select_n3A_417 : vector<16xf32> to vector<1x16xf32>
        tpu.vector_store %arg12[%swap3A_418, %swap3A_419], %swap3A_422 {strides = array<i32>} : memref<32x256xf32, #tpu.memory_space<vmem>>, vector<1x16xf32>,
        %mul3A_423 = arith.constant 4 : i32
        %mul3A_424 = arith.muli %scan3A_283, %mul3A_423 : i32
        %add3A_425 = arith.constant 2 : i32
        %add3A_426 = arith.addi %mul3A_424, %add3A_425 : i32
        %get3A_427 = arith.index_cast %add3A_426 : i32 to index
        %get3A_428 = arith.constant 0 : index
        %get3A_429 = tpu.vector_load %arg11[%get3A_427, %get3A_428] {strides = array<i32>} : memref<32x256xf32, #tpu.memory_space<vmem>>, vector<1x16xf32>,
        %get3A_430 = vector.shape_cast %get3A_429 : vector<1x16xf32> to vector<16xf32>
        %get3A_431 = arith.index_cast %add3A_426 : i32 to index
        %get3A_432 = arith.constant 0 : index
        %get3A_433 = tpu.vector_load %arg12[%get3A_431, %get3A_432] {strides = array<i32>} : memref<32x256xf32, #tpu.memory_space<vmem>>, vector<1x16xf32>,
        %get3A_434 = vector.shape_cast %get3A_433 : vector<1x16xf32> to vector<16xf32>
        %sub3A_435 = arith.subf %get3A_430, %get3A_434 : vector<16xf32>
        %add3A_436 = arith.addf %get3A_430, %get3A_434 : vector<16xf32>
        %le3A_437 = arith.constant 0.000000e+00 : f32
        %le3A_438 = vector.broadcast %le3A_437 : f32 to vector<16xf32>
        %le3A_439 = arith.cmpf ole, %sub3A_435, %le3A_438 : vector<16xf32>
        %gt3A_440 = arith.constant 0.000000e+00 : f32
        %gt3A_441 = vector.broadcast %gt3A_440 : f32 to vector<16xf32>
        %gt3A_442 = arith.cmpf ogt, %add3A_436, %gt3A_441 : vector<16xf32>
        %min3A_443 = arith.constant 0.000000e+00 : f32
        %min3A_444 = vector.broadcast %min3A_443 : f32 to vector<16xf32>
        %min3A_445 = arith.minimumf %add3A_436, %min3A_444 : vector<16xf32>
        %add3A_446 = arith.addf %sub3A_435, %min3A_445 : vector<16xf32>
        %mul3A_447 = arith.constant 5.000000e-01 : f32
        %mul3A_448 = vector.broadcast %mul3A_447 : f32 to vector<16xf32>
        %mul3A_449 = arith.mulf %add3A_446, %mul3A_448 : vector<16xf32>
        %sub3A_450 = arith.subf %min3A_445, %sub3A_435 : vector<16xf32>
        %mul3A_451 = arith.constant 5.000000e-01 : f32
        %mul3A_452 = vector.broadcast %mul3A_451 : f32 to vector<16xf32>
        %mul3A_453 = arith.mulf %sub3A_450, %mul3A_452 : vector<16xf32>
        %max3A_454 = arith.constant 0.000000e+00 : f32
        %max3A_455 = vector.broadcast %max3A_454 : f32 to vector<16xf32>
        %max3A_456 = arith.maximumf %sub3A_435, %max3A_455 : vector<16xf32>
        %add3A_457 = arith.addf %max3A_456, %add3A_436 : vector<16xf32>
        %mul3A_458 = arith.constant 5.000000e-01 : f32
        %mul3A_459 = vector.broadcast %mul3A_458 : f32 to vector<16xf32>
        %mul3A_460 = arith.mulf %add3A_457, %mul3A_459 : vector<16xf32>
        %sub3A_461 = arith.subf %add3A_436, %max3A_456 : vector<16xf32>
        %mul3A_462 = arith.constant 5.000000e-01 : f32
        %mul3A_463 = vector.broadcast %mul3A_462 : f32 to vector<16xf32>
        %mul3A_464 = arith.mulf %sub3A_461, %mul3A_463 : vector<16xf32>
        %sub3A_465 = arith.subf %mul3A_449, %mul3A_453 : vector<16xf32>
        %add3A_466 = arith.addf %mul3A_449, %mul3A_453 : vector<16xf32>
        %sub3A_467 = arith.subf %mul3A_460, %mul3A_464 : vector<16xf32>
        %add3A_468 = arith.addf %mul3A_460, %mul3A_464 : vector<16xf32>
        %and3A_469 = arith.andi %le3A_439, %gt3A_442 : vector<16xi1>
        %min3A_470 = arith.minimumf %sub3A_465, %sub3A_467 : vector<16xf32>
        %select_n3A_471 = arith.select %le3A_439, %sub3A_465, %sub3A_467 : vector<16xi1>, vector<16xf32>
        %select_n3A_472 = arith.select %and3A_469, %min3A_470, %select_n3A_471 : vector<16xi1>, vector<16xf32>
        %max3A_473 = arith.maximumf %add3A_466, %add3A_468 : vector<16xf32>
        %select_n3A_474 = arith.select %le3A_439, %add3A_466, %add3A_468 : vector<16xi1>, vector<16xf32>
        %select_n3A_475 = arith.select %and3A_469, %max3A_473, %select_n3A_474 : vector<16xi1>, vector<16xf32>
        %add3A_476 = arith.addf %select_n3A_472, %select_n3A_475 : vector<16xf32>
        %mul3A_477 = arith.constant 5.000000e-01 : f32
        %mul3A_478 = vector.broadcast %mul3A_477 : f32 to vector<16xf32>
        %mul3A_479 = arith.mulf %add3A_476, %mul3A_478 : vector<16xf32>
        %select_n3A_480 = arith.select %eq3A_243, %mul3A_479, %get3A_430 : vector<16xi1>, vector<16xf32>
        %swap3A_481 = arith.index_cast %add3A_426 : i32 to index
        %swap3A_482 = arith.constant 0 : index
        %swap3A_483 = tpu.vector_load %arg11[%swap3A_481, %swap3A_482] {strides = array<i32>} : memref<32x256xf32, #tpu.memory_space<vmem>>, vector<1x16xf32>,
        %swap3A_484 = vector.shape_cast %swap3A_483 : vector<1x16xf32> to vector<16xf32>
        %swap3A_485 = vector.shape_cast %select_n3A_480 : vector<16xf32> to vector<1x16xf32>
        tpu.vector_store %arg11[%swap3A_481, %swap3A_482], %swap3A_485 {strides = array<i32>} : memref<32x256xf32, #tpu.memory_space<vmem>>, vector<1x16xf32>,
        %sub3A_486 = arith.subf %select_n3A_475, %select_n3A_472 : vector<16xf32>
        %mul3A_487 = arith.constant 5.000000e-01 : f32
        %mul3A_488 = vector.broadcast %mul3A_487 : f32 to vector<16xf32>
        %mul3A_489 = arith.mulf %sub3A_486, %mul3A_488 : vector<16xf32>
        %select_n3A_490 = arith.select %eq3A_243, %mul3A_489, %get3A_434 : vector<16xi1>, vector<16xf32>
        %swap3A_491 = arith.index_cast %add3A_426 : i32 to index
        %swap3A_492 = arith.constant 0 : index
        %swap3A_493 = tpu.vector_load %arg12[%swap3A_491, %swap3A_492] {strides = array<i32>} : memref<32x256xf32, #tpu.memory_space<vmem>>, vector<1x16xf32>,
        %swap3A_494 = vector.shape_cast %swap3A_493 : vector<1x16xf32> to vector<16xf32>
        %swap3A_495 = vector.shape_cast %select_n3A_490 : vector<16xf32> to vector<1x16xf32>
        tpu.vector_store %arg12[%swap3A_491, %swap3A_492], %swap3A_495 {strides = array<i32>} : memref<32x256xf32, #tpu.memory_space<vmem>>, vector<1x16xf32>,
        %mul3A_496 = arith.constant 4 : i32
        %mul3A_497 = arith.muli %scan3A_283, %mul3A_496 : i32
        %add3A_498 = arith.constant 3 : i32
        %add3A_499 = arith.addi %mul3A_497, %add3A_498 : i32
        %get3A_500 = arith.index_cast %add3A_499 : i32 to index
        %get3A_501 = arith.constant 0 : index
        %get3A_502 = tpu.vector_load %arg11[%get3A_500, %get3A_501] {strides = array<i32>} : memref<32x256xf32, #tpu.memory_space<vmem>>, vector<1x16xf32>,
        %get3A_503 = vector.shape_cast %get3A_502 : vector<1x16xf32> to vector<16xf32>
        %get3A_504 = arith.index_cast %add3A_499 : i32 to index
        %get3A_505 = arith.constant 0 : index
        %get3A_506 = tpu.vector_load %arg12[%get3A_504, %get3A_505] {strides = array<i32>} : memref<32x256xf32, #tpu.memory_space<vmem>>, vector<1x16xf32>,
        %get3A_507 = vector.shape_cast %get3A_506 : vector<1x16xf32> to vector<16xf32>
        %sub3A_508 = arith.subf %get3A_503, %get3A_507 : vector<16xf32>
        %add3A_509 = arith.addf %get3A_503, %get3A_507 : vector<16xf32>
        %le3A_510 = arith.constant 0.000000e+00 : f32
        %le3A_511 = vector.broadcast %le3A_510 : f32 to vector<16xf32>
        %le3A_512 = arith.cmpf ole, %sub3A_508, %le3A_511 : vector<16xf32>
        %gt3A_513 = arith.constant 0.000000e+00 : f32
        %gt3A_514 = vector.broadcast %gt3A_513 : f32 to vector<16xf32>
        %gt3A_515 = arith.cmpf ogt, %add3A_509, %gt3A_514 : vector<16xf32>
        %min3A_516 = arith.constant 0.000000e+00 : f32
        %min3A_517 = vector.broadcast %min3A_516 : f32 to vector<16xf32>
        %min3A_518 = arith.minimumf %add3A_509, %min3A_517 : vector<16xf32>
        %add3A_519 = arith.addf %sub3A_508, %min3A_518 : vector<16xf32>
        %mul3A_520 = arith.constant 5.000000e-01 : f32
        %mul3A_521 = vector.broadcast %mul3A_520 : f32 to vector<16xf32>
        %mul3A_522 = arith.mulf %add3A_519, %mul3A_521 : vector<16xf32>
        %sub3A_523 = arith.subf %min3A_518, %sub3A_508 : vector<16xf32>
        %mul3A_524 = arith.constant 5.000000e-01 : f32
        %mul3A_525 = vector.broadcast %mul3A_524 : f32 to vector<16xf32>
        %mul3A_526 = arith.mulf %sub3A_523, %mul3A_525 : vector<16xf32>
        %max3A_527 = arith.constant 0.000000e+00 : f32
        %max3A_528 = vector.broadcast %max3A_527 : f32 to vector<16xf32>
        %max3A_529 = arith.maximumf %sub3A_508, %max3A_528 : vector<16xf32>
        %add3A_530 = arith.addf %max3A_529, %add3A_509 : vector<16xf32>
        %mul3A_531 = arith.constant 5.000000e-01 : f32
        %mul3A_532 = vector.broadcast %mul3A_531 : f32 to vector<16xf32>
        %mul3A_533 = arith.mulf %add3A_530, %mul3A_532 : vector<16xf32>
        %sub3A_534 = arith.subf %add3A_509, %max3A_529 : vector<16xf32>
        %mul3A_535 = arith.constant 5.000000e-01 : f32
        %mul3A_536 = vector.broadcast %mul3A_535 : f32 to vector<16xf32>
        %mul3A_537 = arith.mulf %sub3A_534, %mul3A_536 : vector<16xf32>
        %sub3A_538 = arith.subf %mul3A_522, %mul3A_526 : vector<16xf32>
        %add3A_539 = arith.addf %mul3A_522, %mul3A_526 : vector<16xf32>
        %sub3A_540 = arith.subf %mul3A_533, %mul3A_537 : vector<16xf32>
        %add3A_541 = arith.addf %mul3A_533, %mul3A_537 : vector<16xf32>
        %and3A_542 = arith.andi %le3A_512, %gt3A_515 : vector<16xi1>
        %min3A_543 = arith.minimumf %sub3A_538, %sub3A_540 : vector<16xf32>
        %select_n3A_544 = arith.select %le3A_512, %sub3A_538, %sub3A_540 : vector<16xi1>, vector<16xf32>
        %select_n3A_545 = arith.select %and3A_542, %min3A_543, %select_n3A_544 : vector<16xi1>, vector<16xf32>
        %max3A_546 = arith.maximumf %add3A_539, %add3A_541 : vector<16xf32>
        %select_n3A_547 = arith.select %le3A_512, %add3A_539, %add3A_541 : vector<16xi1>, vector<16xf32>
        %select_n3A_548 = arith.select %and3A_542, %max3A_546, %select_n3A_547 : vector<16xi1>, vector<16xf32>
        %add3A_549 = arith.addf %select_n3A_545, %select_n3A_548 : vector<16xf32>
        %mul3A_550 = arith.constant 5.000000e-01 : f32
        %mul3A_551 = vector.broadcast %mul3A_550 : f32 to vector<16xf32>
        %mul3A_552 = arith.mulf %add3A_549, %mul3A_551 : vector<16xf32>
        %select_n3A_553 = arith.select %eq3A_243, %mul3A_552, %get3A_503 : vector<16xi1>, vector<16xf32>
        %swap3A_554 = arith.index_cast %add3A_499 : i32 to index
        %swap3A_555 = arith.constant 0 : index
        %swap3A_556 = tpu.vector_load %arg11[%swap3A_554, %swap3A_555] {strides = array<i32>} : memref<32x256xf32, #tpu.memory_space<vmem>>, vector<1x16xf32>,
        %swap3A_557 = vector.shape_cast %swap3A_556 : vector<1x16xf32> to vector<16xf32>
        %swap3A_558 = vector.shape_cast %select_n3A_553 : vector<16xf32> to vector<1x16xf32>
        tpu.vector_store %arg11[%swap3A_554, %swap3A_555], %swap3A_558 {strides = array<i32>} : memref<32x256xf32, #tpu.memory_space<vmem>>, vector<1x16xf32>,
        %sub3A_559 = arith.subf %select_n3A_548, %select_n3A_545 : vector<16xf32>
        %mul3A_560 = arith.constant 5.000000e-01 : f32
        %mul3A_561 = vector.broadcast %mul3A_560 : f32 to vector<16xf32>
        %mul3A_562 = arith.mulf %sub3A_559, %mul3A_561 : vector<16xf32>
        %select_n3A_563 = arith.select %eq3A_243, %mul3A_562, %get3A_507 : vector<16xi1>, vector<16xf32>
        %swap3A_564 = arith.index_cast %add3A_499 : i32 to index
        %swap3A_565 = arith.constant 0 : index
        %swap3A_566 = tpu.vector_load %arg12[%swap3A_564, %swap3A_565] {strides = array<i32>} : memref<32x256xf32, #tpu.memory_space<vmem>>, vector<1x16xf32>,
        %swap3A_567 = vector.shape_cast %swap3A_566 : vector<1x16xf32> to vector<16xf32>
        %swap3A_568 = vector.shape_cast %select_n3A_563 : vector<16xf32> to vector<1x16xf32>
        tpu.vector_store %arg12[%swap3A_564, %swap3A_565], %swap3A_568 {strides = array<i32>} : memref<32x256xf32, #tpu.memory_space<vmem>>, vector<1x16xf32>,
        %scan3A_569 = arith.constant 0 : i32
        scf.yield %scan3A_569 : i32
      }
      %scan3A_250 = arith.constant 8 : i32
      %mul3A_251 = arith.constant 32 : i32
      %mul3A_252 = arith.muli %add3A_228, %mul3A_251 : i32
      %add3A_253 = arith.addi %mul3A_2, %mul3A_252 : i32
      %dma_start3A_254 = arith.constant 0 : i32
      %dma_start3A_255 = arith.constant 0 : i32
      %dma_start3A_256 = tpu.memref_slice %arg4[%dma_start3A_254, %add3A_253, %dma_start3A_255] : memref<2x32768x256xf32, #tpu.memory_space<hbm>> -> memref<1x32x256xf32, #tpu.memory_space<hbm>>
      %dma_start3A_257 = tpu.memref_squeeze %dma_start3A_256 : memref<1x32x256xf32, #tpu.memory_space<hbm>> -> memref<32x256xf32, #tpu.memory_space<hbm>>
      %dma_start3A_258 = arith.constant 0 : i32
      %dma_start3A_259 = tpu.memref_slice %arg4[%dma_start3A_254, %add3A_253, %dma_start3A_258] : memref<2x32768x256xf32, #tpu.memory_space<hbm>> -> memref<1x32x256xf32, #tpu.memory_space<hbm>>
      %dma_start3A_260 = tpu.memref_squeeze %dma_start3A_259 : memref<1x32x256xf32, #tpu.memory_space<hbm>> -> memref<32x256xf32, #tpu.memory_space<hbm>>
      tpu.enqueue_dma source(%arg11 : memref<32x256xf32, #tpu.memory_space<vmem>>) target(%dma_start3A_260 : memref<32x256xf32, #tpu.memory_space<hbm>>) target_semaphore(%arg20 : memref<!tpu.dma_semaphore, #tpu.memory_space<semaphore_mem>>)
      %dma_start3A_261 = arith.constant 1 : i32
      %dma_start3A_262 = arith.constant 0 : i32
      %dma_start3A_263 = tpu.memref_slice %arg4[%dma_start3A_261, %add3A_253, %dma_start3A_262] : memref<2x32768x256xf32, #tpu.memory_space<hbm>> -> memref<1x32x256xf32, #tpu.memory_space<hbm>>
      %dma_start3A_264 = tpu.memref_squeeze %dma_start3A_263 : memref<1x32x256xf32, #tpu.memory_space<hbm>> -> memref<32x256xf32, #tpu.memory_space<hbm>>
      %dma_start3A_265 = arith.constant 0 : i32
      %dma_start3A_266 = tpu.memref_slice %arg4[%dma_start3A_261, %add3A_253, %dma_start3A_265] : memref<2x32768x256xf32, #tpu.memory_space<hbm>> -> memref<1x32x256xf32, #tpu.memory_space<hbm>>
      %dma_start3A_267 = tpu.memref_squeeze %dma_start3A_266 : memref<1x32x256xf32, #tpu.memory_space<hbm>> -> memref<32x256xf32, #tpu.memory_space<hbm>>
      tpu.enqueue_dma source(%arg12 : memref<32x256xf32, #tpu.memory_space<vmem>>) target(%dma_start3A_267 : memref<32x256xf32, #tpu.memory_space<hbm>>) target_semaphore(%arg20 : memref<!tpu.dma_semaphore, #tpu.memory_space<semaphore_mem>>)
      %sub3A_268 = arith.constant 2 : i32
      %sub3A_269 = arith.subi %add3A_228, %sub3A_268 : i32
      %ge3A_270 = arith.constant 0 : i32
      %ge3A_271 = arith.cmpi sge, %sub3A_269, %ge3A_270 : i32
      %convert_element_type3A_272 = arith.extui %ge3A_271 : i1 to i32
      %cond3A_273 = arith.constant 0 : i32
      %cond3A_274 = arith.cmpi ne, %convert_element_type3A_272, %cond3A_273 : i32
      scf.if %cond3A_274 {
        %sub3A_283 = arith.constant 2 : i32
        %sub3A_284 = arith.subi %add3A_228, %sub3A_283 : i32
        %mul3A_285 = arith.constant 32 : i32
        %mul3A_286 = arith.muli %sub3A_284, %mul3A_285 : i32
        %add3A_287 = arith.addi %mul3A_2, %mul3A_286 : i32
        %dma_wait3A_288 = arith.constant 0 : i32
        %dma_wait3A_289 = arith.constant 0 : i32
        %dma_wait3A_290 = tpu.memref_slice %arg4[%dma_wait3A_288, %add3A_287, %dma_wait3A_289] : memref<2x32768x256xf32, #tpu.memory_space<hbm>> -> memref<1x32x256xf32, #tpu.memory_space<hbm>>
        %dma_wait3A_291 = tpu.memref_squeeze %dma_wait3A_290 : memref<1x32x256xf32, #tpu.memory_space<hbm>> -> memref<32x256xf32, #tpu.memory_space<hbm>>
        %dma_wait3A_292 = arith.constant 0 : i32
        %dma_wait3A_293 = tpu.memref_slice %arg4[%dma_wait3A_288, %add3A_287, %dma_wait3A_292] : memref<2x32768x256xf32, #tpu.memory_space<hbm>> -> memref<1x32x256xf32, #tpu.memory_space<hbm>>
        %dma_wait3A_294 = tpu.memref_squeeze %dma_wait3A_293 : memref<1x32x256xf32, #tpu.memory_space<hbm>> -> memref<32x256xf32, #tpu.memory_space<hbm>>
        tpu.wait_dma2 semaphore(%arg18 : memref<!tpu.dma_semaphore, #tpu.memory_space<semaphore_mem>>) src(%arg7 : memref<32x256xf32, #tpu.memory_space<vmem>>) dst(%dma_wait3A_294 : memref<32x256xf32, #tpu.memory_space<hbm>>)
        %dma_wait3A_295 = arith.constant 1 : i32
        %dma_wait3A_296 = arith.constant 0 : i32
        %dma_wait3A_297 = tpu.memref_slice %arg4[%dma_wait3A_295, %add3A_287, %dma_wait3A_296] : memref<2x32768x256xf32, #tpu.memory_space<hbm>> -> memref<1x32x256xf32, #tpu.memory_space<hbm>>
        %dma_wait3A_298 = tpu.memref_squeeze %dma_wait3A_297 : memref<1x32x256xf32, #tpu.memory_space<hbm>> -> memref<32x256xf32, #tpu.memory_space<hbm>>
        %dma_wait3A_299 = arith.constant 0 : i32
        %dma_wait3A_300 = tpu.memref_slice %arg4[%dma_wait3A_295, %add3A_287, %dma_wait3A_299] : memref<2x32768x256xf32, #tpu.memory_space<hbm>> -> memref<1x32x256xf32, #tpu.memory_space<hbm>>
        %dma_wait3A_301 = tpu.memref_squeeze %dma_wait3A_300 : memref<1x32x256xf32, #tpu.memory_space<hbm>> -> memref<32x256xf32, #tpu.memory_space<hbm>>
        tpu.wait_dma2 semaphore(%arg18 : memref<!tpu.dma_semaphore, #tpu.memory_space<semaphore_mem>>) src(%arg8 : memref<32x256xf32, #tpu.memory_space<vmem>>) dst(%dma_wait3A_301 : memref<32x256xf32, #tpu.memory_space<hbm>>)
      } else {
      }
      %add3A_275 = arith.constant 2 : i32
      %add3A_276 = arith.addi %add3A_228, %add3A_275 : i32
      %lt3A_277 = arith.constant 32 : i32
      %lt3A_278 = arith.cmpi slt, %add3A_276, %lt3A_277 : i32
      %convert_element_type3A_279 = arith.extui %lt3A_278 : i1 to i32
      %cond3A_280 = arith.constant 0 : i32
      %cond3A_281 = arith.cmpi ne, %convert_element_type3A_279, %cond3A_280 : i32
      scf.if %cond3A_281 {
        %add3A_283 = arith.constant 2 : i32
        %add3A_284 = arith.addi %add3A_228, %add3A_283 : i32
        %mul3A_285 = arith.constant 32 : i32
        %mul3A_286 = arith.muli %add3A_284, %mul3A_285 : i32
        %add3A_287 = arith.addi %mul3A_2, %mul3A_286 : i32
        %dma_start3A_288 = arith.constant 0 : i32
        %dma_start3A_289 = tpu.memref_slice %arg2[%add3A_287, %dma_start3A_288] : memref<32768x256xf32, #tpu.memory_space<hbm>> -> memref<32x256xf32, #tpu.memory_space<hbm>>
        %dma_start3A_290 = arith.constant 0 : i32
        %dma_start3A_291 = tpu.memref_slice %arg2[%add3A_287, %dma_start3A_290] : memref<32768x256xf32, #tpu.memory_space<hbm>> -> memref<32x256xf32, #tpu.memory_space<hbm>>
        tpu.enqueue_dma source(%dma_start3A_291 : memref<32x256xf32, #tpu.memory_space<hbm>>) target(%arg7 : memref<32x256xf32, #tpu.memory_space<vmem>>) target_semaphore(%arg14 : memref<!tpu.dma_semaphore, #tpu.memory_space<semaphore_mem>>)
        %dma_start3A_292 = arith.constant 0 : i32
        %dma_start3A_293 = tpu.memref_slice %arg3[%add3A_287, %dma_start3A_292] : memref<32768x256xf32, #tpu.memory_space<hbm>> -> memref<32x256xf32, #tpu.memory_space<hbm>>
        %dma_start3A_294 = arith.constant 0 : i32
        %dma_start3A_295 = tpu.memref_slice %arg3[%add3A_287, %dma_start3A_294] : memref<32768x256xf32, #tpu.memory_space<hbm>> -> memref<32x256xf32, #tpu.memory_space<hbm>>
        tpu.enqueue_dma source(%dma_start3A_295 : memref<32x256xf32, #tpu.memory_space<hbm>>) target(%arg8 : memref<32x256xf32, #tpu.memory_space<vmem>>) target_semaphore(%arg14 : memref<!tpu.dma_semaphore, #tpu.memory_space<semaphore_mem>>)
      } else {
      }
      %scan3A_282 = arith.constant 0 : i32
      scf.yield %scan3A_282 : i32
    }
    %scan3A_27 = arith.constant 8 : i32
    %add3A_28 = arith.constant 960 : i32
    %add3A_29 = arith.addi %mul3A_2, %add3A_28 : i32
    %dma_wait3A = arith.constant 0 : i32
    %dma_wait3A_30 = arith.constant 0 : i32
    %dma_wait3A_31 = tpu.memref_slice %arg4[%dma_wait3A, %add3A_29, %dma_wait3A_30] : memref<2x32768x256xf32, #tpu.memory_space<hbm>> -> memref<1x32x256xf32, #tpu.memory_space<hbm>>
    %dma_wait3A_32 = tpu.memref_squeeze %dma_wait3A_31 : memref<1x32x256xf32, #tpu.memory_space<hbm>> -> memref<32x256xf32, #tpu.memory_space<hbm>>
    %dma_wait3A_33 = arith.constant 0 : i32
    %dma_wait3A_34 = tpu.memref_slice %arg4[%dma_wait3A, %add3A_29, %dma_wait3A_33] : memref<2x32768x256xf32, #tpu.memory_space<hbm>> -> memref<1x32x256xf32, #tpu.memory_space<hbm>>
    %dma_wait3A_35 = tpu.memref_squeeze %dma_wait3A_34 : memref<1x32x256xf32, #tpu.memory_space<hbm>> -> memref<32x256xf32, #tpu.memory_space<hbm>>
    tpu.wait_dma2 semaphore(%arg19 : memref<!tpu.dma_semaphore, #tpu.memory_space<semaphore_mem>>) src(%arg9 : memref<32x256xf32, #tpu.memory_space<vmem>>) dst(%dma_wait3A_35 : memref<32x256xf32, #tpu.memory_space<hbm>>)
    %dma_wait3A_36 = arith.constant 1 : i32
    %dma_wait3A_37 = arith.constant 0 : i32
    %dma_wait3A_38 = tpu.memref_slice %arg4[%dma_wait3A_36, %add3A_29, %dma_wait3A_37] : memref<2x32768x256xf32, #tpu.memory_space<hbm>> -> memref<1x32x256xf32, #tpu.memory_space<hbm>>
    %dma_wait3A_39 = tpu.memref_squeeze %dma_wait3A_38 : memref<1x32x256xf32, #tpu.memory_space<hbm>> -> memref<32x256xf32, #tpu.memory_space<hbm>>
    %dma_wait3A_40 = arith.constant 0 : i32
    %dma_wait3A_41 = tpu.memref_slice %arg4[%dma_wait3A_36, %add3A_29, %dma_wait3A_40] : memref<2x32768x256xf32, #tpu.memory_space<hbm>> -> memref<1x32x256xf32, #tpu.memory_space<hbm>>
    %dma_wait3A_42 = tpu.memref_squeeze %dma_wait3A_41 : memref<1x32x256xf32, #tpu.memory_space<hbm>> -> memref<32x256xf32, #tpu.memory_space<hbm>>
    tpu.wait_dma2 semaphore(%arg19 : memref<!tpu.dma_semaphore, #tpu.memory_space<semaphore_mem>>) src(%arg10 : memref<32x256xf32, #tpu.memory_space<vmem>>) dst(%dma_wait3A_42 : memref<32x256xf32, #tpu.memory_space<hbm>>)
    %add3A_43 = arith.constant 992 : i32
    %add3A_44 = arith.addi %mul3A_2, %add3A_43 : i32
    %dma_wait3A_45 = arith.constant 0 : i32
    %dma_wait3A_46 = arith.constant 0 : i32
    %dma_wait3A_47 = tpu.memref_slice %arg4[%dma_wait3A_45, %add3A_44, %dma_wait3A_46] : memref<2x32768x256xf32, #tpu.memory_space<hbm>> -> memref<1x32x256xf32, #tpu.memory_space<hbm>>
    %dma_wait3A_48 = tpu.memref_squeeze %dma_wait3A_47 : memref<1x32x256xf32, #tpu.memory_space<hbm>> -> memref<32x256xf32, #tpu.memory_space<hbm>>
    %dma_wait3A_49 = arith.constant 0 : i32
    %dma_wait3A_50 = tpu.memref_slice %arg4[%dma_wait3A_45, %add3A_44, %dma_wait3A_49] : memref<2x32768x256xf32, #tpu.memory_space<hbm>> -> memref<1x32x256xf32, #tpu.memory_space<hbm>>
    %dma_wait3A_51 = tpu.memref_squeeze %dma_wait3A_50 : memref<1x32x256xf32, #tpu.memory_space<hbm>> -> memref<32x256xf32, #tpu.memory_space<hbm>>
    tpu.wait_dma2 semaphore(%arg20 : memref<!tpu.dma_semaphore, #tpu.memory_space<semaphore_mem>>) src(%arg11 : memref<32x256xf32, #tpu.memory_space<vmem>>) dst(%dma_wait3A_51 : memref<32x256xf32, #tpu.memory_space<hbm>>)
    %dma_wait3A_52 = arith.constant 1 : i32
    %dma_wait3A_53 = arith.constant 0 : i32
    %dma_wait3A_54 = tpu.memref_slice %arg4[%dma_wait3A_52, %add3A_44, %dma_wait3A_53] : memref<2x32768x256xf32, #tpu.memory_space<hbm>> -> memref<1x32x256xf32, #tpu.memory_space<hbm>>
    %dma_wait3A_55 = tpu.memref_squeeze %dma_wait3A_54 : memref<1x32x256xf32, #tpu.memory_space<hbm>> -> memref<32x256xf32, #tpu.memory_space<hbm>>
    %dma_wait3A_56 = arith.constant 0 : i32
    %dma_wait3A_57 = tpu.memref_slice %arg4[%dma_wait3A_52, %add3A_44, %dma_wait3A_56] : memref<2x32768x256xf32, #tpu.memory_space<hbm>> -> memref<1x32x256xf32, #tpu.memory_space<hbm>>
    %dma_wait3A_58 = tpu.memref_squeeze %dma_wait3A_57 : memref<1x32x256xf32, #tpu.memory_space<hbm>> -> memref<32x256xf32, #tpu.memory_space<hbm>>
    tpu.wait_dma2 semaphore(%arg20 : memref<!tpu.dma_semaphore, #tpu.memory_space<semaphore_mem>>) src(%arg12 : memref<32x256xf32, #tpu.memory_space<vmem>>) dst(%dma_wait3A_58 : memref<32x256xf32, #tpu.memory_space<hbm>>)
    return
  }
}

</mosaic_0001>

<sc_bundles>
// kernel: kernel.3.cloned.1.call-start
scs
__scs_entry_jumppad:
0x0: {  	(pc) =	sbr.rel $0x88, $3  }
0x1: {  	(tag) =	ssettag $0x0;
	lr =	simm.s32 $0x1  }
0x2: {  	[smem:$0x3F9F] =	sst lr;
	_ =	strace $0xD0000000  }
0x3: {  	_ = 	snop  }
0x4: {  	_ = 	snop  }
0x5: {  	_ = 	snop  }
0x6: {  	_ = 	snop  }
0x7: {  	_ = 	snop  }
__scs_overlays_trampoline_lowered:
0x8: {  	[smem:$0x3FAE] =	sst s0  }
0x9: {  	[smem:$0x3FAF] =	sst s1  }
0xa: {  	[smem:$0x3FB0] =	sst s2  }
0xb: {  	[smem:$0x3FB1] =	sst s3  }
0xc: {  	[smem:$0x3FB2] =	sst s4  }
0xd: {  	[smem:$0x3FB3] =	sst s5  }
0xe: {  	[smem:$0x3FB4] =	sst s6  }
0xf: {  	[smem:$0x3FB5] =	sst s7  }
0x10: {  	[smem:$0x3FB6] =	sst s8  }
0x11: {  	[smem:$0x3FB7] =	sst s9;
	s0 =	simm.s32 @!p0 $0x0  }
0x12: {  	s1 =	sld [smem:$0x3F9D];
	s0 =	simm.s32 @p0 $0x1  }
0x13: {  	[smem:$0x3FB8] =	sst s0;
	s0 =	simm.s32 @!p1 $0x0  }
0x14: {  	s2 =	sld [smem:$0x3F9C];
	s0 =	simm.s32 @p1 $0x1  }
0x15: {  	[smem:$0x3FB9] =	sst s0;
	s0 =	simm.s32 @!p2 $0x0  }
0x16: {  	s3 =	sld [smem:$0x3FDB];
	s0 =	simm.s32 @p2 $0x1  }
0x17: {  	s4 =	simm.s32 $0x1BF5;
	[smem:$0x3FBB] =	sst s0  }
0x18: {  	s0 =	sld [smem:$0x3F9E];
	_ =	swait.ge [sflag:s4], $0x0  }
0x19: {  	s7 =	sld [smem:$0x3F9F]  }
0x1a: {  	s8 =	sadd.s32 $0xFFFFE003, lr  }
0x1b: {  	s9 =	sadd.s32 $0xFFFFFEF7, lr;
	s5 =	simm.s32 $0xFFFFFFFF;
	p2 =	slt.u32 s8, $0xFFFFF086  }
0x1c: {  	p1 =	slt.u32 s9, $0xF7A;
	s5 =	simm.s32 @!p2 $0x0  }
0x1d: {  	s5 =	simm.s32 @p1 $0x1;
	p0 =	seq.s32 s7, s2  }
0x1e: {  	s7 =	smul.u32 @!p0 $0xF7A, s2;
	p2 =	seq.s32 @!p0 s5, $0x0  }
0x1f: {  	s9 =	smul.u32 $0xF7A, s1;
	s8 =	simm.s32 @!p0 $0x1BF5;
	p2 =	por !p2, p0  }
0x20: {  	[sflag:s8] =	ssyncset.s32 @!p0 $0xFFFFF086;
	s6 =	sadd.s32 @!p0 s3, s7;
	s7 =	simm.s32 @!p0 $0x108  }
0x21: {  	s3 =	sadd.s32 s3, s9;
	s6 =	sadd.s32 @!p0 $0x88, s6;
	s7 =	simm.s32 @p2 $0x1082  }
0x22: {  	[simem:s7], [sflag:s8] =	dma.local @!p0 [hbm:s6], $0xF7A  }
0x23: {  	s9 =	sor.u32 $0xD0000000, s2;
	s6 =	simm.s32 $0x108;
	_ =	swait.ge @!p0 [sflag:s8], $0x0  }
0x24: {  	s3 =	sadd.s32 $0x88, s3;
	s6 =	simm.s32 @!p1 $0x1082;
	[sflag:s4] =	ssyncset.s32 $0xFFFFF086  }
0x25: {  	[simem:s6], [sflag:s4] =	dma.local [hbm:s3], $0xF7A  }
0x26: {  	[smem:$0x3F9F] =	sst s1;
	(tag) =	ssettag s2;
	_ =	strace s9  }
0x27: {  	s1 =	sld [smem:$0x3FAF]  }
0x28: {  	s2 =	sld [smem:$0x3FB0]  }
0x29: {  	s4 =	sld [smem:$0x3FB2]  }
0x2a: {  	p0 =	seq.s32 s5, $0x0;
	s5 =	sld [smem:$0x3FB3]  }
0x2b: {  	s6 =	sld [smem:$0x3FB4]  }
0x2c: {  	s7 =	sld [smem:$0x3FB5]  }
0x2d: {  	s3 =	simm.s32 $0x108;
	s8 =	sld [smem:$0x3FB6]  }
0x2e: {  	s3 =	simm.s32 @!p0 $0x1082;
	s9 =	sld [smem:$0x3FB7]  }
0x2f: {  	lr =	sadd.s32 s0, s3;
	s0 =	sld [smem:$0x3FAE]  }
0x30: {  	s3 =	sld [smem:$0x3FB1]  }
0x31: {  	[smem:$0x3FBA] =	sst s10  }
0x32: {  	s10 =	sld [smem:$0x3FB8];
	_ =	sdelay $0x3  }
0x33: {  	p0 =	seq.s32 s10, $0x1;
	s10 =	sld [smem:$0x3FBA];
	_ =	sdelay $0x3  }
0x34: {  	[smem:$0x3FBA] =	sst s10  }
0x35: {  	s10 =	sld [smem:$0x3FB9];
	_ =	sdelay $0x3  }
0x36: {  	p1 =	seq.s32 s10, $0x1;
	s10 =	sld [smem:$0x3FBA];
	_ =	sdelay $0x3  }
0x37: {  	[smem:$0x3FBA] =	sst s10  }
0x38: {  	s10 =	sld [smem:$0x3FBB]  }
0x39: {  	_ = 	snop;
	(pc) =	sbr.ind lr, $3  }
0x3a: {  	_ = 	snop  }
0x3b: {  	_ = 	snop  }
0x3c: {  	p2 =	seq.s32 s10, $0x1;
	s10 =	sld [smem:$0x3FBA]  }
0x3d: {  	_ =	shalt  }
0x3e: {  	_ =	shalt  }
0x3f: {  	_ =	shalt  }
0x40: {  	_ =	shalt  }
0x41: {  	_ =	shalt  }
0x42: {  	_ =	shalt  }
0x43: {  	_ =	shalt  }
0x44: {  	_ =	shalt  }
0x45: {  	_ =	shalt  }
0x46: {  	_ =	shalt  }
0x47: {  	_ =	shalt  }
0x48: {  	_ =	shalt  }
0x49: {  	_ =	shalt  }
0x4a: {  	_ =	shalt  }
0x4b: {  	_ =	shalt  }
0x4c: {  	_ =	shalt  }
0x4d: {  	_ =	shalt  }
0x4e: {  	_ =	shalt  }
0x4f: {  	_ =	shalt  }
0x50: {  	_ =	shalt  }
0x51: {  	_ =	shalt  }
0x52: {  	_ =	shalt  }
0x53: {  	_ =	shalt  }
0x54: {  	_ =	shalt  }
0x55: {  	_ =	shalt  }
0x56: {  	_ =	shalt  }
0x57: {  	_ =	shalt  }
0x58: {  	_ =	shalt  }
0x59: {  	_ =	shalt  }
0x5a: {  	_ =	shalt  }
0x5b: {  	_ =	shalt  }
0x5c: {  	_ =	shalt  }
0x5d: {  	_ =	shalt  }
0x5e: {  	_ =	shalt  }
0x5f: {  	_ =	shalt  }
0x60: {  	_ =	shalt  }
0x61: {  	_ =	shalt  }
0x62: {  	_ =	shalt  }
0x63: {  	_ =	shalt  }
0x64: {  	_ =	shalt  }
0x65: {  	_ =	shalt  }
0x66: {  	_ =	shalt  }
0x67: {  	_ =	shalt  }
0x68: {  	_ =	shalt  }
0x69: {  	_ =	shalt  }
0x6a: {  	_ =	shalt  }
0x6b: {  	_ =	shalt  }
0x6c: {  	_ =	shalt  }
0x6d: {  	_ =	shalt  }
0x6e: {  	_ =	shalt  }
0x6f: {  	_ =	shalt  }
0x70: {  	_ =	shalt  }
0x71: {  	_ =	shalt  }
0x72: {  	_ =	shalt  }
0x73: {  	_ =	shalt  }
0x74: {  	_ =	shalt  }
0x75: {  	_ =	shalt  }
0x76: {  	_ =	shalt  }
0x77: {  	_ =	shalt  }
0x78: {  	_ =	shalt  }
0x79: {  	_ =	shalt  }
0x7a: {  	_ =	shalt  }
0x7b: {  	_ =	shalt  }
0x7c: {  	_ =	shalt  }
0x7d: {  	_ =	shalt  }
0x7e: {  	_ =	shalt  }
0x7f: {  	_ =	shalt  }
0x80: {  	_ =	shalt  }
0x81: {  	_ =	shalt  }
0x82: {  	_ =	shalt  }
0x83: {  	_ =	shalt  }
0x84: {  	_ =	shalt  }
0x85: {  	_ =	shalt  }
0x86: {  	_ =	shalt  }
0x87: {  	_ =	shalt  }
.Lfunc_end0:
.L_simem_size_0:
called_computation_lowered:
.L_overlay_start_0:
0x88: {  	s2 =	sld [smem:$0x3FD9]  }
0x89: {  	s3 =	sld [smem:$0x3FFE];
	_ =	sdelay $0x1  }
0x8a: {  	s1 =	srdreg.scid  }
0x8b: {  	s0 =	sand.u32 $0x1, s1  }
0x8c: {  	s18 =	sshll.u32 s0, $0xA;
	s2 =	sadd.s32 s3, s2  }
0x8d: {  	s2 =	sadd.s32 s2, s18  }
0x8e: {  	[smem:$0x3FC6] =	sst s2  }
0x8f: {  	_ = 	snop  }
0x90: {  	s2 =	sld [smem:$0x3FC9]  }
0x91: {  	s19 =	sld [smem:$0x3FC8]  }
0x92: {  	s4 =	sld [smem:$0x3FD0];
	(tm) =	ssettm $0x1  }
0x93: {  	s5 =	sld [smem:$0x3FFB];
	_ =	sdelay $0x3  }
0x94: {  	_ =	strace s5  }
0x95: {  	s5 =	sld [smem:$0x3FFC];
	_ =	sdelay $0x3  }
0x96: {  	_ =	strace s5  }
0x97: {  	s5 =	sld [smem:$0x3FFD];
	_ =	sdelay $0x3  }
0x98: {  	_ =	strace s5  }
0x99: {  	_ =	strace $0x8FFFFFFF  }
0x9a: {  	s20 =	sld [smem:$0x3FDB];
	_ =	sdelay $0x1  }
0x9b: {  	s6 =	simm.s32 $_scs_section_size  }
0x9c: {  	s7 =	simm.s32 $_size__tile_overlayer_lowered;
	s8 =	simm.s32 $_tile_overlayer_lowered  }
0x9d: {  	s23 =	simm.s32 $0x1BFF;
	s22 =	sshll.u32 s8, $0x1;
	s5 =	sadd.s32 s6, s20  }
0x9e: {  	s9 =	simm.s32 $0x0;
	s21 =	sshll.u32 s7, $0x1;
	s7 =	sadd.s32 s22, s5  }
0x9f: {  	[timem:s9], [sflag:s23] =	dma.local [hbm:s7], s21  }
0xa0: {  	_ =	swait.ge [sflag:s23], s21  }
0xa1: {  	s6 =	ssub.s32 $0x0, s21;
	[sflag:s23] =	ssyncset.done $0x0  }
0xa2: {  	[sflag:s23] =	ssyncadd.s32 s6;
	_ =	sdelay $0x1  }
0xa3: {  	s24 =	simm.s32 $0x1B8B  }
0xa4: {  	_ =	swait.ge [sflag:s24], $0x1  }
0xa5: {  	[sflag:s24] =	ssyncset.done $0x0  }
0xa6: {  	s25 =	simm.s32 $0x1B8E;
	[sflag:s24] =	ssyncadd.s32 $0xFFFFFFFF  }
0xa7: {  	s26 =	simm.s32 $execute0_lowered;
	[smem:$0x3FD2] =	sst s25  }
0xa8: {  	s6 =	sshll.u32 s26, $0x1;
	_ =	strace $0x80000046;
	[dreg:$0x1] =	wrdreg $0xFFFFFFFF  }
0xa9: {  	s28 =	simm.s32 $_size_execute0_lowered;
	s5 =	sadd.s32 s5, s6;
	[dreg:$0x0] =	wrdreg $0x0  }
0xaa: {  	s6 =	sshll.u32 s28, $0x1;
	[dreg:$0x2] =	wrdreg s5  }
0xab: {  	[dreg:$0x3] =	wrdreg s6  }
0xac: {  	[dreg:$0x4] =	wrdreg $0xC0  }
0xad: {  	_ =	task [dreg:s9], $0x5FFFF  }
0xae: {  	[dreg:$0x1] =	wrdreg $0xFFFFFFFF  }
0xaf: {  	[dreg:$0x0] =	wrdreg $0x60  }
0xb0: {  	[dreg:$0x2] =	wrdreg s2  }
0xb1: {  	[dreg:$0x3] =	wrdreg s19  }
0xb2: {  	[dreg:$0x4] =	wrdreg s4  }
0xb3: {  	[dreg:$0x5] =	wrdreg $0x9  }
0xb4: {  	_ =	task.clear_ibuf [dreg:s9], $0x6FFFF;
	_ =	strace $0x90000046  }
0xb5: {  	s29 =	simm.s32 $0x9;
	_ =	strace $0x80000048  }
0xb6: {  	_ =	swait.ge [sflag:s29], $0x1  }
0xb7: {  	[sflag:s29] =	ssyncadd.s32 $0xFFFFFFFF  }
0xb8: {  	_ =	strace $0x90000048  }
0xb9: {  	_ =	sfence  }
0xba: {  	s30 =	sld [smem:$0x0];
	_ =	sdelay $0x2  }
0xbb: {  	s31 =	sshll.u32 s1, $0xD;
	s1 =	sshrl.u32 s1, $0x2  }
0xbc: {  	s3 =	sand.u32 $0x4000, s31;
	s1 =	sadd.s32 s1, s30  }
0xbd: {  	s0 =	sor.u32 s3, s0;
	s1 =	sshll.u32 s1, $0x11  }
0xbe: {  	s0 =	sor.u32 s1, s0  }
0xbf: {  	s0 =	sadd.s32 $0x8F2B, s0  }
0xc0: {  	[sflag:s0] =	ssyncadd.remote.s32 $0x1  }
0xc1: {  	_ =	sfence.sel $0xFFFF  }
0xc2: {  	[dreg:$0x0] =	wrdreg $0xFFFFFFFF;
	(pc) =	sbr.abs _section_cstart, $3  }
0xc3: {  	[dreg:$0x1] =	wrdreg $0xFFFFFFFF  }
0xc4: {  	_ =	task.clear_ibuf [dreg:s9], $0x2FFFF;
	_ =	strace $0x9FFFFFFF  }
0xc5: {  	(tm) =	ssettm $0x7FFFFFFF  }
tec
execute0_lowered:
.L_overlay_start_1:
0x0: {  	(tag) =	ssettag $0x1  }
0x1: {  	s1 =	rddreg [dreg:$0x0]  }
0x2: {  	s3 =	rddreg [dreg:$0x1]  }
0x3: {  	s4 =	rddreg [dreg:$0x2]  }
0x4: {  	s0 =	srdreg.scid;
	s2 =	stileid.u32;
	s5 =	simm.s32 $0x0  }
0x5: {  	s17 =	simm.s32 $0x4000;
	s18 =	simm.s32 $0x6000;
	s19 =	simm.s32 $0x1  }
0x6: {  	s20 =	simm.s32 $0x8000;
	s21 =	simm.s32 $0xA000;
	s22 =	simm.s32 $0x2  }
0x7: {  	s23 =	simm.s32 $0xC000;
	s24 =	simm.s32 $0xE000;
	s25 =	simm.s32 $0x3  }
0x8: {  	s28 =	simm.s32 $0x4;
	s29 =	simm.s32 $0x6;
	s0 =	sand.u32 $0x1, s0  }
0x9: {  	s2 =	sshll.u32 s2, $0xB;
	[smem:$0x7FF] =	sst s5;
	s6 =	sshll.u32 s0, $0xA  }
0xa: {  	s12 =	sadd.s32 $0x400, s4;
	s0 =	ssub.s32 $0x2, s0;
	s2 =	sor.u32 s6, s2  }
0xb: {  	_ =	strace $0x80000047;
	s7 =	sshrl.u32 s0, $0x1;
	s6 =	sshll.u32 s2, $0x5  }
0xc: {  	s0 =	ssub.s32 s0, s7;
	s11 =	sshll.u32 s2, $0x8;
	s26 =	sadd.s32 s1, s6  }
.Ltmp0:
0xd: {  	s8 =	sadd.s32 s3, s6;
	[dreg:$0x4] =	wrdreg s26;
	(pc) =	sbr.rel .LBB2_1-.Ltmp0, $4  }
0xe: {  	s30 =	sor.u32 $0x400, s6;
	s0 =	smax.u32 s0, $0x1;
	[dreg:$0x5] =	wrdreg s8  }
0xf: {  	s13 =	sor.u32 $0x1000, s6;
	s31 =	sadd.s32 s1, s30;
	[dreg:$0x8] =	wrdreg s0  }
0x10: {  	s14 =	sor.u32 $0x1400, s6;
	s7 =	sadd.s32 s3, s30;
	[dreg:$0x6] =	wrdreg s31  }
0x11: {  	vm0 =	vmmov $0x1;
	s26 =	simm.s32 $0x5;
	[dreg:$0x7] =	wrdreg s7;
	s7 =	simm.s32 $0x0  }
.LBB2_12:
0x12: {  	s0 =	simm.s32 $0x7  }
0x13: {  	_ =	swait.ge [sflag:s0], $0x2000  }
0x14: {  	[sflag:s0] =	ssyncset.done $0x0  }
0x15: {  	[sflag:s0] =	ssyncadd.s32 $0xFFFFE000  }
0x16: {  	_ =	swait.ge [sflag:s0], $0x2000  }
0x17: {  	[sflag:s0] =	ssyncset.done $0x0  }
0x18: {  	s2 =	simm.s32 $0x8;
	[sflag:s0] =	ssyncadd.s32 $0xFFFFE000  }
0x19: {  	_ =	swait.ge [sflag:s2], $0x2000  }
0x1a: {  	[sflag:s2] =	ssyncset.done $0x0  }
0x1b: {  	[sflag:s2] =	ssyncadd.s32 $0xFFFFE000  }
0x1c: {  	_ =	swait.ge [sflag:s2], $0x2000  }
0x1d: {  	s7 =	rddreg [dreg:$0x9]  }
0x1e: {  	s31 =	rddreg [dreg:$0x8];
	s7 =	sadd.s32 $0x1, s7  }
0x1f: {  	p0 =	sne.s32 s7, s31  }
.Ltmp1:
0x20: {  	_ = 	snop;
	(pc) =	sbr.rel @!p0 .LBB2_13-.Ltmp1, $3  }
0x21: {  	_ =	sdelay $0x1  }
0x22: {  	[sflag:s2] =	ssyncset.done $0x0  }
0x23: {  	[sflag:s2] =	ssyncadd.s32 $0xFFFFE000  }
.LBB2_1:
0x24: {  	[dreg:$0x9] =	wrdreg s7  }
0x25: {  	s0 =	rddreg [dreg:$0x4]  }
0x26: {  	[tilespmem:s5], [sflag:$0x1] =	stream.linear.gather [hbm4b:s0+s5], $0x2000, $0x38;
	[tilespmem:$0x10000] =	vst v63  }
0x27: {  	s16 =	rddreg [dreg:$0x5];
	s2 =	simm.s32 $0x2000  }
0x28: {  	[tilespmem:s2], [sflag:$0x1] =	stream.linear.gather [hbm4b:s16+s5], $0x2000, $0x38;
	[tilespmem:$0x10000] =	vst v63  }
0x29: {  	s30 =	rddreg [dreg:$0x6]  }
0x2a: {  	[tilespmem:s17], [sflag:$0x2] =	stream.linear.gather [hbm4b:s30+s5], $0x2000, $0x38;
	[tilespmem:$0x10000] =	vst v63  }
0x2b: {  	s31 =	rddreg [dreg:$0x7];
	s2 =	simm.s32 $0x0  }
0x2c: {  	[tilespmem:s18], [sflag:$0x2] =	stream.linear.gather [hbm4b:s31+s5], $0x2000, $0x38;
	[tilespmem:$0x10000] =	vst v63  }
.LBB2_2:
0x2d: {  	_ =	swait.ge [sflag:s19], $0x2000  }
0x2e: {  	[sflag:s19] =	ssyncset.done $0x0  }
0x2f: {  	[sflag:s19] =	ssyncadd.s32 $0xFFFFE000  }
0x30: {  	s0 =	simm.s32 $0x0;
	_ =	swait.ge [sflag:s19], $0x2000  }
0x31: {  	s7 =	sand.u32 $0x1800, s0;
	s0 =	sand.u32 $0x200, s0;
	[sflag:s19] =	ssyncset.done $0x0  }
0x32: {  	s8 =	sor.u32 s0, s7;
	[sflag:s19] =	ssyncadd.s32 $0xFFFFE000  }
0x33: {  	v5 =	vld [tilespmem:s8+$0x180]  }
0x34: {  	v6 =	vld [tilespmem:s8+$0x2180]  }
0x35: {  	v12 =	vld [tilespmem:s8+$0x2080]  }
0x36: {  	v0 =	vld [tilespmem:s8+$0x80];
	_ =	sdelay $0x3  }
0x37: {  	v3 =	vsub.f32 v5, v6;
	v4 =	vadd.f32 v6, v5  }
0x38: {  	v7 =	vadd.f32 v12, v0;
	v8 =	vsub.f32 v0, v12  }
0x39: {  	v1 =	vmax.f32 v3, $0.0e+00  }
0x3a: {  	v2 =	vmin.f32 v4, $0.0e+00;
	v11 =	vmax.f32 v8, $0.0e+00;
	v13 =	vmin.f32 v7, $0.0e+00  }
0x3b: {  	vm1 =	vle.f32 v3, $0.0e+00;
	v9 =	vadd.f32 v1, v4;
	v1 =	vsub.f32 v4, v1  }
0x3c: {  	vm2 =	vgt.f32 v4, $0.0e+00;
	v10 =	vsub.f32 v2, v3;
	v14 =	vadd.f32 v2, v3  }
0x3d: {  	v16 =	vsub.f32 v13, v8;
	v17 =	vadd.f32 v11, v7;
	v9 =	vmul.f32 $5.000000000e-01, v9  }
0x3e: {  	v13 =	vadd.f32 v13, v8;
	v15 =	vmul.f32 $5.000000000e-01, v1;
	v10 =	vmul.f32 $5.000000000e-01, v10  }
0x3f: {  	v11 =	vsub.f32 v7, v11;
	v14 =	vmul.f32 $5.000000000e-01, v14;
	v16 =	vmul.f32 $5.000000000e-01, v16  }
0x40: {  	v2 =	vld [tilespmem:s8+$0x0];
	v3 =	vmul.f32 $5.000000000e-01, v13;
	v13 =	vmul.f32 $5.000000000e-01, v17;
	v18 =	vsub.f32 v9, v15  }
0x41: {  	v1 =	vld [tilespmem:s8+$0x2000];
	v11 =	vmul.f32 $5.000000000e-01, v11;
	v4 =	vsub.f32 v14, v10;
	v10 =	vadd.f32 v10, v14  }
0x42: {  	vm3 =	vle.f32 v8, $0.0e+00;
	v14 =	vsub.f32 v3, v16;
	v9 =	vadd.f32 v15, v9  }
0x43: {  	v15 =	vadd.f32 v16, v3;
	v16 =	vadd.f32 v11, v13;
	v3 =	vmin.f32 v4, v18  }
0x44: {  	vm4 =	vgt.f32 v7, $0.0e+00;
	v17 =	vsel vm2, v3, v4;
	v4 =	vmax.f32 v10, v9  }
0x45: {  	v7 =	vsub.f32 v13, v11;
	v11 =	vmax.f32 v15, v16;
	v3 =	vld [tilespmem:s8+$0x2100];
	v10 =	vsel vm2, v4, v10  }
0x46: {  	v8 =	vadd.f32 v1, v2;
	v4 =	vld [tilespmem:s8+$0x100];
	v13 =	vsel vm1, v17, v18;
	v9 =	vsel vm1, v10, v9  }
0x47: {  	v11 =	vsel vm4, v11, v15;
	v10 =	vmin.f32 v14, v7;
	v15 =	vadd.f32 v9, v13  }
0x48: {  	v10 =	vsel vm4, v10, v14;
	v14 =	vsel vm3, v11, v16;
	v9 =	vsub.f32 v9, v13  }
0x49: {  	v11 =	vsub.f32 v2, v1;
	v16 =	vmin.f32 v8, $0.0e+00;
	v7 =	vsel vm3, v10, v7  }
0x4a: {  	v13 =	vmul.f32 $5.000000000e-01, v15;
	v10 =	vadd.f32 v14, v7;
	v7 =	vsub.f32 v14, v7  }
0x4b: {  	v14 =	vmul.f32 $5.000000000e-01, v9;
	v15 =	vmax.f32 v11, $0.0e+00;
	v9 =	vsub.f32 v4, v3  }
0x4c: {  	v17 =	vsel vm0, v13, v5;
	v5 =	vadd.f32 v16, v11;
	v13 =	vsub.f32 v16, v11  }
0x4d: {  	v19 =	vadd.f32 v15, v8;
	v16 =	vmul.f32 $5.000000000e-01, v7;
	v18 =	vsel vm0, v14, v6  }
0x4e: {  	v5 =	vmul.f32 $5.000000000e-01, v5;
	v7 =	vmul.f32 $5.000000000e-01, v13;
	v13 =	vadd.f32 v3, v4  }
0x4f: {  	v14 =	vsub.f32 v8, v15;
	[tilespmem:s8+$0x180] =	vst v17;
	v6 =	vmax.f32 v9, $0.0e+00;
	v15 =	vsel vm0, v16, v12  }
0x50: {  	[tilespmem:s8+$0x2180] =	vst v18;
	v12 =	vsub.f32 v5, v7;
	v17 =	vmin.f32 v13, $0.0e+00;
	v18 =	vsub.f32 v13, v6  }
0x51: {  	s15 =	simm.s32 $0x200;
	s7 =	simm.s32 $0x400;
	[tilespmem:s8+$0x2080] =	vst v15;
	v15 =	vmul.f32 $5.000000000e-01, v19;
	v16 =	vadd.f32 v17, v9;
	v17 =	vsub.f32 v17, v9  }
.LBB2_3:
0x52: {  	s9 =	smov.u32 s15  }
0x53: {  	s0 =	sand.u32 $0x1800, s7;
	s10 =	sand.u32 $0x200, s15;
	vm1 =	vgt.f32 v8, $0.0e+00;
	v8 =	vadd.f32 v6, v13;
	v18 =	vmul.f32 $5.000000000e-01, v18;
	s9 =	sadd.s32 $0x200, s15  }
0x54: {  	p0 =	sne.s32 s15, $0xE00;
	vm2 =	vle.f32 v11, $0.0e+00;
	s10 =	sor.u32 s10, s0;
	v11 =	vmul.f32 $5.000000000e-01, v16;
	v16 =	vmul.f32 $5.000000000e-01, v17  }
0x55: {  	v10 =	vmul.f32 $5.000000000e-01, v10;
	v17 =	vadd.f32 v7, v5;
	v8 =	vmul.f32 $5.000000000e-01, v8;
	v6 =	vld [tilespmem:s10+$0x180]  }
0x56: {  	v14 =	vmul.f32 $5.000000000e-01, v14;
	v19 =	vsub.f32 v11, v16;
	v11 =	vadd.f32 v16, v11;
	v7 =	vld [tilespmem:s10+$0x2180]  }
0x57: {  	v0 =	vsel vm0, v10, v0;
	v10 =	vsub.f32 v8, v18;
	v8 =	vadd.f32 v18, v8;
	v5 =	vld [tilespmem:s10+$0x2080]  }
0x58: {  	vm3 =	vle.f32 v9, $0.0e+00;
	v16 =	vsub.f32 v15, v14;
	v14 =	vadd.f32 v14, v15;
	[tilespmem:s8+$0x80] =	vst v0  }
0x59: {  	vm4 =	vgt.f32 v13, $0.0e+00;
	v9 =	vmin.f32 v19, v10;
	v13 =	vmax.f32 v11, v8;
	v0 =	vld [tilespmem:s10+$0x80]  }
0x5a: {  	v15 =	vmin.f32 v12, v16;
	v18 =	vmax.f32 v17, v14;
	v9 =	vsel vm4, v9, v19  }
0x5b: {  	v12 =	vsel vm1, v15, v12;
	v15 =	vsel vm1, v18, v17;
	v11 =	vsel vm4, v13, v11  }
0x5c: {  	v12 =	vsel vm2, v12, v16;
	v14 =	vsel vm2, v15, v14;
	v13 =	vadd.f32 v7, v6  }
0x5d: {  	v16 =	vsub.f32 v14, v12;
	v8 =	vsel vm3, v11, v8;
	v15 =	vsub.f32 v6, v7  }
0x5e: {  	v12 =	vadd.f32 v14, v12;
	v9 =	vsel vm3, v9, v10;
	v11 =	vadd.f32 v5, v0  }
0x5f: {  	v16 =	vmul.f32 $5.000000000e-01, v16;
	v14 =	vmin.f32 v13, $0.0e+00;
	v10 =	vsub.f32 v0, v5  }
0x60: {  	v12 =	vmul.f32 $5.000000000e-01, v12;
	v18 =	vmax.f32 v15, $0.0e+00;
	v17 =	vsub.f32 v14, v15  }
0x61: {  	v21 =	vsub.f32 v8, v9;
	v20 =	vadd.f32 v18, v13;
	v19 =	vmax.f32 v10, $0.0e+00  }
0x62: {  	v8 =	vadd.f32 v8, v9;
	v18 =	vsub.f32 v13, v18;
	v17 =	vmul.f32 $5.000000000e-01, v17  }
0x63: {  	v1 =	vsel vm0, v16, v1;
	v9 =	vmin.f32 v11, $0.0e+00;
	v20 =	vmul.f32 $5.000000000e-01, v20  }
0x64: {  	v14 =	vadd.f32 v14, v15;
	v16 =	vmul.f32 $5.000000000e-01, v18;
	v18 =	vmul.f32 $5.000000000e-01, v21;
	[tilespmem:s8+$0x2000] =	vst v1  }
0x65: {  	v2 =	vsel vm0, v12, v2;
	v21 =	vsub.f32 v9, v10;
	v22 =	vadd.f32 v19, v11;
	v1 =	vld [tilespmem:s10+$0x2000]  }
0x66: {  	v8 =	vmul.f32 $5.000000000e-01, v8;
	v9 =	vadd.f32 v9, v10;
	v12 =	vsub.f32 v20, v16;
	[tilespmem:s8+$0x0] =	vst v2  }
0x67: {  	v14 =	vmul.f32 $5.000000000e-01, v14;
	v19 =	vsub.f32 v11, v19;
	v3 =	vsel vm0, v18, v3;
	v2 =	vld [tilespmem:s10+$0x0]  }
0x68: {  	vm1 =	vle.f32 v15, $0.0e+00;
	v4 =	vsel vm0, v8, v4;
	v18 =	vmul.f32 $5.000000000e-01, v21;
	[tilespmem:s8+$0x2100] =	vst v3  }
0x69: {  	vm2 =	vgt.f32 v13, $0.0e+00;
	v3 =	vmul.f32 $5.000000000e-01, v9;
	v9 =	vsub.f32 v14, v17;
	[tilespmem:s8+$0x100] =	vst v4;
	s8 =	smov.u32 s10  }
0x6a: {  	v13 =	vmul.f32 $5.000000000e-01, v19;
	v14 =	vadd.f32 v17, v14;
	v4 =	vmul.f32 $5.000000000e-01, v22  }
0x6b: {  	vm3 =	vle.f32 v10, $0.0e+00;
	v15 =	vadd.f32 v16, v20;
	v10 =	vsub.f32 v3, v18  }
0x6c: {  	v16 =	vadd.f32 v18, v3;
	v3 =	vmin.f32 v9, v12;
	v8 =	vadd.f32 v1, v2  }
0x6d: {  	v18 =	vmax.f32 v14, v15;
	v17 =	vadd.f32 v13, v4;
	v9 =	vsel vm2, v3, v9  }
0x6e: {  	vm4 =	vgt.f32 v11, $0.0e+00;
	v13 =	vsub.f32 v4, v13;
	v11 =	vsel vm2, v18, v14;
	v3 =	vld [tilespmem:s8+$0x2100]  }
0x6f: {  	v9 =	vsel vm1, v9, v12;
	v11 =	vsel vm1, v11, v15;
	v14 =	vmax.f32 v16, v17;
	v4 =	vld [tilespmem:s8+$0x100]  }
0x70: {  	v12 =	vmin.f32 v10, v13;
	v15 =	vadd.f32 v11, v9;
	v14 =	vsel vm4, v14, v16  }
0x71: {  	v9 =	vsub.f32 v11, v9;
	v10 =	vsel vm4, v12, v10;
	v12 =	vsel vm3, v14, v17  }
0x72: {  	v11 =	vsub.f32 v2, v1;
	v13 =	vsel vm3, v10, v13;
	v14 =	vmul.f32 $5.000000000e-01, v15  }
0x73: {  	v10 =	vadd.f32 v12, v13;
	v12 =	vsub.f32 v12, v13;
	v13 =	vmul.f32 $5.000000000e-01, v9  }
0x74: {  	v15 =	vmax.f32 v11, $0.0e+00;
	v6 =	vsel vm0, v14, v6;
	v9 =	vsub.f32 v4, v3  }
0x75: {  	v14 =	vmin.f32 v8, $0.0e+00;
	v12 =	vmul.f32 $5.000000000e-01, v12;
	[tilespmem:s8+$0x180] =	vst v6;
	v6 =	vsel vm0, v13, v7  }
0x76: {  	v7 =	vadd.f32 v14, v11;
	v13 =	vsub.f32 v14, v11;
	[tilespmem:s8+$0x2180] =	vst v6  }
.Ltmp2:
0x77: {  	v12 =	vsel vm0, v12, v5;
	v14 =	vsub.f32 v8, v15;
	v6 =	vadd.f32 v15, v8;
	(pc) =	sbr.rel @p0 .LBB2_3-.Ltmp2, $4  }
0x78: {  	v5 =	vmul.f32 $5.000000000e-01, v7;
	v7 =	vmul.f32 $5.000000000e-01, v13;
	v13 =	vadd.f32 v3, v4;
	[tilespmem:s8+$0x2080] =	vst v12  }
0x79: {  	v15 =	vmul.f32 $5.000000000e-01, v6;
	v6 =	vmax.f32 v9, $0.0e+00  }
0x7a: {  	v12 =	vsub.f32 v5, v7;
	v17 =	vmin.f32 v13, $0.0e+00;
	v18 =	vsub.f32 v13, v6  }
0x7b: {  	s7 =	sadd.s32 $0x400, s7;
	s15 =	smov.u32 s9;
	v16 =	vadd.f32 v17, v9;
	v17 =	vsub.f32 v17, v9  }
0x7c: {  	vm1 =	vgt.f32 v8, $0.0e+00;
	v8 =	vmul.f32 $5.000000000e-01, v18  }
0x7d: {  	v6 =	vadd.f32 v6, v13;
	v16 =	vmul.f32 $5.000000000e-01, v16;
	v17 =	vmul.f32 $5.000000000e-01, v17  }
0x7e: {  	vm2 =	vle.f32 v11, $0.0e+00;
	v5 =	vadd.f32 v7, v5;
	v7 =	vmul.f32 $5.000000000e-01, v14  }
0x7f: {  	v6 =	vmul.f32 $5.000000000e-01, v6;
	v11 =	vsub.f32 v16, v17;
	v14 =	vadd.f32 v17, v16  }
0x80: {  	v10 =	vmul.f32 $5.000000000e-01, v10;
	v16 =	vsub.f32 v15, v7;
	v7 =	vadd.f32 v7, v15  }
0x81: {  	vm3 =	vle.f32 v9, $0.0e+00;
	vm4 =	vgt.f32 v13, $0.0e+00;
	v15 =	vsub.f32 v6, v8  }
0x82: {  	v6 =	vadd.f32 v8, v6;
	v8 =	vmin.f32 v12, v16;
	v9 =	vmax.f32 v5, v7  }
0x83: {  	v13 =	vmin.f32 v11, v15;
	v8 =	vsel vm1, v8, v12;
	v5 =	vsel vm1, v9, v5  }
0x84: {  	v9 =	vmax.f32 v14, v6;
	v8 =	vsel vm2, v8, v16;
	v5 =	vsel vm2, v5, v7  }
0x85: {  	v7 =	vsel vm4, v13, v11;
	v9 =	vsel vm4, v9, v14;
	v11 =	vsub.f32 v5, v8  }
0x86: {  	v6 =	vsel vm3, v9, v6;
	v5 =	vadd.f32 v5, v8;
	v7 =	vsel vm3, v7, v15  }
0x87: {  	v9 =	vsub.f32 v6, v7;
	v8 =	vmul.f32 $5.000000000e-01, v11  }
0x88: {  	v0 =	vsel vm0, v10, v0;
	v6 =	vadd.f32 v6, v7;
	v5 =	vmul.f32 $5.000000000e-01, v5  }
0x89: {  	[tilespmem:s8+$0x80] =	vst v0;
	v0 =	vsel vm0, v8, v1;
	v1 =	vmul.f32 $5.000000000e-01, v9  }
0x8a: {  	s0 =	sshll.u32 s2, $0xF;
	[tilespmem:s8+$0x2000] =	vst v0;
	v0 =	vsel vm0, v5, v2;
	v2 =	vmul.f32 $5.000000000e-01, v6  }
0x8b: {  	s0 =	sadd.s32 s11, s0;
	[tilespmem:s8+$0x0] =	vst v0;
	v0 =	vsel vm0, v1, v3  }
0x8c: {  	s7 =	sshrl.u32 s0, $0x3;
	v1 =	vsel vm0, v2, v4;
	[tilespmem:s8+$0x2100] =	vst v0  }
0x8d: {  	s0 =	sadd.s32 s4, s7;
	s15 =	sor.u32 $0x100000, s7;
	[tilespmem:s8+$0x100] =	vst v1  }
0x8e: {  	[hbm4b:s0+s5] =	stream.linear.scatter [tilespmem:s5], [sflag:$0x5], $0x2000, $0x38;
	[tilespmem:$0x10000] =	vst v63  }
0x8f: {  	s16 =	simm.s32 $0x2000;
	p0 =	seq.s32 s2, $0x0;
	s0 =	sadd.s32 s4, s15  }
0x90: {  	[hbm4b:s0+s5] =	stream.linear.scatter [tilespmem:s16], [sflag:$0x5], $0x2000, $0x38;
	[tilespmem:$0x10000] =	vst v63  }
0x91: {  	s0 =	simm.s32 @!p0 $0x7  }
0x92: {  	_ =	swait.ge @!p0 [sflag:s0], $0x2000  }
0x93: {  	s9 =	sshll.u32 s2, $0x2;
	[sflag:s0] =	ssyncset.done @!p0 $0x0  }
0x94: {  	s8 =	sor.u32 $0x2, s9;
	[sflag:s0] =	ssyncadd.s32 @!p0 $0xFFFFE000  }
0x95: {  	s10 =	sshll.u32 s8, $0xA;
	_ =	swait.ge @!p0 [sflag:s0], $0x2000  }
0x96: {  	s10 =	sadd.s32 s6, s10;
	[sflag:s0] =	ssyncset.done @!p0 $0x0  }
0x97: {  	s15 =	simm.s32 $0x0;
	s31 =	sadd.s32 s1, s10;
	[sflag:s0] =	ssyncadd.s32 @!p0 $0xFFFFE000  }
0x98: {  	[tilespmem:s20], [sflag:$0x3] =	stream.linear.gather [hbm4b:s31+s15], $0x2000, $0x38;
	[tilespmem:$0x10000] =	vst v63  }
0x99: {  	s10 =	sadd.s32 s3, s10  }
0x9a: {  	[tilespmem:s21], [sflag:$0x3] =	stream.linear.gather [hbm4b:s10+s15], $0x2000, $0x38;
	[tilespmem:$0x10000] =	vst v63  }
0x9b: {  	_ =	swait.ge [sflag:s22], $0x2000  }
0x9c: {  	[sflag:s22] =	ssyncset.done $0x0  }
0x9d: {  	[sflag:s22] =	ssyncadd.s32 $0xFFFFE000  }
0x9e: {  	_ =	swait.ge [sflag:s22], $0x2000  }
0x9f: {  	s16 =	sand.u32 $0x1800, s15;
	s31 =	sand.u32 $0x200, s15;
	[sflag:s22] =	ssyncset.done $0x0  }
0xa0: {  	s10 =	sor.u32 s31, s16;
	[sflag:s22] =	ssyncadd.s32 $0xFFFFE000  }
0xa1: {  	v5 =	vld [tilespmem:s10+$0x4180]  }
0xa2: {  	v6 =	vld [tilespmem:s10+$0x6180]  }
0xa3: {  	v12 =	vld [tilespmem:s10+$0x6080]  }
0xa4: {  	v0 =	vld [tilespmem:s10+$0x4080];
	_ =	sdelay $0x3  }
0xa5: {  	v3 =	vsub.f32 v5, v6;
	v4 =	vadd.f32 v6, v5  }
0xa6: {  	v7 =	vadd.f32 v12, v0;
	v8 =	vsub.f32 v0, v12  }
0xa7: {  	v1 =	vmax.f32 v3, $0.0e+00  }
0xa8: {  	v2 =	vmin.f32 v4, $0.0e+00;
	v11 =	vmax.f32 v8, $0.0e+00;
	v13 =	vmin.f32 v7, $0.0e+00  }
0xa9: {  	vm1 =	vle.f32 v3, $0.0e+00;
	v9 =	vadd.f32 v1, v4;
	v1 =	vsub.f32 v4, v1  }
0xaa: {  	vm2 =	vgt.f32 v4, $0.0e+00;
	v10 =	vsub.f32 v2, v3;
	v14 =	vadd.f32 v2, v3  }
0xab: {  	v16 =	vsub.f32 v13, v8;
	v17 =	vadd.f32 v11, v7;
	v9 =	vmul.f32 $5.000000000e-01, v9  }
0xac: {  	v13 =	vadd.f32 v13, v8;
	v15 =	vmul.f32 $5.000000000e-01, v1;
	v10 =	vmul.f32 $5.000000000e-01, v10  }
0xad: {  	v11 =	vsub.f32 v7, v11;
	v14 =	vmul.f32 $5.000000000e-01, v14;
	v16 =	vmul.f32 $5.000000000e-01, v16  }
0xae: {  	v2 =	vld [tilespmem:s10+$0x4000];
	v3 =	vmul.f32 $5.000000000e-01, v13;
	v13 =	vmul.f32 $5.000000000e-01, v17;
	v18 =	vsub.f32 v9, v15  }
0xaf: {  	v1 =	vld [tilespmem:s10+$0x6000];
	v11 =	vmul.f32 $5.000000000e-01, v11;
	v4 =	vsub.f32 v14, v10;
	v10 =	vadd.f32 v10, v14  }
0xb0: {  	vm3 =	vle.f32 v8, $0.0e+00;
	v14 =	vsub.f32 v3, v16;
	v9 =	vadd.f32 v15, v9  }
0xb1: {  	v15 =	vadd.f32 v16, v3;
	v16 =	vadd.f32 v11, v13;
	v3 =	vmin.f32 v4, v18  }
0xb2: {  	vm15 =	vgt.f32 v7, $0.0e+00;
	v17 =	vsel vm2, v3, v4;
	v4 =	vmax.f32 v10, v9  }
0xb3: {  	v7 =	vsub.f32 v13, v11;
	v11 =	vmax.f32 v15, v16;
	v3 =	vld [tilespmem:s10+$0x6100];
	v10 =	vsel vm2, v4, v10  }
0xb4: {  	v8 =	vadd.f32 v1, v2;
	v4 =	vld [tilespmem:s10+$0x4100];
	v13 =	vsel vm1, v17, v18;
	v9 =	vsel vm1, v10, v9  }
0xb5: {  	v11 =	vsel vm15, v11, v15;
	v10 =	vmin.f32 v14, v7;
	v15 =	vadd.f32 v9, v13  }
0xb6: {  	v10 =	vsel vm15, v10, v14;
	v14 =	vsel vm3, v11, v16;
	v9 =	vsub.f32 v9, v13  }
0xb7: {  	v11 =	vsub.f32 v2, v1;
	v16 =	vmin.f32 v8, $0.0e+00;
	v7 =	vsel vm3, v10, v7  }
0xb8: {  	v13 =	vmul.f32 $5.000000000e-01, v15;
	v10 =	vadd.f32 v14, v7;
	v7 =	vsub.f32 v14, v7  }
0xb9: {  	v14 =	vmul.f32 $5.000000000e-01, v9;
	v15 =	vmax.f32 v11, $0.0e+00;
	v9 =	vsub.f32 v4, v3  }
0xba: {  	v17 =	vsel vm0, v13, v5;
	v5 =	vadd.f32 v16, v11;
	v13 =	vsub.f32 v16, v11  }
0xbb: {  	v19 =	vadd.f32 v15, v8;
	v16 =	vmul.f32 $5.000000000e-01, v7;
	v18 =	vsel vm0, v14, v6  }
0xbc: {  	v5 =	vmul.f32 $5.000000000e-01, v5;
	v7 =	vmul.f32 $5.000000000e-01, v13;
	v13 =	vadd.f32 v3, v4  }
0xbd: {  	v14 =	vsub.f32 v8, v15;
	[tilespmem:s10+$0x4180] =	vst v17;
	v6 =	vmax.f32 v9, $0.0e+00;
	v15 =	vsel vm0, v16, v12  }
0xbe: {  	[tilespmem:s10+$0x6180] =	vst v18;
	v12 =	vsub.f32 v5, v7;
	v17 =	vmin.f32 v13, $0.0e+00;
	v18 =	vsub.f32 v13, v6  }
0xbf: {  	s30 =	simm.s32 $0x200;
	s15 =	simm.s32 $0x400;
	[tilespmem:s10+$0x6080] =	vst v15;
	v15 =	vmul.f32 $5.000000000e-01, v19;
	v16 =	vadd.f32 v17, v9;
	v17 =	vsub.f32 v17, v9  }
.LBB2_5:
0xc0: {  	s0 =	smov.u32 s30  }
0xc1: {  	s31 =	sand.u32 $0x1800, s15;
	s16 =	sand.u32 $0x200, s30;
	vm1 =	vgt.f32 v8, $0.0e+00;
	v8 =	vadd.f32 v6, v13;
	v18 =	vmul.f32 $5.000000000e-01, v18;
	s0 =	sadd.s32 $0x200, s30  }
0xc2: {  	p1 =	sne.s32 s30, $0xE00;
	vm2 =	vle.f32 v11, $0.0e+00;
	s31 =	sor.u32 s16, s31;
	v11 =	vmul.f32 $5.000000000e-01, v16;
	v16 =	vmul.f32 $5.000000000e-01, v17  }
0xc3: {  	v10 =	vmul.f32 $5.000000000e-01, v10;
	v17 =	vadd.f32 v7, v5;
	v8 =	vmul.f32 $5.000000000e-01, v8;
	v6 =	vld [tilespmem:s31+$0x4180]  }
0xc4: {  	v14 =	vmul.f32 $5.000000000e-01, v14;
	v19 =	vsub.f32 v11, v16;
	v11 =	vadd.f32 v16, v11;
	v7 =	vld [tilespmem:s31+$0x6180]  }
0xc5: {  	v0 =	vsel vm0, v10, v0;
	v10 =	vsub.f32 v8, v18;
	v8 =	vadd.f32 v18, v8;
	v5 =	vld [tilespmem:s31+$0x6080]  }
0xc6: {  	vm3 =	vle.f32 v9, $0.0e+00;
	v16 =	vsub.f32 v15, v14;
	v14 =	vadd.f32 v14, v15;
	[tilespmem:s10+$0x4080] =	vst v0  }
0xc7: {  	vm4 =	vgt.f32 v13, $0.0e+00;
	v9 =	vmin.f32 v19, v10;
	v13 =	vmax.f32 v11, v8;
	v0 =	vld [tilespmem:s31+$0x4080]  }
0xc8: {  	v15 =	vmin.f32 v12, v16;
	v18 =	vmax.f32 v17, v14;
	v9 =	vsel vm4, v9, v19  }
0xc9: {  	v12 =	vsel vm1, v15, v12;
	v15 =	vsel vm1, v18, v17;
	v11 =	vsel vm4, v13, v11  }
0xca: {  	v12 =	vsel vm2, v12, v16;
	v14 =	vsel vm2, v15, v14;
	v13 =	vadd.f32 v7, v6  }
0xcb: {  	v16 =	vsub.f32 v14, v12;
	v8 =	vsel vm3, v11, v8;
	v15 =	vsub.f32 v6, v7  }
0xcc: {  	v12 =	vadd.f32 v14, v12;
	v9 =	vsel vm3, v9, v10;
	v11 =	vadd.f32 v5, v0  }
0xcd: {  	v16 =	vmul.f32 $5.000000000e-01, v16;
	v14 =	vmin.f32 v13, $0.0e+00;
	v10 =	vsub.f32 v0, v5  }
0xce: {  	v12 =	vmul.f32 $5.000000000e-01, v12;
	v18 =	vmax.f32 v15, $0.0e+00;
	v17 =	vsub.f32 v14, v15  }
0xcf: {  	v21 =	vsub.f32 v8, v9;
	v20 =	vadd.f32 v18, v13;
	v19 =	vmax.f32 v10, $0.0e+00  }
0xd0: {  	v8 =	vadd.f32 v8, v9;
	v18 =	vsub.f32 v13, v18;
	v17 =	vmul.f32 $5.000000000e-01, v17  }
0xd1: {  	v1 =	vsel vm0, v16, v1;
	v9 =	vmin.f32 v11, $0.0e+00;
	v20 =	vmul.f32 $5.000000000e-01, v20  }
0xd2: {  	v14 =	vadd.f32 v14, v15;
	v16 =	vmul.f32 $5.000000000e-01, v18;
	v18 =	vmul.f32 $5.000000000e-01, v21;
	[tilespmem:s10+$0x6000] =	vst v1  }
0xd3: {  	v2 =	vsel vm0, v12, v2;
	v21 =	vsub.f32 v9, v10;
	v22 =	vadd.f32 v19, v11;
	v1 =	vld [tilespmem:s31+$0x6000]  }
0xd4: {  	v8 =	vmul.f32 $5.000000000e-01, v8;
	v9 =	vadd.f32 v9, v10;
	v12 =	vsub.f32 v20, v16;
	[tilespmem:s10+$0x4000] =	vst v2  }
0xd5: {  	v14 =	vmul.f32 $5.000000000e-01, v14;
	v19 =	vsub.f32 v11, v19;
	v3 =	vsel vm0, v18, v3;
	v2 =	vld [tilespmem:s31+$0x4000]  }
0xd6: {  	vm1 =	vle.f32 v15, $0.0e+00;
	v4 =	vsel vm0, v8, v4;
	v18 =	vmul.f32 $5.000000000e-01, v21;
	[tilespmem:s10+$0x6100] =	vst v3  }
0xd7: {  	vm2 =	vgt.f32 v13, $0.0e+00;
	v3 =	vmul.f32 $5.000000000e-01, v9;
	v9 =	vsub.f32 v14, v17;
	[tilespmem:s10+$0x4100] =	vst v4;
	s10 =	smov.u32 s31  }
0xd8: {  	v13 =	vmul.f32 $5.000000000e-01, v19;
	v14 =	vadd.f32 v17, v14;
	v4 =	vmul.f32 $5.000000000e-01, v22  }
0xd9: {  	vm3 =	vle.f32 v10, $0.0e+00;
	v15 =	vadd.f32 v16, v20;
	v10 =	vsub.f32 v3, v18  }
0xda: {  	v16 =	vadd.f32 v18, v3;
	v3 =	vmin.f32 v9, v12;
	v8 =	vadd.f32 v1, v2  }
0xdb: {  	v18 =	vmax.f32 v14, v15;
	v17 =	vadd.f32 v13, v4;
	v9 =	vsel vm2, v3, v9  }
0xdc: {  	vm4 =	vgt.f32 v11, $0.0e+00;
	v13 =	vsub.f32 v4, v13;
	v11 =	vsel vm2, v18, v14;
	v3 =	vld [tilespmem:s10+$0x6100]  }
0xdd: {  	v9 =	vsel vm1, v9, v12;
	v11 =	vsel vm1, v11, v15;
	v14 =	vmax.f32 v16, v17;
	v4 =	vld [tilespmem:s10+$0x4100]  }
0xde: {  	v12 =	vmin.f32 v10, v13;
	v15 =	vadd.f32 v11, v9;
	v14 =	vsel vm4, v14, v16  }
0xdf: {  	v9 =	vsub.f32 v11, v9;
	v10 =	vsel vm4, v12, v10;
	v12 =	vsel vm3, v14, v17  }
0xe0: {  	v11 =	vsub.f32 v2, v1;
	v13 =	vsel vm3, v10, v13;
	v14 =	vmul.f32 $5.000000000e-01, v15  }
0xe1: {  	v10 =	vadd.f32 v12, v13;
	v12 =	vsub.f32 v12, v13;
	v13 =	vmul.f32 $5.000000000e-01, v9  }
0xe2: {  	v15 =	vmax.f32 v11, $0.0e+00;
	v6 =	vsel vm0, v14, v6;
	v9 =	vsub.f32 v4, v3  }
0xe3: {  	v14 =	vmin.f32 v8, $0.0e+00;
	v12 =	vmul.f32 $5.000000000e-01, v12;
	[tilespmem:s10+$0x4180] =	vst v6;
	v6 =	vsel vm0, v13, v7  }
0xe4: {  	v7 =	vadd.f32 v14, v11;
	v13 =	vsub.f32 v14, v11;
	[tilespmem:s10+$0x6180] =	vst v6  }
.Ltmp3:
0xe5: {  	v12 =	vsel vm0, v12, v5;
	v14 =	vsub.f32 v8, v15;
	v6 =	vadd.f32 v15, v8;
	(pc) =	sbr.rel @p1 .LBB2_5-.Ltmp3, $4  }
0xe6: {  	v5 =	vmul.f32 $5.000000000e-01, v7;
	v7 =	vmul.f32 $5.000000000e-01, v13;
	v13 =	vadd.f32 v3, v4;
	[tilespmem:s10+$0x6080] =	vst v12  }
0xe7: {  	v15 =	vmul.f32 $5.000000000e-01, v6;
	v6 =	vmax.f32 v9, $0.0e+00  }
0xe8: {  	v12 =	vsub.f32 v5, v7;
	v17 =	vmin.f32 v13, $0.0e+00;
	v18 =	vsub.f32 v13, v6  }
0xe9: {  	s15 =	sadd.s32 $0x400, s15;
	s30 =	smov.u32 s0;
	v16 =	vadd.f32 v17, v9;
	v17 =	vsub.f32 v17, v9  }
0xea: {  	vm1 =	vgt.f32 v8, $0.0e+00;
	v8 =	vmul.f32 $5.000000000e-01, v18  }
0xeb: {  	v6 =	vadd.f32 v6, v13;
	v16 =	vmul.f32 $5.000000000e-01, v16;
	v17 =	vmul.f32 $5.000000000e-01, v17  }
0xec: {  	vm2 =	vle.f32 v11, $0.0e+00;
	v5 =	vadd.f32 v7, v5;
	v7 =	vmul.f32 $5.000000000e-01, v14  }
0xed: {  	v6 =	vmul.f32 $5.000000000e-01, v6;
	v11 =	vsub.f32 v16, v17;
	v14 =	vadd.f32 v17, v16  }
0xee: {  	v10 =	vmul.f32 $5.000000000e-01, v10;
	v16 =	vsub.f32 v15, v7;
	v7 =	vadd.f32 v7, v15  }
0xef: {  	vm3 =	vle.f32 v9, $0.0e+00;
	vm4 =	vgt.f32 v13, $0.0e+00;
	v15 =	vsub.f32 v6, v8  }
0xf0: {  	v6 =	vadd.f32 v8, v6;
	v8 =	vmin.f32 v12, v16;
	v9 =	vmax.f32 v5, v7  }
0xf1: {  	v13 =	vmin.f32 v11, v15;
	v8 =	vsel vm1, v8, v12;
	v5 =	vsel vm1, v9, v5  }
0xf2: {  	v9 =	vmax.f32 v14, v6;
	v8 =	vsel vm2, v8, v16;
	v5 =	vsel vm2, v5, v7  }
0xf3: {  	v7 =	vsel vm4, v13, v11;
	v9 =	vsel vm4, v9, v14;
	v11 =	vsub.f32 v5, v8  }
0xf4: {  	v6 =	vsel vm3, v9, v6;
	v5 =	vadd.f32 v5, v8;
	v7 =	vsel vm3, v7, v15  }
0xf5: {  	v9 =	vsub.f32 v6, v7;
	v8 =	vmul.f32 $5.000000000e-01, v11  }
0xf6: {  	v0 =	vsel vm0, v10, v0;
	v6 =	vadd.f32 v6, v7;
	v5 =	vmul.f32 $5.000000000e-01, v5  }
0xf7: {  	[tilespmem:s10+$0x4080] =	vst v0;
	v0 =	vsel vm0, v8, v1;
	v1 =	vmul.f32 $5.000000000e-01, v9  }
0xf8: {  	[tilespmem:s10+$0x6000] =	vst v0;
	v0 =	vsel vm0, v5, v2;
	v2 =	vmul.f32 $5.000000000e-01, v6  }
0xf9: {  	[tilespmem:s10+$0x4000] =	vst v0;
	v0 =	vsel vm0, v1, v3  }
0xfa: {  	v1 =	vsel vm0, v2, v4;
	[tilespmem:s10+$0x6100] =	vst v0  }
0xfb: {  	s0 =	sadd.s32 s7, s12;
	s7 =	sor.u32 $0x100400, s7;
	[tilespmem:s10+$0x4100] =	vst v1  }
0xfc: {  	[hbm4b:s0+s5] =	stream.linear.scatter [tilespmem:s17], [sflag:$0x6], $0x2000, $0x38;
	[tilespmem:$0x10000] =	vst v63  }
0xfd: {  	s0 =	sadd.s32 s4, s7  }
0xfe: {  	[hbm4b:s0+s5] =	stream.linear.scatter [tilespmem:s18], [sflag:$0x6], $0x2000, $0x38;
	[tilespmem:$0x10000] =	vst v63  }
0xff: {  	s0 =	simm.s32 @!p0 $0x8  }
0x100: {  	_ =	swait.ge @!p0 [sflag:s0], $0x2000  }
0x101: {  	[sflag:s0] =	ssyncset.done @!p0 $0x0  }
0x102: {  	s7 =	sor.u32 $0x3, s9;
	[sflag:s0] =	ssyncadd.s32 @!p0 $0xFFFFE000  }
0x103: {  	s9 =	sshll.u32 s7, $0xA;
	_ =	swait.ge @!p0 [sflag:s0], $0x2000  }
0x104: {  	s9 =	sadd.s32 s6, s9;
	[sflag:s0] =	ssyncset.done @!p0 $0x0  }
0x105: {  	s15 =	simm.s32 $0x0;
	s10 =	sadd.s32 s1, s9;
	[sflag:s0] =	ssyncadd.s32 @!p0 $0xFFFFE000  }
0x106: {  	[tilespmem:s23], [sflag:$0x4] =	stream.linear.gather [hbm4b:s10+s15], $0x2000, $0x38;
	[tilespmem:$0x10000] =	vst v63  }
0x107: {  	s16 =	sadd.s32 s3, s9  }
0x108: {  	[tilespmem:s24], [sflag:$0x4] =	stream.linear.gather [hbm4b:s16+s15], $0x2000, $0x38;
	[tilespmem:$0x10000] =	vst v63  }
0x109: {  	_ =	swait.ge [sflag:s25], $0x2000  }
0x10a: {  	[sflag:s25] =	ssyncset.done $0x0  }
0x10b: {  	[sflag:s25] =	ssyncadd.s32 $0xFFFFE000  }
0x10c: {  	_ =	swait.ge [sflag:s25], $0x2000  }
0x10d: {  	s30 =	sand.u32 $0x1800, s15;
	s31 =	sand.u32 $0x200, s15;
	[sflag:s25] =	ssyncset.done $0x0  }
0x10e: {  	s9 =	sor.u32 s31, s30;
	[sflag:s25] =	ssyncadd.s32 $0xFFFFE000  }
0x10f: {  	v5 =	vld [tilespmem:s9+$0x8180]  }
0x110: {  	v6 =	vld [tilespmem:s9+$0xA180]  }
0x111: {  	v12 =	vld [tilespmem:s9+$0xA080]  }
0x112: {  	v0 =	vld [tilespmem:s9+$0x8080];
	_ =	sdelay $0x3  }
0x113: {  	v3 =	vsub.f32 v5, v6;
	v4 =	vadd.f32 v6, v5  }
0x114: {  	v7 =	vadd.f32 v12, v0;
	v8 =	vsub.f32 v0, v12  }
0x115: {  	v1 =	vmax.f32 v3, $0.0e+00  }
0x116: {  	v2 =	vmin.f32 v4, $0.0e+00;
	v11 =	vmax.f32 v8, $0.0e+00;
	v13 =	vmin.f32 v7, $0.0e+00  }
0x117: {  	vm1 =	vle.f32 v3, $0.0e+00;
	v9 =	vadd.f32 v1, v4;
	v1 =	vsub.f32 v4, v1  }
0x118: {  	vm2 =	vgt.f32 v4, $0.0e+00;
	v10 =	vsub.f32 v2, v3;
	v14 =	vadd.f32 v2, v3  }
0x119: {  	v16 =	vsub.f32 v13, v8;
	v17 =	vadd.f32 v11, v7;
	v9 =	vmul.f32 $5.000000000e-01, v9  }
0x11a: {  	v13 =	vadd.f32 v13, v8;
	v15 =	vmul.f32 $5.000000000e-01, v1;
	v10 =	vmul.f32 $5.000000000e-01, v10  }
0x11b: {  	v11 =	vsub.f32 v7, v11;
	v14 =	vmul.f32 $5.000000000e-01, v14;
	v16 =	vmul.f32 $5.000000000e-01, v16  }
0x11c: {  	v2 =	vld [tilespmem:s9+$0x8000];
	v3 =	vmul.f32 $5.000000000e-01, v13;
	v13 =	vmul.f32 $5.000000000e-01, v17;
	v18 =	vsub.f32 v9, v15  }
0x11d: {  	v1 =	vld [tilespmem:s9+$0xA000];
	v11 =	vmul.f32 $5.000000000e-01, v11;
	v4 =	vsub.f32 v14, v10;
	v10 =	vadd.f32 v10, v14  }
0x11e: {  	vm3 =	vle.f32 v8, $0.0e+00;
	v14 =	vsub.f32 v3, v16;
	v9 =	vadd.f32 v15, v9  }
0x11f: {  	v15 =	vadd.f32 v16, v3;
	v16 =	vadd.f32 v11, v13;
	v3 =	vmin.f32 v4, v18  }
0x120: {  	vm15 =	vgt.f32 v7, $0.0e+00;
	v17 =	vsel vm2, v3, v4;
	v4 =	vmax.f32 v10, v9  }
0x121: {  	v7 =	vsub.f32 v13, v11;
	v11 =	vmax.f32 v15, v16;
	v3 =	vld [tilespmem:s9+$0xA100];
	v10 =	vsel vm2, v4, v10  }
0x122: {  	v8 =	vadd.f32 v1, v2;
	v4 =	vld [tilespmem:s9+$0x8100];
	v13 =	vsel vm1, v17, v18;
	v9 =	vsel vm1, v10, v9  }
0x123: {  	v11 =	vsel vm15, v11, v15;
	v10 =	vmin.f32 v14, v7;
	v15 =	vadd.f32 v9, v13  }
0x124: {  	v10 =	vsel vm15, v10, v14;
	v14 =	vsel vm3, v11, v16;
	v9 =	vsub.f32 v9, v13  }
0x125: {  	v11 =	vsub.f32 v2, v1;
	v16 =	vmin.f32 v8, $0.0e+00;
	v7 =	vsel vm3, v10, v7  }
0x126: {  	v13 =	vmul.f32 $5.000000000e-01, v15;
	v10 =	vadd.f32 v14, v7;
	v7 =	vsub.f32 v14, v7  }
0x127: {  	v14 =	vmul.f32 $5.000000000e-01, v9;
	v15 =	vmax.f32 v11, $0.0e+00;
	v9 =	vsub.f32 v4, v3  }
0x128: {  	v17 =	vsel vm0, v13, v5;
	v5 =	vadd.f32 v16, v11;
	v13 =	vsub.f32 v16, v11  }
0x129: {  	v19 =	vadd.f32 v15, v8;
	v16 =	vmul.f32 $5.000000000e-01, v7;
	v18 =	vsel vm0, v14, v6  }
0x12a: {  	v5 =	vmul.f32 $5.000000000e-01, v5;
	v7 =	vmul.f32 $5.000000000e-01, v13;
	v13 =	vadd.f32 v3, v4  }
0x12b: {  	v14 =	vsub.f32 v8, v15;
	[tilespmem:s9+$0x8180] =	vst v17;
	v6 =	vmax.f32 v9, $0.0e+00;
	v15 =	vsel vm0, v16, v12  }
0x12c: {  	[tilespmem:s9+$0xA180] =	vst v18;
	v12 =	vsub.f32 v5, v7;
	v17 =	vmin.f32 v13, $0.0e+00;
	v18 =	vsub.f32 v13, v6  }
0x12d: {  	s0 =	simm.s32 $0x200;
	s10 =	simm.s32 $0x400;
	[tilespmem:s9+$0xA080] =	vst v15;
	v15 =	vmul.f32 $5.000000000e-01, v19;
	v16 =	vadd.f32 v17, v9;
	v17 =	vsub.f32 v17, v9  }
.LBB2_7:
0x12e: {  	s15 =	smov.u32 s0  }
0x12f: {  	s16 =	sand.u32 $0x1800, s10;
	s30 =	sand.u32 $0x200, s0;
	vm1 =	vgt.f32 v8, $0.0e+00;
	v8 =	vadd.f32 v6, v13;
	v18 =	vmul.f32 $5.000000000e-01, v18;
	s15 =	sadd.s32 $0x200, s0  }
0x130: {  	p0 =	sne.s32 s0, $0xE00;
	vm2 =	vle.f32 v11, $0.0e+00;
	s30 =	sor.u32 s30, s16;
	v11 =	vmul.f32 $5.000000000e-01, v16;
	v16 =	vmul.f32 $5.000000000e-01, v17  }
0x131: {  	v10 =	vmul.f32 $5.000000000e-01, v10;
	v17 =	vadd.f32 v7, v5;
	v8 =	vmul.f32 $5.000000000e-01, v8;
	v6 =	vld [tilespmem:s30+$0x8180]  }
0x132: {  	v14 =	vmul.f32 $5.000000000e-01, v14;
	v19 =	vsub.f32 v11, v16;
	v11 =	vadd.f32 v16, v11;
	v7 =	vld [tilespmem:s30+$0xA180]  }
0x133: {  	v0 =	vsel vm0, v10, v0;
	v10 =	vsub.f32 v8, v18;
	v8 =	vadd.f32 v18, v8;
	v5 =	vld [tilespmem:s30+$0xA080]  }
0x134: {  	vm3 =	vle.f32 v9, $0.0e+00;
	v16 =	vsub.f32 v15, v14;
	v14 =	vadd.f32 v14, v15;
	[tilespmem:s9+$0x8080] =	vst v0  }
0x135: {  	vm4 =	vgt.f32 v13, $0.0e+00;
	v9 =	vmin.f32 v19, v10;
	v13 =	vmax.f32 v11, v8;
	v0 =	vld [tilespmem:s30+$0x8080]  }
0x136: {  	v15 =	vmin.f32 v12, v16;
	v18 =	vmax.f32 v17, v14;
	v9 =	vsel vm4, v9, v19  }
0x137: {  	v12 =	vsel vm1, v15, v12;
	v15 =	vsel vm1, v18, v17;
	v11 =	vsel vm4, v13, v11  }
0x138: {  	v12 =	vsel vm2, v12, v16;
	v14 =	vsel vm2, v15, v14;
	v13 =	vadd.f32 v7, v6  }
0x139: {  	v16 =	vsub.f32 v14, v12;
	v8 =	vsel vm3, v11, v8;
	v15 =	vsub.f32 v6, v7  }
0x13a: {  	v12 =	vadd.f32 v14, v12;
	v9 =	vsel vm3, v9, v10;
	v11 =	vadd.f32 v5, v0  }
0x13b: {  	v16 =	vmul.f32 $5.000000000e-01, v16;
	v14 =	vmin.f32 v13, $0.0e+00;
	v10 =	vsub.f32 v0, v5  }
0x13c: {  	v12 =	vmul.f32 $5.000000000e-01, v12;
	v18 =	vmax.f32 v15, $0.0e+00;
	v17 =	vsub.f32 v14, v15  }
0x13d: {  	v21 =	vsub.f32 v8, v9;
	v20 =	vadd.f32 v18, v13;
	v19 =	vmax.f32 v10, $0.0e+00  }
0x13e: {  	v8 =	vadd.f32 v8, v9;
	v18 =	vsub.f32 v13, v18;
	v17 =	vmul.f32 $5.000000000e-01, v17  }
0x13f: {  	v1 =	vsel vm0, v16, v1;
	v9 =	vmin.f32 v11, $0.0e+00;
	v20 =	vmul.f32 $5.000000000e-01, v20  }
0x140: {  	v14 =	vadd.f32 v14, v15;
	v16 =	vmul.f32 $5.000000000e-01, v18;
	v18 =	vmul.f32 $5.000000000e-01, v21;
	[tilespmem:s9+$0xA000] =	vst v1  }
0x141: {  	v2 =	vsel vm0, v12, v2;
	v21 =	vsub.f32 v9, v10;
	v22 =	vadd.f32 v19, v11;
	v1 =	vld [tilespmem:s30+$0xA000]  }
0x142: {  	v8 =	vmul.f32 $5.000000000e-01, v8;
	v9 =	vadd.f32 v9, v10;
	v12 =	vsub.f32 v20, v16;
	[tilespmem:s9+$0x8000] =	vst v2  }
0x143: {  	v14 =	vmul.f32 $5.000000000e-01, v14;
	v19 =	vsub.f32 v11, v19;
	v3 =	vsel vm0, v18, v3;
	v2 =	vld [tilespmem:s30+$0x8000]  }
0x144: {  	vm1 =	vle.f32 v15, $0.0e+00;
	v4 =	vsel vm0, v8, v4;
	v18 =	vmul.f32 $5.000000000e-01, v21;
	[tilespmem:s9+$0xA100] =	vst v3  }
0x145: {  	vm2 =	vgt.f32 v13, $0.0e+00;
	v3 =	vmul.f32 $5.000000000e-01, v9;
	v9 =	vsub.f32 v14, v17;
	[tilespmem:s9+$0x8100] =	vst v4;
	s9 =	smov.u32 s30  }
0x146: {  	v13 =	vmul.f32 $5.000000000e-01, v19;
	v14 =	vadd.f32 v17, v14;
	v4 =	vmul.f32 $5.000000000e-01, v22  }
0x147: {  	vm3 =	vle.f32 v10, $0.0e+00;
	v15 =	vadd.f32 v16, v20;
	v10 =	vsub.f32 v3, v18  }
0x148: {  	v16 =	vadd.f32 v18, v3;
	v3 =	vmin.f32 v9, v12;
	v8 =	vadd.f32 v1, v2  }
0x149: {  	v18 =	vmax.f32 v14, v15;
	v17 =	vadd.f32 v13, v4;
	v9 =	vsel vm2, v3, v9  }
0x14a: {  	vm4 =	vgt.f32 v11, $0.0e+00;
	v13 =	vsub.f32 v4, v13;
	v11 =	vsel vm2, v18, v14;
	v3 =	vld [tilespmem:s9+$0xA100]  }
0x14b: {  	v9 =	vsel vm1, v9, v12;
	v11 =	vsel vm1, v11, v15;
	v14 =	vmax.f32 v16, v17;
	v4 =	vld [tilespmem:s9+$0x8100]  }
0x14c: {  	v12 =	vmin.f32 v10, v13;
	v15 =	vadd.f32 v11, v9;
	v14 =	vsel vm4, v14, v16  }
0x14d: {  	v9 =	vsub.f32 v11, v9;
	v10 =	vsel vm4, v12, v10;
	v12 =	vsel vm3, v14, v17  }
0x14e: {  	v11 =	vsub.f32 v2, v1;
	v13 =	vsel vm3, v10, v13;
	v14 =	vmul.f32 $5.000000000e-01, v15  }
0x14f: {  	v10 =	vadd.f32 v12, v13;
	v12 =	vsub.f32 v12, v13;
	v13 =	vmul.f32 $5.000000000e-01, v9  }
0x150: {  	v15 =	vmax.f32 v11, $0.0e+00;
	v6 =	vsel vm0, v14, v6;
	v9 =	vsub.f32 v4, v3  }
0x151: {  	v14 =	vmin.f32 v8, $0.0e+00;
	v12 =	vmul.f32 $5.000000000e-01, v12;
	[tilespmem:s9+$0x8180] =	vst v6;
	v6 =	vsel vm0, v13, v7  }
0x152: {  	v7 =	vadd.f32 v14, v11;
	v13 =	vsub.f32 v14, v11;
	[tilespmem:s9+$0xA180] =	vst v6  }
.Ltmp4:
0x153: {  	v12 =	vsel vm0, v12, v5;
	v14 =	vsub.f32 v8, v15;
	v6 =	vadd.f32 v15, v8;
	(pc) =	sbr.rel @p0 .LBB2_7-.Ltmp4, $4  }
0x154: {  	v5 =	vmul.f32 $5.000000000e-01, v7;
	v7 =	vmul.f32 $5.000000000e-01, v13;
	v13 =	vadd.f32 v3, v4;
	[tilespmem:s9+$0xA080] =	vst v12  }
0x155: {  	v15 =	vmul.f32 $5.000000000e-01, v6;
	v6 =	vmax.f32 v9, $0.0e+00  }
0x156: {  	v12 =	vsub.f32 v5, v7;
	v17 =	vmin.f32 v13, $0.0e+00;
	v18 =	vsub.f32 v13, v6  }
0x157: {  	s10 =	sadd.s32 $0x400, s10;
	s0 =	smov.u32 s15;
	v16 =	vadd.f32 v17, v9;
	v17 =	vsub.f32 v17, v9  }
0x158: {  	vm1 =	vgt.f32 v8, $0.0e+00;
	v8 =	vmul.f32 $5.000000000e-01, v18  }
0x159: {  	v6 =	vadd.f32 v6, v13;
	v16 =	vmul.f32 $5.000000000e-01, v16;
	v17 =	vmul.f32 $5.000000000e-01, v17  }
0x15a: {  	vm2 =	vle.f32 v11, $0.0e+00;
	v5 =	vadd.f32 v7, v5;
	v7 =	vmul.f32 $5.000000000e-01, v14  }
0x15b: {  	v6 =	vmul.f32 $5.000000000e-01, v6;
	v11 =	vsub.f32 v16, v17;
	v14 =	vadd.f32 v17, v16  }
0x15c: {  	v10 =	vmul.f32 $5.000000000e-01, v10;
	v16 =	vsub.f32 v15, v7;
	v7 =	vadd.f32 v7, v15  }
0x15d: {  	vm3 =	vle.f32 v9, $0.0e+00;
	vm4 =	vgt.f32 v13, $0.0e+00;
	v15 =	vsub.f32 v6, v8  }
0x15e: {  	v6 =	vadd.f32 v8, v6;
	v8 =	vmin.f32 v12, v16;
	v9 =	vmax.f32 v5, v7  }
0x15f: {  	v13 =	vmin.f32 v11, v15;
	v8 =	vsel vm1, v8, v12;
	v5 =	vsel vm1, v9, v5  }
0x160: {  	v9 =	vmax.f32 v14, v6;
	v8 =	vsel vm2, v8, v16;
	v5 =	vsel vm2, v5, v7  }
0x161: {  	v7 =	vsel vm4, v13, v11;
	v9 =	vsel vm4, v9, v14;
	v11 =	vsub.f32 v5, v8  }
0x162: {  	v6 =	vsel vm3, v9, v6;
	v5 =	vadd.f32 v5, v8;
	v7 =	vsel vm3, v7, v15  }
0x163: {  	v9 =	vsub.f32 v6, v7;
	v8 =	vmul.f32 $5.000000000e-01, v11  }
0x164: {  	v0 =	vsel vm0, v10, v0;
	v6 =	vadd.f32 v6, v7;
	v5 =	vmul.f32 $5.000000000e-01, v5  }
0x165: {  	[tilespmem:s9+$0x8080] =	vst v0;
	v0 =	vsel vm0, v8, v1;
	v1 =	vmul.f32 $5.000000000e-01, v9  }
0x166: {  	s0 =	sshll.u32 s8, $0xD;
	[tilespmem:s9+$0xA000] =	vst v0;
	v0 =	vsel vm0, v5, v2;
	v2 =	vmul.f32 $5.000000000e-01, v6  }
0x167: {  	s0 =	sadd.s32 s11, s0;
	[tilespmem:s9+$0x8000] =	vst v0;
	v0 =	vsel vm0, v1, v3  }
0x168: {  	s0 =	sshrl.u32 s0, $0x3;
	v1 =	vsel vm0, v2, v4;
	[tilespmem:s9+$0xA100] =	vst v0  }
0x169: {  	s16 =	sadd.s32 s4, s0;
	s0 =	sor.u32 $0x100000, s0;
	[tilespmem:s9+$0x8100] =	vst v1  }
0x16a: {  	[hbm4b:s16+s5] =	stream.linear.scatter [tilespmem:s20], [sflag:$0x7], $0x2000, $0x38;
	[tilespmem:$0x10000] =	vst v63  }
0x16b: {  	s0 =	sadd.s32 s4, s0  }
0x16c: {  	[hbm4b:s0+s5] =	stream.linear.scatter [tilespmem:s21], [sflag:$0x7], $0x2000, $0x38;
	[tilespmem:$0x10000] =	vst v63  }
0x16d: {  	_ =	swait.ge [sflag:s26], $0x2000  }
0x16e: {  	[sflag:s26] =	ssyncset.done $0x0  }
0x16f: {  	p0 =	seq.s32 s2, $0x7;
	[sflag:s26] =	ssyncadd.s32 $0xFFFFE000  }
0x170: {  	s0 =	sshll.u32 @!p0 s2, $0xC;
	_ =	swait.ge [sflag:s26], $0x2000  }
0x171: {  	s0 =	sadd.s32 @!p0 s0, s13;
	[sflag:s26] =	ssyncset.done $0x0  }
0x172: {  	s9 =	simm.s32 @!p0 $0x0;
	s8 =	sadd.s32 @!p0 s1, s0;
	[sflag:s26] =	ssyncadd.s32 $0xFFFFE000  }
0x173: {  	[tilespmem:s9], [sflag:$0x1] =	stream.linear.gather @!p0 [hbm4b:s8+s9], $0x2000, $0x38;
	[tilespmem:$0x10000] =	vst v63  }
0x174: {  	s0 =	sadd.s32 @!p0 s3, s0;
	s8 =	simm.s32 @!p0 $0x2000  }
0x175: {  	[tilespmem:s8], [sflag:$0x1] =	stream.linear.gather @!p0 [hbm4b:s0+s9], $0x2000, $0x38;
	[tilespmem:$0x10000] =	vst v63  }
0x176: {  	_ =	swait.ge [sflag:s28], $0x2000  }
0x177: {  	[sflag:s28] =	ssyncset.done $0x0  }
0x178: {  	[sflag:s28] =	ssyncadd.s32 $0xFFFFE000  }
0x179: {  	s30 =	simm.s32 $0x0;
	_ =	swait.ge [sflag:s28], $0x2000  }
0x17a: {  	s31 =	sand.u32 $0x1800, s30;
	s0 =	sand.u32 $0x200, s30;
	[sflag:s28] =	ssyncset.done $0x0  }
0x17b: {  	s8 =	sor.u32 s0, s31;
	[sflag:s28] =	ssyncadd.s32 $0xFFFFE000  }
0x17c: {  	v5 =	vld [tilespmem:s8+$0xC180]  }
0x17d: {  	v6 =	vld [tilespmem:s8+$0xE180]  }
0x17e: {  	v13 =	vld [tilespmem:s8+$0xE080]  }
0x17f: {  	v0 =	vld [tilespmem:s8+$0xC080];
	_ =	sdelay $0x3  }
0x180: {  	v3 =	vsub.f32 v5, v6;
	v4 =	vadd.f32 v6, v5  }
0x181: {  	v7 =	vadd.f32 v13, v0;
	v8 =	vsub.f32 v0, v13  }
0x182: {  	v1 =	vmax.f32 v3, $0.0e+00  }
0x183: {  	v2 =	vmin.f32 v4, $0.0e+00;
	v11 =	vmax.f32 v8, $0.0e+00;
	v12 =	vmin.f32 v7, $0.0e+00  }
0x184: {  	vm1 =	vle.f32 v3, $0.0e+00;
	v9 =	vadd.f32 v1, v4;
	v1 =	vsub.f32 v4, v1  }
0x185: {  	vm2 =	vgt.f32 v4, $0.0e+00;
	v10 =	vsub.f32 v2, v3;
	v14 =	vadd.f32 v2, v3  }
0x186: {  	v16 =	vsub.f32 v12, v8;
	v17 =	vadd.f32 v11, v7;
	v9 =	vmul.f32 $5.000000000e-01, v9  }
0x187: {  	v12 =	vadd.f32 v12, v8;
	v15 =	vmul.f32 $5.000000000e-01, v1;
	v10 =	vmul.f32 $5.000000000e-01, v10  }
0x188: {  	v11 =	vsub.f32 v7, v11;
	v14 =	vmul.f32 $5.000000000e-01, v14;
	v16 =	vmul.f32 $5.000000000e-01, v16  }
0x189: {  	v2 =	vld [tilespmem:s8+$0xC000];
	v3 =	vmul.f32 $5.000000000e-01, v12;
	v12 =	vmul.f32 $5.000000000e-01, v17;
	v18 =	vsub.f32 v9, v15  }
0x18a: {  	v1 =	vld [tilespmem:s8+$0xE000];
	v11 =	vmul.f32 $5.000000000e-01, v11;
	v4 =	vsub.f32 v14, v10;
	v10 =	vadd.f32 v10, v14  }
0x18b: {  	vm3 =	vle.f32 v8, $0.0e+00;
	v14 =	vsub.f32 v3, v16;
	v9 =	vadd.f32 v15, v9  }
0x18c: {  	v15 =	vadd.f32 v16, v3;
	v16 =	vadd.f32 v11, v12;
	v3 =	vmin.f32 v4, v18  }
0x18d: {  	vm15 =	vgt.f32 v7, $0.0e+00;
	v17 =	vsel vm2, v3, v4;
	v4 =	vmax.f32 v10, v9  }
0x18e: {  	v7 =	vsub.f32 v12, v11;
	v11 =	vmax.f32 v15, v16;
	v3 =	vld [tilespmem:s8+$0xE100];
	v10 =	vsel vm2, v4, v10  }
0x18f: {  	v8 =	vadd.f32 v1, v2;
	v4 =	vld [tilespmem:s8+$0xC100];
	v12 =	vsel vm1, v17, v18;
	v9 =	vsel vm1, v10, v9  }
0x190: {  	v11 =	vsel vm15, v11, v15;
	v10 =	vmin.f32 v14, v7;
	v15 =	vadd.f32 v9, v12  }
0x191: {  	v10 =	vsel vm15, v10, v14;
	v14 =	vsel vm3, v11, v16;
	v9 =	vsub.f32 v9, v12  }
0x192: {  	v11 =	vsub.f32 v2, v1;
	v16 =	vmin.f32 v8, $0.0e+00;
	v7 =	vsel vm3, v10, v7  }
0x193: {  	v12 =	vmul.f32 $5.000000000e-01, v15;
	v10 =	vadd.f32 v14, v7;
	v7 =	vsub.f32 v14, v7  }
0x194: {  	v14 =	vmul.f32 $5.000000000e-01, v9;
	v15 =	vmax.f32 v11, $0.0e+00;
	v9 =	vsub.f32 v4, v3  }
0x195: {  	v17 =	vsel vm0, v12, v5;
	v5 =	vadd.f32 v16, v11;
	v12 =	vsub.f32 v16, v11  }
0x196: {  	v19 =	vadd.f32 v15, v8;
	v16 =	vmul.f32 $5.000000000e-01, v7;
	v18 =	vsel vm0, v14, v6  }
0x197: {  	v5 =	vmul.f32 $5.000000000e-01, v5;
	v7 =	vmul.f32 $5.000000000e-01, v12;
	v12 =	vadd.f32 v3, v4  }
0x198: {  	v14 =	vsub.f32 v8, v15;
	[tilespmem:s8+$0xC180] =	vst v17;
	v6 =	vmax.f32 v9, $0.0e+00;
	v15 =	vsel vm0, v16, v13  }
0x199: {  	[tilespmem:s8+$0xE180] =	vst v18;
	v13 =	vsub.f32 v5, v7;
	v17 =	vmin.f32 v12, $0.0e+00;
	v18 =	vsub.f32 v12, v6  }
0x19a: {  	s9 =	simm.s32 $0x400;
	s0 =	simm.s32 $0x200;
	[tilespmem:s8+$0xE080] =	vst v15;
	v15 =	vmul.f32 $5.000000000e-01, v19;
	v16 =	vadd.f32 v17, v9;
	v17 =	vsub.f32 v17, v9  }
.LBB2_9:
0x19b: {  	s10 =	smov.u32 s0  }
0x19c: {  	s15 =	sand.u32 $0x1800, s9;
	s16 =	sand.u32 $0x200, s0;
	vm1 =	vgt.f32 v8, $0.0e+00;
	v8 =	vadd.f32 v6, v12;
	v18 =	vmul.f32 $5.000000000e-01, v18;
	s10 =	sadd.s32 $0x200, s0  }
0x19d: {  	p1 =	sne.s32 s0, $0xE00;
	vm2 =	vle.f32 v11, $0.0e+00;
	s15 =	sor.u32 s16, s15;
	v11 =	vmul.f32 $5.000000000e-01, v16;
	v16 =	vmul.f32 $5.000000000e-01, v17  }
0x19e: {  	v10 =	vmul.f32 $5.000000000e-01, v10;
	v17 =	vadd.f32 v7, v5;
	v8 =	vmul.f32 $5.000000000e-01, v8;
	v6 =	vld [tilespmem:s15+$0xC180]  }
0x19f: {  	v14 =	vmul.f32 $5.000000000e-01, v14;
	v19 =	vsub.f32 v11, v16;
	v11 =	vadd.f32 v16, v11;
	v7 =	vld [tilespmem:s15+$0xE180]  }
0x1a0: {  	v0 =	vsel vm0, v10, v0;
	v10 =	vsub.f32 v8, v18;
	v8 =	vadd.f32 v18, v8;
	v5 =	vld [tilespmem:s15+$0xE080]  }
0x1a1: {  	vm3 =	vle.f32 v9, $0.0e+00;
	v16 =	vsub.f32 v15, v14;
	v14 =	vadd.f32 v14, v15;
	[tilespmem:s8+$0xC080] =	vst v0  }
0x1a2: {  	vm4 =	vgt.f32 v12, $0.0e+00;
	v9 =	vmin.f32 v19, v10;
	v12 =	vmax.f32 v11, v8;
	v0 =	vld [tilespmem:s15+$0xC080]  }
0x1a3: {  	v15 =	vmin.f32 v13, v16;
	v18 =	vmax.f32 v17, v14;
	v9 =	vsel vm4, v9, v19  }
0x1a4: {  	v13 =	vsel vm1, v15, v13;
	v15 =	vsel vm1, v18, v17;
	v11 =	vsel vm4, v12, v11  }
0x1a5: {  	v13 =	vsel vm2, v13, v16;
	v14 =	vsel vm2, v15, v14;
	v12 =	vadd.f32 v7, v6  }
0x1a6: {  	v16 =	vsub.f32 v14, v13;
	v8 =	vsel vm3, v11, v8;
	v15 =	vsub.f32 v6, v7  }
0x1a7: {  	v13 =	vadd.f32 v14, v13;
	v9 =	vsel vm3, v9, v10;
	v11 =	vadd.f32 v5, v0  }
0x1a8: {  	v16 =	vmul.f32 $5.000000000e-01, v16;
	v14 =	vmin.f32 v12, $0.0e+00;
	v10 =	vsub.f32 v0, v5  }
0x1a9: {  	v13 =	vmul.f32 $5.000000000e-01, v13;
	v18 =	vmax.f32 v15, $0.0e+00;
	v17 =	vsub.f32 v14, v15  }
0x1aa: {  	v21 =	vsub.f32 v8, v9;
	v20 =	vadd.f32 v18, v12;
	v19 =	vmax.f32 v10, $0.0e+00  }
0x1ab: {  	v8 =	vadd.f32 v8, v9;
	v18 =	vsub.f32 v12, v18;
	v17 =	vmul.f32 $5.000000000e-01, v17  }
0x1ac: {  	v1 =	vsel vm0, v16, v1;
	v9 =	vmin.f32 v11, $0.0e+00;
	v20 =	vmul.f32 $5.000000000e-01, v20  }
0x1ad: {  	v14 =	vadd.f32 v14, v15;
	v16 =	vmul.f32 $5.000000000e-01, v18;
	v18 =	vmul.f32 $5.000000000e-01, v21;
	[tilespmem:s8+$0xE000] =	vst v1  }
0x1ae: {  	v2 =	vsel vm0, v13, v2;
	v21 =	vsub.f32 v9, v10;
	v22 =	vadd.f32 v19, v11;
	v1 =	vld [tilespmem:s15+$0xE000]  }
0x1af: {  	v8 =	vmul.f32 $5.000000000e-01, v8;
	v9 =	vadd.f32 v9, v10;
	v13 =	vsub.f32 v20, v16;
	[tilespmem:s8+$0xC000] =	vst v2  }
0x1b0: {  	v14 =	vmul.f32 $5.000000000e-01, v14;
	v19 =	vsub.f32 v11, v19;
	v3 =	vsel vm0, v18, v3;
	v2 =	vld [tilespmem:s15+$0xC000]  }
0x1b1: {  	vm1 =	vle.f32 v15, $0.0e+00;
	v4 =	vsel vm0, v8, v4;
	v18 =	vmul.f32 $5.000000000e-01, v21;
	[tilespmem:s8+$0xE100] =	vst v3  }
0x1b2: {  	vm2 =	vgt.f32 v12, $0.0e+00;
	v3 =	vmul.f32 $5.000000000e-01, v9;
	v9 =	vsub.f32 v14, v17;
	[tilespmem:s8+$0xC100] =	vst v4;
	s8 =	smov.u32 s15  }
0x1b3: {  	v12 =	vmul.f32 $5.000000000e-01, v19;
	v14 =	vadd.f32 v17, v14;
	v4 =	vmul.f32 $5.000000000e-01, v22  }
0x1b4: {  	vm3 =	vle.f32 v10, $0.0e+00;
	v15 =	vadd.f32 v16, v20;
	v10 =	vsub.f32 v3, v18  }
0x1b5: {  	v16 =	vadd.f32 v18, v3;
	v3 =	vmin.f32 v9, v13;
	v8 =	vadd.f32 v1, v2  }
0x1b6: {  	v18 =	vmax.f32 v14, v15;
	v17 =	vadd.f32 v12, v4;
	v9 =	vsel vm2, v3, v9  }
0x1b7: {  	vm4 =	vgt.f32 v11, $0.0e+00;
	v12 =	vsub.f32 v4, v12;
	v11 =	vsel vm2, v18, v14;
	v3 =	vld [tilespmem:s8+$0xE100]  }
0x1b8: {  	v9 =	vsel vm1, v9, v13;
	v11 =	vsel vm1, v11, v15;
	v14 =	vmax.f32 v16, v17;
	v4 =	vld [tilespmem:s8+$0xC100]  }
0x1b9: {  	v13 =	vmin.f32 v10, v12;
	v15 =	vadd.f32 v11, v9;
	v14 =	vsel vm4, v14, v16  }
0x1ba: {  	v9 =	vsub.f32 v11, v9;
	v10 =	vsel vm4, v13, v10;
	v13 =	vsel vm3, v14, v17  }
0x1bb: {  	v11 =	vsub.f32 v2, v1;
	v12 =	vsel vm3, v10, v12;
	v14 =	vmul.f32 $5.000000000e-01, v15  }
0x1bc: {  	v10 =	vadd.f32 v13, v12;
	v12 =	vsub.f32 v13, v12;
	v13 =	vmul.f32 $5.000000000e-01, v9  }
0x1bd: {  	v15 =	vmax.f32 v11, $0.0e+00;
	v6 =	vsel vm0, v14, v6;
	v9 =	vsub.f32 v4, v3  }
0x1be: {  	v14 =	vmin.f32 v8, $0.0e+00;
	v12 =	vmul.f32 $5.000000000e-01, v12;
	[tilespmem:s8+$0xC180] =	vst v6;
	v6 =	vsel vm0, v13, v7  }
0x1bf: {  	v7 =	vadd.f32 v14, v11;
	v13 =	vsub.f32 v14, v11;
	[tilespmem:s8+$0xE180] =	vst v6  }
.Ltmp5:
0x1c0: {  	v12 =	vsel vm0, v12, v5;
	v14 =	vsub.f32 v8, v15;
	v6 =	vadd.f32 v15, v8;
	(pc) =	sbr.rel @p1 .LBB2_9-.Ltmp5, $4  }
0x1c1: {  	v5 =	vmul.f32 $5.000000000e-01, v7;
	v7 =	vmul.f32 $5.000000000e-01, v13;
	[tilespmem:s8+$0xE080] =	vst v12;
	v12 =	vadd.f32 v3, v4  }
0x1c2: {  	v15 =	vmul.f32 $5.000000000e-01, v6;
	v6 =	vmax.f32 v9, $0.0e+00  }
0x1c3: {  	v13 =	vsub.f32 v5, v7;
	v17 =	vmin.f32 v12, $0.0e+00;
	v18 =	vsub.f32 v12, v6  }
0x1c4: {  	s9 =	sadd.s32 $0x400, s9;
	s0 =	smov.u32 s10;
	v16 =	vadd.f32 v17, v9;
	v17 =	vsub.f32 v17, v9  }
0x1c5: {  	vm1 =	vgt.f32 v8, $0.0e+00;
	v45 =	vmul.f32 $5.000000000e-01, v18  }
0x1c6: {  	v6 =	vadd.f32 v6, v12;
	vm2 =	vle.f32 v11, $0.0e+00;
	v46 =	vmul.f32 $5.000000000e-01, v14  }
0x1c7: {  	v5 =	vadd.f32 v7, v5;
	v16 =	vmul.f32 $5.000000000e-01, v16;
	v17 =	vmul.f32 $5.000000000e-01, v17  }
0x1c8: {  	v10 =	vmul.f32 $5.000000000e-01, v10;
	v6 =	vmul.f32 $5.000000000e-01, v6;
	v49 =	vsub.f32 v15, v46  }
0x1c9: {  	vm3 =	vle.f32 v9, $0.0e+00;
	v7 =	vadd.f32 v46, v15;
	v47 =	vsub.f32 v16, v17  }
0x1ca: {  	vm4 =	vgt.f32 v12, $0.0e+00;
	v48 =	vadd.f32 v17, v16;
	v50 =	vsub.f32 v6, v45  }
0x1cb: {  	v6 =	vadd.f32 v45, v6;
	v51 =	vmin.f32 v13, v49;
	v52 =	vmax.f32 v5, v7  }
0x1cc: {  	v8 =	vsel vm1, v51, v13;
	v5 =	vsel vm1, v52, v5;
	v53 =	vmin.f32 v47, v50  }
0x1cd: {  	v54 =	vmax.f32 v48, v6;
	v8 =	vsel vm2, v8, v49;
	v5 =	vsel vm2, v5, v7  }
0x1ce: {  	v55 =	vsel vm4, v53, v47;
	v9 =	vsel vm4, v54, v48;
	v56 =	vsub.f32 v5, v8  }
0x1cf: {  	v5 =	vadd.f32 v5, v8;
	v6 =	vsel vm3, v9, v6;
	v7 =	vsel vm3, v55, v50  }
0x1d0: {  	v57 =	vmul.f32 $5.000000000e-01, v56;
	v9 =	vsub.f32 v6, v7  }
0x1d1: {  	v0 =	vsel vm0, v10, v0;
	v5 =	vmul.f32 $5.000000000e-01, v5;
	v6 =	vadd.f32 v6, v7  }
0x1d2: {  	[tilespmem:s8+$0xC080] =	vst v0;
	v58 =	vsel vm0, v57, v1;
	v59 =	vmul.f32 $5.000000000e-01, v9  }
0x1d3: {  	s0 =	sshll.u32 s7, $0xD;
	v60 =	vsel vm0, v5, v2;
	v61 =	vmul.f32 $5.000000000e-01, v6;
	[tilespmem:s8+$0xE000] =	vst v58  }
0x1d4: {  	s0 =	sadd.s32 s11, s0;
	[tilespmem:s8+$0xC000] =	vst v60;
	v62 =	vsel vm0, v59, v3  }
0x1d5: {  	s0 =	sshrl.u32 s0, $0x3;
	v63 =	vsel vm0, v61, v4;
	[tilespmem:s8+$0xE100] =	vst v62  }
0x1d6: {  	s31 =	sadd.s32 s4, s0;
	s0 =	sor.u32 $0x100000, s0;
	[tilespmem:s8+$0xC100] =	vst v63  }
0x1d7: {  	[hbm4b:s31+s5] =	stream.linear.scatter [tilespmem:s23], [sflag:$0x8], $0x2000, $0x38;
	[tilespmem:$0x10000] =	vst v63  }
0x1d8: {  	s0 =	sadd.s32 s4, s0  }
0x1d9: {  	[hbm4b:s0+s5] =	stream.linear.scatter [tilespmem:s24], [sflag:$0x8], $0x2000, $0x38;
	[tilespmem:$0x10000] =	vst v63  }
0x1da: {  	_ =	swait.ge [sflag:s29], $0x2000  }
.Ltmp6:
0x1db: {  	[sflag:s29] =	ssyncset.done $0x0;
	(pc) =	sbr.rel @p0 .LBB2_12-.Ltmp6, $4  }
0x1dc: {  	[sflag:s29] =	ssyncadd.s32 $0xFFFFE000  }
0x1dd: {  	_ =	swait.ge [sflag:s29], $0x2000  }
0x1de: {  	[sflag:s29] =	ssyncset.done $0x0  }
0x1df: {  	[sflag:s29] =	ssyncadd.s32 $0xFFFFE000  }
0x1e0: {  	s0 =	sshll.u32 s2, $0xC  }
.Ltmp7:
0x1e1: {  	s0 =	sadd.s32 s0, s14;
	(pc) =	sbr.rel .LBB2_2-.Ltmp7, $4  }
0x1e2: {  	s7 =	sadd.s32 s1, s0  }
0x1e3: {  	[tilespmem:s17], [sflag:$0x2] =	stream.linear.gather [hbm4b:s7+s5], $0x2000, $0x38;
	[tilespmem:$0x10000] =	vst v63  }
0x1e4: {  	s2 =	sadd.s32 $0x1, s2;
	s0 =	sadd.s32 s3, s0  }
0x1e5: {  	[tilespmem:s18], [sflag:$0x2] =	stream.linear.gather [hbm4b:s0+s5], $0x2000, $0x38;
	[tilespmem:$0x10000] =	vst v63  }
.LBB2_13:
0x1e6: {  	_ =	sfence.sel $0x180000  }
0x1e7: {  	[bflag:$0x0] =	sbarrier.arrive $0xFFFF  }
0x1e8: {  	_ =	strace $0x90000047  }
0x1e9: {  	s0 =	stileid.u32;
	[bflag:$0x2] =	sbarrier.arrive $0xFFFF  }
0x1ea: {  	p0 =	sne.s32 s0, $0x0;
	s0 =	rddreg [dreg:$0x3]  }
0x1eb: {  	s0 =	sadd.s32 @!p0 $0x100000, s0  }
0x1ec: {  	[sflag:s0] =	ssyncadd.tile.s32 @!p0 $0x1;
	_ =	shalt  }
.Lfunc_end2:
_tile_overlayer_lowered:
.L_overlay_start_2:
0x1ed: {  	(tag) =	ssettag $0x2  }
0x1ee: {  	s0 =	rddreg [dreg:$0x0];
	s2 =	stileid.u32  }
0x1ef: {  	s1 =	rddreg [dreg:$0x1];
	p0 =	sne.s32 s2, $0x0  }
0x1f0: {  	s3 =	rddreg [dreg:$0x2];
	[bflag:$0x3] =	sbarrier.arrive $0xFFFF;
	s2 =	simm.s32 @!p0 $0x1C09  }
0x1f1: {  	[timem:s3], [sflag:s2] =	dma.local @!p0 [hbm:s0], s1  }
0x1f2: {  	s0 =	simm.s32 @!p0 $0x9  }
0x1f3: {  	_ =	swait.ge @!p0 [sflag:s0], s1  }
0x1f4: {  	s1 =	ssub.s32 @!p0 $0x0, s1;
	[sflag:s0] =	ssyncset.done @!p0 $0x0  }
0x1f5: {  	[sflag:s0] =	ssyncadd.s32 @!p0 s1  }
0x1f6: {  	[bflag:$0x3] =	sbarrier.arrive $0xFFFF  }
0x1f7: {  	_ =	shalt  }

</sc_bundles>
